<compile_context>
chip_gen: v7x
topology: tpu7x:2x2x1
jax: 0.10.2.dev20260603
libtpu: 0.0.44.dev20260713+nightly
codegen_flags: <defaults>
</compile_context>

<pallas_src>
import functools

import jax
import jax.numpy as jnp
import numpy as np
from jax import lax
from jax.experimental import pallas as pl
from jax.experimental.pallas import tpu as pltpu
from jax.experimental.pallas import tpu_sc as plsc

_F32 = jnp.float32
_BIG = 1e30
_SQ = float(np.sqrt(np.float32(1.0 + 1e-5)))


def _bnrelu(A, g_ref, bt_ref):
    return jnp.maximum(A / _SQ * g_ref[...] + bt_ref[...], 0.0)


def _dot(a, b):
    return jnp.dot(a, b, preferred_element_type=_F32)


def _fps_body(x_ref, y_ref, z_ref, cx_ref, cy_ref, cz_ref, *, npoint):
    X = x_ref[...]
    Y = y_ref[...]
    Z = z_ref[...]
    B, N = X.shape
    jidx = lax.broadcasted_iota(jnp.int32, (B, N), 1)
    tlane = lax.broadcasted_iota(jnp.int32, (B, npoint), 1)

    def step(t, carry):
        dist, far, CX, CY, CZ = carry
        onehot = jidx == far
        cx = jnp.sum(jnp.where(onehot, X, 0.0), axis=1, keepdims=True)
        cy = jnp.sum(jnp.where(onehot, Y, 0.0), axis=1, keepdims=True)
        cz = jnp.sum(jnp.where(onehot, Z, 0.0), axis=1, keepdims=True)
        sel = tlane == t
        CX = jnp.where(sel, cx, CX)
        CY = jnp.where(sel, cy, CY)
        CZ = jnp.where(sel, cz, CZ)
        d = (X - cx) ** 2 + (Y - cy) ** 2 + (Z - cz) ** 2
        dist = jnp.minimum(dist, d)
        m = jnp.max(dist, axis=1, keepdims=True)
        far = jnp.min(jnp.where(dist == m, jidx, N), axis=1, keepdims=True)
        return dist, far, CX, CY, CZ

    init = (
        jnp.full((B, N), 1e10, _F32),
        jnp.zeros((B, 1), jnp.int32),
        jnp.zeros((B, npoint), _F32),
        jnp.zeros((B, npoint), _F32),
        jnp.zeros((B, npoint), _F32),
    )
    _, _, CX, CY, CZ = lax.fori_loop(0, npoint, step, init)
    cx_ref[...] = CX
    cy_ref[...] = CY
    cz_ref[...] = CZ


def _fps(X, Y, Z, npoint):
    B, N = X.shape
    out = jax.ShapeDtypeStruct((B, npoint), _F32)
    return pl.pallas_call(
        functools.partial(_fps_body, npoint=npoint),
        out_shape=(out, out, out),
    )(X, Y, Z)


def _bq_body(p3_ref, c_ref, idx_ref, *, ns, r2, N):
    b = pl.program_id(0)
    P3 = p3_ref[0]
    C = c_ref[...]
    SB = C.shape[0]
    pp2 = jnp.sum(P3 * P3, axis=0, keepdims=True)
    cc2 = jnp.sum(C * C, axis=1, keepdims=True)
    cross = _dot(C, P3)
    d2 = (cc2 + pp2) - 2.0 * cross
    jidx = lax.broadcasted_iota(jnp.int32, (SB, N), 1)
    klane = lax.broadcasted_iota(jnp.int32, (SB, ns), 1)
    work0 = jnp.where(d2 <= r2, jidx, N)

    def step(k, carry):
        work, IDX = carry
        cur = jnp.min(work, axis=1, keepdims=True)
        IDX = jnp.where(klane == k, cur, IDX)
        work = jnp.where(work == cur, N, work)
        return work, IDX

    _, IDX = lax.fori_loop(0, ns, step, (work0, jnp.full((SB, ns), N, jnp.int32)))
    first = IDX[:, 0:1]
    IDX = jnp.where(IDX < N, IDX, first)
    idx_ref[0] = IDX + b * N


def _ball_query(P3, Cf, S, ns, radius, sblk):
    B = P3.shape[0]
    N = P3.shape[2]
    nsc = S // sblk
    grid = (B, nsc)
    return pl.pallas_call(
        functools.partial(_bq_body, ns=ns, r2=np.float32(radius * radius), N=N),
        grid=grid,
        in_specs=[
            pl.BlockSpec((1, 3, N), lambda b, s: (b, 0, 0)),
            pl.BlockSpec((sblk, 3), lambda b, s: (b * nsc + s, 0)),
        ],
        out_specs=pl.BlockSpec((1, sblk, ns), lambda b, s: (b, s, 0)),
        out_shape=jax.ShapeDtypeStruct((B, S, ns), jnp.int32),
    )(P3, Cf)


def _sc_gather(table, idx, tc_tiling=True):
    V, D = table.shape
    Bi = idx.shape[0]
    info = plsc.get_sparse_core_info()
    NC, NS = info.num_cores, info.num_subcores
    NW = NC * NS
    CH = 128
    per_w = Bi // NW
    n_iter = per_w // CH
    mesh = plsc.VectorSubcoreMesh(core_axis_name="c", subcore_axis_name="s")

    @functools.partial(
        pl.kernel,
        mesh=mesh,
        compiler_params=pltpu.CompilerParams(use_tc_tiling_on_sc=tc_tiling),
        out_type=jax.ShapeDtypeStruct((Bi, D), _F32),
        scratch_types=[
            pltpu.VMEM((2, CH), jnp.int32),
            pltpu.VMEM((2, CH, D), _F32),
            pltpu.SemaphoreType.DMA,
            pltpu.SemaphoreType.DMA,
        ],
    )
    def k(table_hbm, idx_hbm, out_hbm, idx_v, rows_v, sem0, sem1):
        wid = lax.axis_index("s") * NC + lax.axis_index("c")
        base = wid * per_w
        sems = (sem0, sem1)

        def fetch(c, j):
            off = pl.multiple_of(base + c * CH, CH)
            pltpu.sync_copy(idx_hbm.at[pl.ds(off, CH)], idx_v.at[j])
            pltpu.async_copy(table_hbm.at[idx_v.at[j]], rows_v.at[j], sems[j])

        fetch(0, 0)

        def body(i, carry):
            for j in range(2):
                c = 2 * i + j

                @pl.when(c + 1 < n_iter)
                def _():
                    fetch(c + 1, 1 - j)

                pltpu.make_async_copy(
                    table_hbm.at[idx_v.at[j]], rows_v.at[j], sems[j]).wait()
                off = pl.multiple_of(base + c * CH, CH)
                pltpu.sync_copy(rows_v.at[j], out_hbm.at[pl.ds(off, CH)])
            return carry

        lax.fori_loop(0, n_iter // 2, body, 0)

    return k(table, idx)


def _sagroup_body(g_ref, c_ref, w1_ref, b1_ref, g1_ref, bt1_ref,
                  w2_ref, b2_ref, g2_ref, bt2_ref,
                  w3_ref, b3_ref, g3_ref, bt3_ref, out_ref,
                  *, ns, pw, co):
    G = g_ref[...]
    C = c_ref[...]
    RB = C.shape[0]
    crep = jnp.broadcast_to(C[:, None, :], (RB, ns, 3)).reshape(RB * ns, 3)
    rel = G[:, co:co + 3] - crep
    feat = jnp.concatenate([rel, G[:, 0:pw]], axis=1)
    A = _bnrelu(_dot(feat, w1_ref[...]) + b1_ref[...], g1_ref, bt1_ref)
    A = _bnrelu(_dot(A, w2_ref[...]) + b2_ref[...], g2_ref, bt2_ref)
    A = _bnrelu(_dot(A, w3_ref[...]) + b3_ref[...], g3_ref, bt3_ref)
    C3 = A.shape[1]
    out_ref[...] = jnp.max(A.reshape(RB, ns, C3), axis=1)


def _sa_group(G, C, layers, ns, rb, pw, co):
    S = C.shape[0]
    D = G.shape[1]
    (W1, b1, g1, bt1), (W2, b2, g2, bt2), (W3, b3, g3, bt3) = layers
    w1 = W1.T
    w2 = W2.T
    w3 = W3.T
    C3 = W3.shape[0]
    grid = (S // rb,)
    cst = lambda a: pl.BlockSpec(a.shape, lambda i: (0, 0))
    row = lambda a: pl.BlockSpec((1, a.shape[0]), lambda i: (0, 0))
    args = [G, C, w1, b1, g1, bt1, w2, b2, g2, bt2, w3, b3, g3, bt3]
    in_specs = [
        pl.BlockSpec((rb * ns, D), lambda i: (i, 0)),
        pl.BlockSpec((rb, 3), lambda i: (i, 0)),
        cst(w1), row(b1), row(g1), row(bt1),
        cst(w2), row(b2), row(g2), row(bt2),
        cst(w3), row(b3), row(g3), row(bt3),
    ]
    args = [a if a.ndim > 1 else a.reshape(1, -1) for a in args]
    return pl.pallas_call(
        functools.partial(_sagroup_body, ns=ns, pw=pw, co=co),
        grid=grid,
        in_specs=in_specs,
        out_specs=pl.BlockSpec((rb, C3), lambda i: (i, 0)),
        out_shape=jax.ShapeDtypeStruct((S, C3), _F32),
    )(*args)


def _sa3_body(x_ref, *rest, npts):
    A = x_ref[...]
    refs = rest[:-1]
    o_ref = rest[-1]
    for li in range(3):
        w_ref, b_ref, g_ref, bt_ref = refs[4 * li:4 * li + 4]
        A = _bnrelu(_dot(A, w_ref[...]) + b_ref[...], g_ref, bt_ref)
    R, Cc = A.shape
    o_ref[...] = jnp.max(A.reshape(R // npts, npts, Cc), axis=1)


def _sa3(x, layers, npts, rb):
    M = x.shape[0]
    C = layers[-1][0].shape[0]
    grid = (M // rb,)
    cst = lambda a: pl.BlockSpec(a.shape, lambda i: (0, 0))
    in_specs = [pl.BlockSpec((rb, x.shape[1]), lambda i: (i, 0))]
    args = [x]
    for (W, b, g, bt) in layers:
        wt = W.T
        in_specs += [cst(wt)] + [pl.BlockSpec((1, W.shape[0]), lambda i: (0, 0))] * 3
        args += [wt, b.reshape(1, -1), g.reshape(1, -1), bt.reshape(1, -1)]
    return pl.pallas_call(
        functools.partial(_sa3_body, npts=npts),
        grid=grid,
        in_specs=in_specs,
        out_specs=pl.BlockSpec((rb // npts, C), lambda i: (i, 0)),
        out_shape=jax.ShapeDtypeStruct((M // npts, C), _F32),
    )(*args)


def _fp3_body(x1_ref, l3_ref, w1_ref, b1_ref, g1_ref, bt1_ref,
              w2_ref, b2_ref, g2_ref, bt2_ref, o_ref):
    x1 = x1_ref[...]
    l3 = jnp.broadcast_to(l3_ref[0], (x1.shape[0], l3_ref.shape[2]))
    feat = jnp.concatenate([x1, l3], axis=1)
    A = _bnrelu(_dot(feat, w1_ref[...]) + b1_ref[...], g1_ref, bt1_ref)
    o_ref[...] = _bnrelu(_dot(A, w2_ref[...]) + b2_ref[...], g2_ref, bt2_ref)


def _fp3(x1, l3, layers, rb):
    (W1, b1, g1, bt1), (W2, b2, g2, bt2) = layers
    M = x1.shape[0]
    grid = (M // rb,)
    cst = lambda a: pl.BlockSpec(a.shape, lambda b: (0, 0))
    rowv = lambda n: pl.BlockSpec((1, n), lambda b: (0, 0))
    return pl.pallas_call(
        _fp3_body,
        grid=grid,
        in_specs=[
            pl.BlockSpec((rb, x1.shape[1]), lambda b: (b, 0)),
            pl.BlockSpec((1, 1, l3.shape[1]), lambda b: (b, 0, 0)),
            cst(W1.T), rowv(W1.shape[0]), rowv(W1.shape[0]), rowv(W1.shape[0]),
            cst(W2.T), rowv(W2.shape[0]), rowv(W2.shape[0]), rowv(W2.shape[0]),
        ],
        out_specs=pl.BlockSpec((rb, W2.shape[0]), lambda b: (b, 0)),
        out_shape=jax.ShapeDtypeStruct((M, W2.shape[0]), _F32),
    )(x1, l3.reshape(l3.shape[0], 1, l3.shape[1]), W1.T,
      b1.reshape(1, -1), g1.reshape(1, -1), bt1.reshape(1, -1),
      W2.T, b2.reshape(1, -1), g2.reshape(1, -1), bt2.reshape(1, -1))


def _fp_body(qc_ref, s3_ref, p1_ref, ps_ref,
             w1_ref, b1_ref, g1_ref, bt1_ref, rest_refs, o_ref,
             *, flags, dup_xyz):
    QC = qc_ref[...]
    S3 = s3_ref[0]
    NQ = QC.shape[0]
    NS = S3.shape[1]
    qq2 = jnp.sum(QC * QC, axis=1, keepdims=True)
    ss2 = jnp.sum(S3 * S3, axis=0, keepdims=True)
    cross = _dot(QC, S3)
    d2 = (qq2 + ss2) - 2.0 * cross
    jidx = lax.broadcasted_iota(jnp.int32, (NQ, NS), 1)

    work = d2
    ids = []
    ds = []
    for _ in range(3):
        m = jnp.min(work, axis=1, keepdims=True)
        i = jnp.min(jnp.where(work == m, jidx, NS), axis=1, keepdims=True)
        ids.append(i)
        ds.append(m)
        work = jnp.where(jidx == i, _BIG, work)
    r1 = 1.0 / (ds[0] + 1e-8)
    r2 = 1.0 / (ds[1] + 1e-8)
    r3 = 1.0 / (ds[2] + 1e-8)
    s = r1 + r2 + r3
    Wmat = (
        jnp.where(jidx == ids[0], r1 / s, 0.0)
        + jnp.where(jidx == ids[1], r2 / s, 0.0)
        + jnp.where(jidx == ids[2], r3 / s, 0.0)
    )
    interp = jnp.dot(Wmat, ps_ref[...], precision=lax.Precision.HIGHEST,
                     preferred_element_type=_F32)
    p1 = p1_ref[...]
    if dup_xyz:
        feat = jnp.concatenate([p1, p1, interp], axis=1)
    else:
        feat = jnp.concatenate([p1, interp], axis=1)
    A = _bnrelu(_dot(feat, w1_ref[...]) + b1_ref[...], g1_ref, bt1_ref)
    for li, (has_bn, has_relu) in enumerate(flags):
        w_ref, b_ref, g_ref, bt_ref = rest_refs[4 * li:4 * li + 4]
        A = _dot(A, w_ref[...]) + b_ref[...]
        if has_bn:
            A = A / _SQ * g_ref[...] + bt_ref[...]
        if has_relu:
            A = jnp.maximum(A, 0.0)
    o_ref[...] = A


def _fp_stage(QC, S3, P1, PS, layer1, rest, qb):
    B = S3.shape[0]
    Ns = S3.shape[2]
    Nq = QC.shape[0] // B
    C1 = P1.shape[1]
    W1, b1, g1, bt1 = layer1
    nq_blocks = Nq // qb
    grid = (B, nq_blocks)
    cst = lambda a: pl.BlockSpec(a.shape, lambda b, q: (0, 0))
    rowv = lambda n: pl.BlockSpec((1, n), lambda b, q: (0, 0))
    qspec = lambda c: pl.BlockSpec((qb, c), lambda b, q: (b * nq_blocks + q, 0))
    in_specs = [qspec(3),
                pl.BlockSpec((1, 3, Ns), lambda b, q: (b, 0, 0)),
                qspec(C1),
                pl.BlockSpec((Ns, PS.shape[1]), lambda b, q: (b, 0)),
                cst(W1.T), rowv(W1.shape[0]), rowv(W1.shape[0]),
                rowv(W1.shape[0])]
    args = [QC, S3, P1, PS, W1.T, b1.reshape(1, -1),
            g1.reshape(1, -1), bt1.reshape(1, -1)]
    flags = []
    for (W, bb, g, bt, has_bn, has_relu) in rest:
        wt = W.T
        in_specs += [cst(wt), rowv(W.shape[0]), rowv(W.shape[0]), rowv(W.shape[0])]
        args += [wt, bb.reshape(1, -1), g.reshape(1, -1), bt.reshape(1, -1)]
        flags.append((has_bn, has_relu))
    Cout = rest[-1][0].shape[0]

    def body(*refs):
        _fp_body(*refs[:8], refs[8:-1], refs[-1], flags=tuple(flags),
                 dup_xyz=(C1 == 3))

    return pl.pallas_call(
        body,
        grid=grid,
        in_specs=in_specs,
        out_specs=pl.BlockSpec((qb, Cout), lambda b, q: (b * nq_blocks + q, 0)),
        out_shape=jax.ShapeDtypeStruct((B * Nq, Cout), _F32),
    )(*args)


def _flat3(CX, CY, CZ):
    return jnp.stack([CX, CY, CZ], axis=-1).reshape(-1, 3)


def kernel(xyz, params):
    B, N, _ = xyz.shape
    X, Y, Z = xyz[..., 0], xyz[..., 1], xyz[..., 2]
    ones = lambda c: (jnp.zeros((c,), _F32), jnp.ones((c,), _F32),
                      jnp.zeros((c,), _F32))

    P3 = jnp.transpose(xyz, (0, 2, 1))

    CX1, CY1, CZ1 = _fps(X, Y, Z, 512)
    c1f = _flat3(CX1, CY1, CZ1)
    idx1 = _ball_query(P3, c1f, 512, 32, 0.2, 128)
    T1 = jnp.pad(xyz.reshape(-1, 3), ((0, 0), (0, 125)))
    G1 = _sc_gather(T1, idx1.reshape(-1))
    l1p = _sa_group(G1, c1f, params['sa1'], 32, 128, pw=3, co=0)

    C1_3 = jnp.stack([CX1, CY1, CZ1], axis=1)
    CX2, CY2, CZ2 = _fps(CX1, CY1, CZ1, 128)
    c2f = _flat3(CX2, CY2, CZ2)
    idx2 = _ball_query(C1_3, c2f, 128, 64, 0.4, 128)
    T2 = jnp.concatenate(
        [l1p, c1f, jnp.zeros((c1f.shape[0], 125), _F32)], axis=1)
    G2 = _sc_gather(T2, idx2.reshape(-1))
    l2p = _sa_group(G2, c2f, params['sa2'], 64, 64, pw=128, co=128)

    x3 = jnp.concatenate([c2f, l2p], axis=1)
    l3 = _sa3(x3, params['sa3'], 128, 1024)

    l2p_new = _fp3(l2p, l3, params['fp3'], 128)

    (Wf1, bf1, gf1, btf1), (Wf2, bf2, gf2, btf2) = params['fp2']
    C2_3 = jnp.stack([CX2, CY2, CZ2], axis=1)
    l1p_new = _fp_stage(
        c1f, C2_3, l1p, l2p_new,
        (Wf1, bf1, gf1, btf1),
        [(Wf2, bf2, gf2, btf2, True, True)],
        qb=512,
    )

    fp1 = params['fp1']
    Wc1, bc1, gc1, btc1 = params['conv1']
    Wc2, bc2 = params['conv2']
    one1 = ones(Wc2.shape[0])
    rest = [
        (fp1[1][0], fp1[1][1], fp1[1][2], fp1[1][3], True, True),
        (fp1[2][0], fp1[2][1], fp1[2][2], fp1[2][3], True, True),
        (Wc1, bc1, gc1, btc1, True, True),
        (Wc2, bc2, one1[1], one1[0], False, False),
    ]
    out = _fp_stage(
        xyz.reshape(-1, 3), C1_3, xyz.reshape(-1, 3), l1p_new,
        (fp1[0][0], fp1[0][1], fp1[0][2], fp1[0][3]),
        rest,
        qb=1024,
    )
    return out.reshape(B, N, -1)

# --- scband reference (transcript-rebuilt; emitter-appended) ---
"""Pipeline reference for scband-point-net2-25005299598071 (READ-ONLY COPY).

The authoritative reference and input builder live on the scoring server;
editing this copy changes nothing except your own understanding.
"""

import jax, jax.numpy as jnp
import numpy as np

EPS_BN = 1e-5


def square_distance(src, dst):
    return (jnp.sum(src ** 2, -1)[:, :, None] + jnp.sum(dst ** 2, -1)[:, None, :]
            - 2.0 * jnp.einsum('bmc,bnc->bmn', src, dst))


def index_points(points, idx):
    B = points.shape[0]
    batch = jnp.arange(B).reshape((B,) + (1,) * (idx.ndim - 1))
    return points[batch, idx]


def farthest_point_sample(xyz, npoint):
    B, N, _ = xyz.shape

    def step(state, _):
        distance, farthest = state
        centroid = index_points(xyz, farthest[:, None])  # [B,1,3]
        dist = jnp.sum((xyz - centroid) ** 2, -1)
        distance = jnp.minimum(distance, dist)
        nxt = jnp.argmax(distance, -1).astype(jnp.int32)
        return (distance, nxt), farthest

    init = (jnp.full((B, N), 1e10, dtype=xyz.dtype), jnp.zeros((B,), dtype=jnp.int32))
    _, idxs = jax.lax.scan(step, init, None, length=npoint)
    return jnp.transpose(idxs)  # [B, npoint]


def query_ball_point(radius, nsample, xyz, new_xyz):
    B, N, _ = xyz.shape
    S = new_xyz.shape[1]
    sqrdists = square_distance(new_xyz, xyz)
    group_idx = jnp.broadcast_to(jnp.arange(N, dtype=jnp.int32), (B, S, N))
    group_idx = jnp.where(sqrdists > radius ** 2, N, group_idx)
    group_idx = jnp.sort(group_idx, axis=-1)[:, :, :nsample]
    group_first = group_idx[:, :, :1]
    return jnp.where(group_idx == N, group_first, group_idx)


def bn_relu_mlp(x, layers):
    # 1x1 conv + BatchNorm (eval mode: running_mean=0, running_var=1) + ReLU
    for W, b, g, bt in layers:
        x = x @ W.T + b
        x = x / jnp.sqrt(1.0 + EPS_BN) * g + bt
        x = jax.nn.relu(x)
    return x


def sa_layer(xyz, points, npoint, radius, nsample, layers, group_all):
    B = xyz.shape[0]
    if group_all:
        new_xyz = jnp.zeros((B, 1, 3), dtype=xyz.dtype)
        new_points = jnp.concatenate([xyz[:, None], points[:, None]], -1)
    else:
        fps_idx = farthest_point_sample(xyz, npoint)
        new_xyz = index_points(xyz, fps_idx)
        idx = query_ball_point(radius, nsample, xyz, new_xyz)
        grouped_xyz = index_points(xyz, idx) - new_xyz[:, :, None, :]
        new_points = jnp.concatenate([grouped_xyz, index_points(points, idx)], -1)
    x = bn_relu_mlp(new_points, layers)
    return new_xyz, jnp.max(x, axis=2)


def fp_layer(xyz1, xyz2, points1, points2, layers):
    B, N, _ = xyz1.shape
    S = xyz2.shape[1]
    if S == 1:
        interpolated = jnp.broadcast_to(points2, (B, N, points2.shape[-1]))
    else:
        dists = square_distance(xyz1, xyz2)
        idx = jnp.argsort(dists, axis=-1)[:, :, :3]
        d = jnp.take_along_axis(dists, idx, axis=-1)
        dist_recip = 1.0 / (d + 1e-8)
        weight = dist_recip / jnp.sum(dist_recip, axis=2, keepdims=True)
        interpolated = jnp.sum(index_points(points2, idx) * weight[..., None], axis=2)
    new_points = interpolated if points1 is None else jnp.concatenate([points1, interpolated], -1)
    return bn_relu_mlp(new_points, layers)


def pointnet2_forward(xyz, params):
    l0_xyz = xyz
    l0_points = xyz
    l1_xyz, l1_points = sa_layer(l0_xyz, l0_points, 512, 0.2, 32, params['sa1'], False)
    l2_xyz, l2_points = sa_layer(l1_xyz, l1_points, 128, 0.4, 64, params['sa2'], False)
    l3_xyz, l3_points = sa_layer(l2_xyz, l2_points, None, None, None, params['sa3'], True)
    l2_points = fp_layer(l2_xyz, l3_xyz, l2_points, l3_points, params['fp3'])
    l1_points = fp_layer(l1_xyz, l2_xyz, l1_points, l2_points, params['fp2'])
    l0_points = fp_layer(l0_xyz, l1_xyz, jnp.concatenate([l0_xyz, l0_points], -1), l1_points, params['fp1'])
    W, b, g, bt = params['conv1']
    feat = jax.nn.relu((l0_points @ W.T + b) / jnp.sqrt(1.0 + EPS_BN) * g + bt)
    # dropout is identity in eval mode
    W2, b2 = params['conv2']
    return feat @ W2.T + b2  # [B, N, feature_dim]


def _make_mlp(key, in_c, channels):
    layers = []
    for c in channels:
        key, k1 = jax.random.split(key)
        W = jax.random.normal(k1, (c, in_c), dtype=jnp.float32) * (1.0 / np.sqrt(in_c))
        layers.append((W, jnp.zeros((c,), jnp.float32), jnp.ones((c,), jnp.float32), jnp.zeros((c,), jnp.float32)))
        in_c = c
    return key, layers


def setup_inputs(seed: int = 0):
    key = jax.random.key(seed)
    key, kx = jax.random.split(key)
    xyz = jax.random.uniform(kx, (16, 2048, 3), dtype=jnp.float32)
    params = {}
    key, params['sa1'] = _make_mlp(key, 6, [64, 64, 128])
    key, params['sa2'] = _make_mlp(key, 131, [128, 128, 256])
    key, params['sa3'] = _make_mlp(key, 259, [256, 512, 1024])
    key, params['fp3'] = _make_mlp(key, 1280, [256, 256])
    key, params['fp2'] = _make_mlp(key, 384, [256, 128])
    key, params['fp1'] = _make_mlp(key, 134, [128, 128, 128])
    key, k1 = jax.random.split(key)
    Wc1 = jax.random.normal(k1, (128, 128), jnp.float32) * (1.0 / np.sqrt(128))
    params['conv1'] = (Wc1, jnp.zeros((128,), jnp.float32), jnp.ones((128,), jnp.float32), jnp.zeros((128,), jnp.float32))
    key, k2 = jax.random.split(key)
    Wc2 = jax.random.normal(k2, (128, 128), jnp.float32) * (1.0 / np.sqrt(128))
    params['conv2'] = (Wc2, jnp.zeros((128,), jnp.float32))
    return {'xyz': xyz, 'params': params}


def reference(xyz, params):
    return pointnet2_forward(xyz, params)

if __name__ == "__main__":
    import jax
    _d = setup_inputs()
    print(jax.jit(kernel)(*tuple(_d.values())))

</pallas_src>

<mosaic_0001>
#map = affine_map<(d0, d1) -> (0, 0)>
#map1 = affine_map<(d0, d1) -> (0)>
module attributes {stable_mosaic.version = 14 : i64} {
  func.func @k(%arg0: i32, %arg1: i32, %arg2: memref<8192x256xf32, #tpu.memory_space<hbm>>, %arg3: memref<131072xi32, #tpu.memory_space<hbm>>, %arg4: memref<131072x256xf32, #tpu.memory_space<hbm>>, %arg5: memref<2x128xi32, #tpu.memory_space<vmem>>, %arg6: memref<2x128x256xf32, #tpu.memory_space<vmem>>, %arg7: memref<!tpu.dma_semaphore, #tpu.memory_space<semaphore_mem>>, %arg8: memref<!tpu.dma_semaphore, #tpu.memory_space<semaphore_mem>>) attributes {dimension_semantics = [#tpu.dimension_semantics<core_parallel>, #tpu.dimension_semantics<subcore_parallel>], iteration_bounds = array<i64: 2, 16>, scalar_prefetch = 0 : i64, scratch_operands = 4 : i64, tpu.core_type = #tpu.core_type<sc_vector_subcore>, window_params = [{transform_indices = #map}, {transform_indices = #map1}, {transform_indices = #map}]} {
    %mul3A = arith.constant 2 : i32
    %mul3A_0 = arith.muli %arg1, %mul3A : i32
    %add3A = arith.addi %mul3A_0, %arg0 : i32
    %mul3A_1 = arith.constant 4096 : i32
    %mul3A_2 = arith.muli %add3A, %mul3A_1 : i32
    %add3A_3 = arith.constant 0 : i32
    %add3A_4 = arith.addi %mul3A_2, %add3A_3 : i32
    %multiple_of3A = tpu.assume_multiple %add3A_4, 128 : i32
    %run_scoped3A = arith.constant 0 : i32
    "tpu.region"() ({
      %run_scoped3A_21 = tpu.sem_alloc : memref<!tpu.dma_semaphore, #tpu.memory_space<semaphore_mem>>
      %dma_start3A_22 = arith.constant 0 : i32
      %dma_start3A_23 = tpu.memref_slice %arg5[%run_scoped3A, %dma_start3A_22] : memref<2x128xi32, #tpu.memory_space<vmem>> -> memref<1x128xi32, #tpu.memory_space<vmem>>
      %dma_start3A_24 = tpu.memref_squeeze %dma_start3A_23 : memref<1x128xi32, #tpu.memory_space<vmem>> -> memref<128xi32, #tpu.memory_space<vmem>>
      %dma_start3A_25 = tpu.memref_slice %arg3[%multiple_of3A] : memref<131072xi32, #tpu.memory_space<hbm>> -> memref<128xi32, #tpu.memory_space<hbm>>
      %dma_start3A_26 = arith.constant 0 : i32
      %dma_start3A_27 = tpu.memref_slice %arg5[%run_scoped3A, %dma_start3A_26] : memref<2x128xi32, #tpu.memory_space<vmem>> -> memref<1x128xi32, #tpu.memory_space<vmem>>
      %dma_start3A_28 = tpu.memref_squeeze %dma_start3A_27 : memref<1x128xi32, #tpu.memory_space<vmem>> -> memref<128xi32, #tpu.memory_space<vmem>>
      %dma_start3A_29 = tpu.memref_slice %arg3[%multiple_of3A] : memref<131072xi32, #tpu.memory_space<hbm>> -> memref<128xi32, #tpu.memory_space<hbm>>
      tpu.enqueue_dma source(%dma_start3A_29 : memref<128xi32, #tpu.memory_space<hbm>>) target(%dma_start3A_28 : memref<128xi32, #tpu.memory_space<vmem>>) target_semaphore(%run_scoped3A_21 : memref<!tpu.dma_semaphore, #tpu.memory_space<semaphore_mem>>)
      %dma_wait3A = arith.constant 0 : i32
      %dma_wait3A_30 = tpu.memref_slice %arg5[%run_scoped3A, %dma_wait3A] : memref<2x128xi32, #tpu.memory_space<vmem>> -> memref<1x128xi32, #tpu.memory_space<vmem>>
      %dma_wait3A_31 = tpu.memref_squeeze %dma_wait3A_30 : memref<1x128xi32, #tpu.memory_space<vmem>> -> memref<128xi32, #tpu.memory_space<vmem>>
      %dma_wait3A_32 = tpu.memref_slice %arg3[%multiple_of3A] : memref<131072xi32, #tpu.memory_space<hbm>> -> memref<128xi32, #tpu.memory_space<hbm>>
      %dma_wait3A_33 = arith.constant 0 : i32
      %dma_wait3A_34 = tpu.memref_slice %arg5[%run_scoped3A, %dma_wait3A_33] : memref<2x128xi32, #tpu.memory_space<vmem>> -> memref<1x128xi32, #tpu.memory_space<vmem>>
      %dma_wait3A_35 = tpu.memref_squeeze %dma_wait3A_34 : memref<1x128xi32, #tpu.memory_space<vmem>> -> memref<128xi32, #tpu.memory_space<vmem>>
      %dma_wait3A_36 = tpu.memref_slice %arg3[%multiple_of3A] : memref<131072xi32, #tpu.memory_space<hbm>> -> memref<128xi32, #tpu.memory_space<hbm>>
      tpu.wait_dma2 semaphore(%run_scoped3A_21 : memref<!tpu.dma_semaphore, #tpu.memory_space<semaphore_mem>>) src(%dma_wait3A_36 : memref<128xi32, #tpu.memory_space<hbm>>) dst(%dma_wait3A_35 : memref<128xi32, #tpu.memory_space<vmem>>)
      tpu.yield
    }) : () -> ()
    %dma_start3A = arith.constant 0 : i32
    %dma_start3A_5 = arith.constant 0 : i32
    %dma_start3A_6 = arith.constant 0 : i32
    %dma_start3A_7 = arith.constant 0 : i32
    %dma_start3A_8 = tpu.memref_slice %arg6[%dma_start3A_5, %dma_start3A_6, %dma_start3A_7] : memref<2x128x256xf32, #tpu.memory_space<vmem>> -> memref<1x128x256xf32, #tpu.memory_space<vmem>>
    %dma_start3A_9 = tpu.memref_squeeze %dma_start3A_8 : memref<1x128x256xf32, #tpu.memory_space<vmem>> -> memref<128x256xf32, #tpu.memory_space<vmem>>
    %dma_start3A_10 = arith.constant 0 : i32
    %dma_start3A_11 = tpu.memref_slice %arg5[%dma_start3A, %dma_start3A_10] : memref<2x128xi32, #tpu.memory_space<vmem>> -> memref<1x128xi32, #tpu.memory_space<vmem>>
    %dma_start3A_12 = tpu.memref_squeeze %dma_start3A_11 : memref<1x128xi32, #tpu.memory_space<vmem>> -> memref<128xi32, #tpu.memory_space<vmem>>
    %dma_start3A_13 = arith.constant 0 : i32
    %dma_start3A_14 = arith.constant 0 : i32
    %dma_start3A_15 = tpu.memref_slice %arg2[%dma_start3A_13, %dma_start3A_14] : memref<8192x256xf32, #tpu.memory_space<hbm>> -> memref<8192x256xf32, #tpu.memory_space<hbm>>
    tpu.enqueue_indirect_dma source(%dma_start3A_15 : memref<8192x256xf32, #tpu.memory_space<hbm>>) target(%dma_start3A_9 : memref<128x256xf32, #tpu.memory_space<vmem>>) offsets(%dma_start3A_12 : memref<128xi32, #tpu.memory_space<vmem>>) semaphore(%arg7 : memref<!tpu.dma_semaphore, #tpu.memory_space<semaphore_mem>>)
    %scan3A = arith.constant 0 : i32
    %scan3A_16 = arith.constant 0 : i32
    %scan3A_17 = arith.constant 16 : i32
    %scan3A_18 = arith.addi %scan3A_16, %scan3A_17 : i32
    %scan3A_19 = arith.constant 1 : i32
    scf.for %scan3A_21 = %scan3A_16 to %scan3A_18 step %scan3A_19  : i32 {
      %mul3A_22 = arith.constant 2 : i32
      %mul3A_23 = arith.muli %mul3A_22, %scan3A_21 : i32
      %add3A_24 = arith.constant 0 : i32
      %add3A_25 = arith.addi %mul3A_23, %add3A_24 : i32
      %add3A_26 = arith.constant 1 : i32
      %add3A_27 = arith.addi %add3A_25, %add3A_26 : i32
      %lt3A = arith.constant 32 : i32
      %lt3A_28 = arith.cmpi slt, %add3A_27, %lt3A : i32
      %convert_element_type3A = arith.extui %lt3A_28 : i1 to i32
      %cond3A = arith.constant 0 : i32
      %cond3A_29 = arith.cmpi ne, %convert_element_type3A, %cond3A : i32
      scf.if %cond3A_29 {
        %add3A_74 = arith.constant 1 : i32
        %add3A_75 = arith.addi %add3A_25, %add3A_74 : i32
        %mul3A_76 = arith.constant 128 : i32
        %mul3A_77 = arith.muli %add3A_75, %mul3A_76 : i32
        %add3A_78 = arith.addi %mul3A_2, %mul3A_77 : i32
        %multiple_of3A_79 = tpu.assume_multiple %add3A_78, 128 : i32
        %run_scoped3A_80 = arith.constant 1 : i32
        "tpu.region"() ({
          %run_scoped3A_93 = tpu.sem_alloc : memref<!tpu.dma_semaphore, #tpu.memory_space<semaphore_mem>>
          %dma_start3A_94 = arith.constant 0 : i32
          %dma_start3A_95 = tpu.memref_slice %arg5[%run_scoped3A_80, %dma_start3A_94] : memref<2x128xi32, #tpu.memory_space<vmem>> -> memref<1x128xi32, #tpu.memory_space<vmem>>
          %dma_start3A_96 = tpu.memref_squeeze %dma_start3A_95 : memref<1x128xi32, #tpu.memory_space<vmem>> -> memref<128xi32, #tpu.memory_space<vmem>>
          %dma_start3A_97 = tpu.memref_slice %arg3[%multiple_of3A_79] : memref<131072xi32, #tpu.memory_space<hbm>> -> memref<128xi32, #tpu.memory_space<hbm>>
          %dma_start3A_98 = arith.constant 0 : i32
          %dma_start3A_99 = tpu.memref_slice %arg5[%run_scoped3A_80, %dma_start3A_98] : memref<2x128xi32, #tpu.memory_space<vmem>> -> memref<1x128xi32, #tpu.memory_space<vmem>>
          %dma_start3A_100 = tpu.memref_squeeze %dma_start3A_99 : memref<1x128xi32, #tpu.memory_space<vmem>> -> memref<128xi32, #tpu.memory_space<vmem>>
          %dma_start3A_101 = tpu.memref_slice %arg3[%multiple_of3A_79] : memref<131072xi32, #tpu.memory_space<hbm>> -> memref<128xi32, #tpu.memory_space<hbm>>
          tpu.enqueue_dma source(%dma_start3A_101 : memref<128xi32, #tpu.memory_space<hbm>>) target(%dma_start3A_100 : memref<128xi32, #tpu.memory_space<vmem>>) target_semaphore(%run_scoped3A_93 : memref<!tpu.dma_semaphore, #tpu.memory_space<semaphore_mem>>)
          %dma_wait3A_102 = arith.constant 0 : i32
          %dma_wait3A_103 = tpu.memref_slice %arg5[%run_scoped3A_80, %dma_wait3A_102] : memref<2x128xi32, #tpu.memory_space<vmem>> -> memref<1x128xi32, #tpu.memory_space<vmem>>
          %dma_wait3A_104 = tpu.memref_squeeze %dma_wait3A_103 : memref<1x128xi32, #tpu.memory_space<vmem>> -> memref<128xi32, #tpu.memory_space<vmem>>
          %dma_wait3A_105 = tpu.memref_slice %arg3[%multiple_of3A_79] : memref<131072xi32, #tpu.memory_space<hbm>> -> memref<128xi32, #tpu.memory_space<hbm>>
          %dma_wait3A_106 = arith.constant 0 : i32
          %dma_wait3A_107 = tpu.memref_slice %arg5[%run_scoped3A_80, %dma_wait3A_106] : memref<2x128xi32, #tpu.memory_space<vmem>> -> memref<1x128xi32, #tpu.memory_space<vmem>>
          %dma_wait3A_108 = tpu.memref_squeeze %dma_wait3A_107 : memref<1x128xi32, #tpu.memory_space<vmem>> -> memref<128xi32, #tpu.memory_space<vmem>>
          %dma_wait3A_109 = tpu.memref_slice %arg3[%multiple_of3A_79] : memref<131072xi32, #tpu.memory_space<hbm>> -> memref<128xi32, #tpu.memory_space<hbm>>
          tpu.wait_dma2 semaphore(%run_scoped3A_93 : memref<!tpu.dma_semaphore, #tpu.memory_space<semaphore_mem>>) src(%dma_wait3A_109 : memref<128xi32, #tpu.memory_space<hbm>>) dst(%dma_wait3A_108 : memref<128xi32, #tpu.memory_space<vmem>>)
          tpu.yield
        }) : () -> ()
        %dma_start3A_81 = arith.constant 1 : i32
        %dma_start3A_82 = arith.constant 1 : i32
        %dma_start3A_83 = arith.constant 0 : i32
        %dma_start3A_84 = arith.constant 0 : i32
        %dma_start3A_85 = tpu.memref_slice %arg6[%dma_start3A_82, %dma_start3A_83, %dma_start3A_84] : memref<2x128x256xf32, #tpu.memory_space<vmem>> -> memref<1x128x256xf32, #tpu.memory_space<vmem>>
        %dma_start3A_86 = tpu.memref_squeeze %dma_start3A_85 : memref<1x128x256xf32, #tpu.memory_space<vmem>> -> memref<128x256xf32, #tpu.memory_space<vmem>>
        %dma_start3A_87 = arith.constant 0 : i32
        %dma_start3A_88 = tpu.memref_slice %arg5[%dma_start3A_81, %dma_start3A_87] : memref<2x128xi32, #tpu.memory_space<vmem>> -> memref<1x128xi32, #tpu.memory_space<vmem>>
        %dma_start3A_89 = tpu.memref_squeeze %dma_start3A_88 : memref<1x128xi32, #tpu.memory_space<vmem>> -> memref<128xi32, #tpu.memory_space<vmem>>
        %dma_start3A_90 = arith.constant 0 : i32
        %dma_start3A_91 = arith.constant 0 : i32
        %dma_start3A_92 = tpu.memref_slice %arg2[%dma_start3A_90, %dma_start3A_91] : memref<8192x256xf32, #tpu.memory_space<hbm>> -> memref<8192x256xf32, #tpu.memory_space<hbm>>
        tpu.enqueue_indirect_dma source(%dma_start3A_92 : memref<8192x256xf32, #tpu.memory_space<hbm>>) target(%dma_start3A_86 : memref<128x256xf32, #tpu.memory_space<vmem>>) offsets(%dma_start3A_89 : memref<128xi32, #tpu.memory_space<vmem>>) semaphore(%arg8 : memref<!tpu.dma_semaphore, #tpu.memory_space<semaphore_mem>>)
      } else {
      }
      %dma_wait3A = arith.constant 0 : i32
      %dma_wait3A_30 = arith.constant 0 : i32
      %dma_wait3A_31 = arith.constant 0 : i32
      %dma_wait3A_32 = arith.constant 0 : i32
      %dma_wait3A_33 = tpu.memref_slice %arg6[%dma_wait3A_30, %dma_wait3A_31, %dma_wait3A_32] : memref<2x128x256xf32, #tpu.memory_space<vmem>> -> memref<1x128x256xf32, #tpu.memory_space<vmem>>
      %dma_wait3A_34 = tpu.memref_squeeze %dma_wait3A_33 : memref<1x128x256xf32, #tpu.memory_space<vmem>> -> memref<128x256xf32, #tpu.memory_space<vmem>>
      %dma_wait3A_35 = arith.constant 0 : i32
      %dma_wait3A_36 = tpu.memref_slice %arg5[%dma_wait3A, %dma_wait3A_35] : memref<2x128xi32, #tpu.memory_space<vmem>> -> memref<1x128xi32, #tpu.memory_space<vmem>>
      %dma_wait3A_37 = tpu.memref_squeeze %dma_wait3A_36 : memref<1x128xi32, #tpu.memory_space<vmem>> -> memref<128xi32, #tpu.memory_space<vmem>>
      %dma_wait3A_38 = arith.constant 0 : i32
      %dma_wait3A_39 = arith.constant 0 : i32
      %dma_wait3A_40 = tpu.memref_slice %arg2[%dma_wait3A_38, %dma_wait3A_39] : memref<8192x256xf32, #tpu.memory_space<hbm>> -> memref<8192x256xf32, #tpu.memory_space<hbm>>
      tpu.wait_indirect_dma semaphore(%arg7 : memref<!tpu.dma_semaphore, #tpu.memory_space<semaphore_mem>>) src(%dma_wait3A_40 : memref<8192x256xf32, #tpu.memory_space<hbm>>) dst(%dma_wait3A_34 : memref<128x256xf32, #tpu.memory_space<vmem>>)
      %mul3A_41 = arith.constant 128 : i32
      %mul3A_42 = arith.muli %add3A_25, %mul3A_41 : i32
      %add3A_43 = arith.addi %mul3A_2, %mul3A_42 : i32
      %multiple_of3A_44 = tpu.assume_multiple %add3A_43, 128 : i32
      %run_scoped3A_45 = arith.constant 0 : i32
      "tpu.region"() ({
        %run_scoped3A_74 = tpu.sem_alloc : memref<!tpu.dma_semaphore, #tpu.memory_space<semaphore_mem>>
        %dma_start3A_75 = arith.constant 0 : i32
        %dma_start3A_76 = arith.constant 0 : i32
        %dma_start3A_77 = tpu.memref_slice %arg6[%run_scoped3A_45, %dma_start3A_75, %dma_start3A_76] : memref<2x128x256xf32, #tpu.memory_space<vmem>> -> memref<1x128x256xf32, #tpu.memory_space<vmem>>
        %dma_start3A_78 = tpu.memref_squeeze %dma_start3A_77 : memref<1x128x256xf32, #tpu.memory_space<vmem>> -> memref<128x256xf32, #tpu.memory_space<vmem>>
        %dma_start3A_79 = arith.constant 0 : i32
        %dma_start3A_80 = tpu.memref_slice %arg4[%multiple_of3A_44, %dma_start3A_79] : memref<131072x256xf32, #tpu.memory_space<hbm>> -> memref<128x256xf32, #tpu.memory_space<hbm>>
        %dma_start3A_81 = arith.constant 0 : i32
        %dma_start3A_82 = tpu.memref_slice %arg4[%multiple_of3A_44, %dma_start3A_81] : memref<131072x256xf32, #tpu.memory_space<hbm>> -> memref<128x256xf32, #tpu.memory_space<hbm>>
        %dma_start3A_83 = arith.constant 0 : i32
        %dma_start3A_84 = arith.constant 0 : i32
        %dma_start3A_85 = tpu.memref_slice %arg6[%run_scoped3A_45, %dma_start3A_83, %dma_start3A_84] : memref<2x128x256xf32, #tpu.memory_space<vmem>> -> memref<1x128x256xf32, #tpu.memory_space<vmem>>
        %dma_start3A_86 = tpu.memref_squeeze %dma_start3A_85 : memref<1x128x256xf32, #tpu.memory_space<vmem>> -> memref<128x256xf32, #tpu.memory_space<vmem>>
        tpu.enqueue_dma source(%dma_start3A_86 : memref<128x256xf32, #tpu.memory_space<vmem>>) target(%dma_start3A_82 : memref<128x256xf32, #tpu.memory_space<hbm>>) target_semaphore(%run_scoped3A_74 : memref<!tpu.dma_semaphore, #tpu.memory_space<semaphore_mem>>)
        %dma_wait3A_87 = arith.constant 0 : i32
        %dma_wait3A_88 = arith.constant 0 : i32
        %dma_wait3A_89 = tpu.memref_slice %arg6[%run_scoped3A_45, %dma_wait3A_87, %dma_wait3A_88] : memref<2x128x256xf32, #tpu.memory_space<vmem>> -> memref<1x128x256xf32, #tpu.memory_space<vmem>>
        %dma_wait3A_90 = tpu.memref_squeeze %dma_wait3A_89 : memref<1x128x256xf32, #tpu.memory_space<vmem>> -> memref<128x256xf32, #tpu.memory_space<vmem>>
        %dma_wait3A_91 = arith.constant 0 : i32
        %dma_wait3A_92 = tpu.memref_slice %arg4[%multiple_of3A_44, %dma_wait3A_91] : memref<131072x256xf32, #tpu.memory_space<hbm>> -> memref<128x256xf32, #tpu.memory_space<hbm>>
        %dma_wait3A_93 = arith.constant 0 : i32
        %dma_wait3A_94 = tpu.memref_slice %arg4[%multiple_of3A_44, %dma_wait3A_93] : memref<131072x256xf32, #tpu.memory_space<hbm>> -> memref<128x256xf32, #tpu.memory_space<hbm>>
        %dma_wait3A_95 = arith.constant 0 : i32
        %dma_wait3A_96 = arith.constant 0 : i32
        %dma_wait3A_97 = tpu.memref_slice %arg6[%run_scoped3A_45, %dma_wait3A_95, %dma_wait3A_96] : memref<2x128x256xf32, #tpu.memory_space<vmem>> -> memref<1x128x256xf32, #tpu.memory_space<vmem>>
        %dma_wait3A_98 = tpu.memref_squeeze %dma_wait3A_97 : memref<1x128x256xf32, #tpu.memory_space<vmem>> -> memref<128x256xf32, #tpu.memory_space<vmem>>
        tpu.wait_dma2 semaphore(%run_scoped3A_74 : memref<!tpu.dma_semaphore, #tpu.memory_space<semaphore_mem>>) src(%dma_wait3A_98 : memref<128x256xf32, #tpu.memory_space<vmem>>) dst(%dma_wait3A_94 : memref<128x256xf32, #tpu.memory_space<hbm>>)
        tpu.yield
      }) : () -> ()
      %mul3A_46 = arith.constant 2 : i32
      %mul3A_47 = arith.muli %mul3A_46, %scan3A_21 : i32
      %add3A_48 = arith.constant 1 : i32
      %add3A_49 = arith.addi %mul3A_47, %add3A_48 : i32
      %add3A_50 = arith.constant 1 : i32
      %add3A_51 = arith.addi %add3A_49, %add3A_50 : i32
      %lt3A_52 = arith.constant 32 : i32
      %lt3A_53 = arith.cmpi slt, %add3A_51, %lt3A_52 : i32
      %convert_element_type3A_54 = arith.extui %lt3A_53 : i1 to i32
      %cond3A_55 = arith.constant 0 : i32
      %cond3A_56 = arith.cmpi ne, %convert_element_type3A_54, %cond3A_55 : i32
      scf.if %cond3A_56 {
        %add3A_74 = arith.constant 1 : i32
        %add3A_75 = arith.addi %add3A_49, %add3A_74 : i32
        %mul3A_76 = arith.constant 128 : i32
        %mul3A_77 = arith.muli %add3A_75, %mul3A_76 : i32
        %add3A_78 = arith.addi %mul3A_2, %mul3A_77 : i32
        %multiple_of3A_79 = tpu.assume_multiple %add3A_78, 128 : i32
        %run_scoped3A_80 = arith.constant 0 : i32
        "tpu.region"() ({
          %run_scoped3A_93 = tpu.sem_alloc : memref<!tpu.dma_semaphore, #tpu.memory_space<semaphore_mem>>
          %dma_start3A_94 = arith.constant 0 : i32
          %dma_start3A_95 = tpu.memref_slice %arg5[%run_scoped3A_80, %dma_start3A_94] : memref<2x128xi32, #tpu.memory_space<vmem>> -> memref<1x128xi32, #tpu.memory_space<vmem>>
          %dma_start3A_96 = tpu.memref_squeeze %dma_start3A_95 : memref<1x128xi32, #tpu.memory_space<vmem>> -> memref<128xi32, #tpu.memory_space<vmem>>
          %dma_start3A_97 = tpu.memref_slice %arg3[%multiple_of3A_79] : memref<131072xi32, #tpu.memory_space<hbm>> -> memref<128xi32, #tpu.memory_space<hbm>>
          %dma_start3A_98 = arith.constant 0 : i32
          %dma_start3A_99 = tpu.memref_slice %arg5[%run_scoped3A_80, %dma_start3A_98] : memref<2x128xi32, #tpu.memory_space<vmem>> -> memref<1x128xi32, #tpu.memory_space<vmem>>
          %dma_start3A_100 = tpu.memref_squeeze %dma_start3A_99 : memref<1x128xi32, #tpu.memory_space<vmem>> -> memref<128xi32, #tpu.memory_space<vmem>>
          %dma_start3A_101 = tpu.memref_slice %arg3[%multiple_of3A_79] : memref<131072xi32, #tpu.memory_space<hbm>> -> memref<128xi32, #tpu.memory_space<hbm>>
          tpu.enqueue_dma source(%dma_start3A_101 : memref<128xi32, #tpu.memory_space<hbm>>) target(%dma_start3A_100 : memref<128xi32, #tpu.memory_space<vmem>>) target_semaphore(%run_scoped3A_93 : memref<!tpu.dma_semaphore, #tpu.memory_space<semaphore_mem>>)
          %dma_wait3A_102 = arith.constant 0 : i32
          %dma_wait3A_103 = tpu.memref_slice %arg5[%run_scoped3A_80, %dma_wait3A_102] : memref<2x128xi32, #tpu.memory_space<vmem>> -> memref<1x128xi32, #tpu.memory_space<vmem>>
          %dma_wait3A_104 = tpu.memref_squeeze %dma_wait3A_103 : memref<1x128xi32, #tpu.memory_space<vmem>> -> memref<128xi32, #tpu.memory_space<vmem>>
          %dma_wait3A_105 = tpu.memref_slice %arg3[%multiple_of3A_79] : memref<131072xi32, #tpu.memory_space<hbm>> -> memref<128xi32, #tpu.memory_space<hbm>>
          %dma_wait3A_106 = arith.constant 0 : i32
          %dma_wait3A_107 = tpu.memref_slice %arg5[%run_scoped3A_80, %dma_wait3A_106] : memref<2x128xi32, #tpu.memory_space<vmem>> -> memref<1x128xi32, #tpu.memory_space<vmem>>
          %dma_wait3A_108 = tpu.memref_squeeze %dma_wait3A_107 : memref<1x128xi32, #tpu.memory_space<vmem>> -> memref<128xi32, #tpu.memory_space<vmem>>
          %dma_wait3A_109 = tpu.memref_slice %arg3[%multiple_of3A_79] : memref<131072xi32, #tpu.memory_space<hbm>> -> memref<128xi32, #tpu.memory_space<hbm>>
          tpu.wait_dma2 semaphore(%run_scoped3A_93 : memref<!tpu.dma_semaphore, #tpu.memory_space<semaphore_mem>>) src(%dma_wait3A_109 : memref<128xi32, #tpu.memory_space<hbm>>) dst(%dma_wait3A_108 : memref<128xi32, #tpu.memory_space<vmem>>)
          tpu.yield
        }) : () -> ()
        %dma_start3A_81 = arith.constant 0 : i32
        %dma_start3A_82 = arith.constant 0 : i32
        %dma_start3A_83 = arith.constant 0 : i32
        %dma_start3A_84 = arith.constant 0 : i32
        %dma_start3A_85 = tpu.memref_slice %arg6[%dma_start3A_82, %dma_start3A_83, %dma_start3A_84] : memref<2x128x256xf32, #tpu.memory_space<vmem>> -> memref<1x128x256xf32, #tpu.memory_space<vmem>>
        %dma_start3A_86 = tpu.memref_squeeze %dma_start3A_85 : memref<1x128x256xf32, #tpu.memory_space<vmem>> -> memref<128x256xf32, #tpu.memory_space<vmem>>
        %dma_start3A_87 = arith.constant 0 : i32
        %dma_start3A_88 = tpu.memref_slice %arg5[%dma_start3A_81, %dma_start3A_87] : memref<2x128xi32, #tpu.memory_space<vmem>> -> memref<1x128xi32, #tpu.memory_space<vmem>>
        %dma_start3A_89 = tpu.memref_squeeze %dma_start3A_88 : memref<1x128xi32, #tpu.memory_space<vmem>> -> memref<128xi32, #tpu.memory_space<vmem>>
        %dma_start3A_90 = arith.constant 0 : i32
        %dma_start3A_91 = arith.constant 0 : i32
        %dma_start3A_92 = tpu.memref_slice %arg2[%dma_start3A_90, %dma_start3A_91] : memref<8192x256xf32, #tpu.memory_space<hbm>> -> memref<8192x256xf32, #tpu.memory_space<hbm>>
        tpu.enqueue_indirect_dma source(%dma_start3A_92 : memref<8192x256xf32, #tpu.memory_space<hbm>>) target(%dma_start3A_86 : memref<128x256xf32, #tpu.memory_space<vmem>>) offsets(%dma_start3A_89 : memref<128xi32, #tpu.memory_space<vmem>>) semaphore(%arg7 : memref<!tpu.dma_semaphore, #tpu.memory_space<semaphore_mem>>)
      } else {
      }
      %dma_wait3A_57 = arith.constant 1 : i32
      %dma_wait3A_58 = arith.constant 1 : i32
      %dma_wait3A_59 = arith.constant 0 : i32
      %dma_wait3A_60 = arith.constant 0 : i32
      %dma_wait3A_61 = tpu.memref_slice %arg6[%dma_wait3A_58, %dma_wait3A_59, %dma_wait3A_60] : memref<2x128x256xf32, #tpu.memory_space<vmem>> -> memref<1x128x256xf32, #tpu.memory_space<vmem>>
      %dma_wait3A_62 = tpu.memref_squeeze %dma_wait3A_61 : memref<1x128x256xf32, #tpu.memory_space<vmem>> -> memref<128x256xf32, #tpu.memory_space<vmem>>
      %dma_wait3A_63 = arith.constant 0 : i32
      %dma_wait3A_64 = tpu.memref_slice %arg5[%dma_wait3A_57, %dma_wait3A_63] : memref<2x128xi32, #tpu.memory_space<vmem>> -> memref<1x128xi32, #tpu.memory_space<vmem>>
      %dma_wait3A_65 = tpu.memref_squeeze %dma_wait3A_64 : memref<1x128xi32, #tpu.memory_space<vmem>> -> memref<128xi32, #tpu.memory_space<vmem>>
      %dma_wait3A_66 = arith.constant 0 : i32
      %dma_wait3A_67 = arith.constant 0 : i32
      %dma_wait3A_68 = tpu.memref_slice %arg2[%dma_wait3A_66, %dma_wait3A_67] : memref<8192x256xf32, #tpu.memory_space<hbm>> -> memref<8192x256xf32, #tpu.memory_space<hbm>>
      tpu.wait_indirect_dma semaphore(%arg8 : memref<!tpu.dma_semaphore, #tpu.memory_space<semaphore_mem>>) src(%dma_wait3A_68 : memref<8192x256xf32, #tpu.memory_space<hbm>>) dst(%dma_wait3A_62 : memref<128x256xf32, #tpu.memory_space<vmem>>)
      %mul3A_69 = arith.constant 128 : i32
      %mul3A_70 = arith.muli %add3A_49, %mul3A_69 : i32
      %add3A_71 = arith.addi %mul3A_2, %mul3A_70 : i32
      %multiple_of3A_72 = tpu.assume_multiple %add3A_71, 128 : i32
      %run_scoped3A_73 = arith.constant 1 : i32
      "tpu.region"() ({
        %run_scoped3A_74 = tpu.sem_alloc : memref<!tpu.dma_semaphore, #tpu.memory_space<semaphore_mem>>
        %dma_start3A_75 = arith.constant 0 : i32
        %dma_start3A_76 = arith.constant 0 : i32
        %dma_start3A_77 = tpu.memref_slice %arg6[%run_scoped3A_73, %dma_start3A_75, %dma_start3A_76] : memref<2x128x256xf32, #tpu.memory_space<vmem>> -> memref<1x128x256xf32, #tpu.memory_space<vmem>>
        %dma_start3A_78 = tpu.memref_squeeze %dma_start3A_77 : memref<1x128x256xf32, #tpu.memory_space<vmem>> -> memref<128x256xf32, #tpu.memory_space<vmem>>
        %dma_start3A_79 = arith.constant 0 : i32
        %dma_start3A_80 = tpu.memref_slice %arg4[%multiple_of3A_72, %dma_start3A_79] : memref<131072x256xf32, #tpu.memory_space<hbm>> -> memref<128x256xf32, #tpu.memory_space<hbm>>
        %dma_start3A_81 = arith.constant 0 : i32
        %dma_start3A_82 = tpu.memref_slice %arg4[%multiple_of3A_72, %dma_start3A_81] : memref<131072x256xf32, #tpu.memory_space<hbm>> -> memref<128x256xf32, #tpu.memory_space<hbm>>
        %dma_start3A_83 = arith.constant 0 : i32
        %dma_start3A_84 = arith.constant 0 : i32
        %dma_start3A_85 = tpu.memref_slice %arg6[%run_scoped3A_73, %dma_start3A_83, %dma_start3A_84] : memref<2x128x256xf32, #tpu.memory_space<vmem>> -> memref<1x128x256xf32, #tpu.memory_space<vmem>>
        %dma_start3A_86 = tpu.memref_squeeze %dma_start3A_85 : memref<1x128x256xf32, #tpu.memory_space<vmem>> -> memref<128x256xf32, #tpu.memory_space<vmem>>
        tpu.enqueue_dma source(%dma_start3A_86 : memref<128x256xf32, #tpu.memory_space<vmem>>) target(%dma_start3A_82 : memref<128x256xf32, #tpu.memory_space<hbm>>) target_semaphore(%run_scoped3A_74 : memref<!tpu.dma_semaphore, #tpu.memory_space<semaphore_mem>>)
        %dma_wait3A_87 = arith.constant 0 : i32
        %dma_wait3A_88 = arith.constant 0 : i32
        %dma_wait3A_89 = tpu.memref_slice %arg6[%run_scoped3A_73, %dma_wait3A_87, %dma_wait3A_88] : memref<2x128x256xf32, #tpu.memory_space<vmem>> -> memref<1x128x256xf32, #tpu.memory_space<vmem>>
        %dma_wait3A_90 = tpu.memref_squeeze %dma_wait3A_89 : memref<1x128x256xf32, #tpu.memory_space<vmem>> -> memref<128x256xf32, #tpu.memory_space<vmem>>
        %dma_wait3A_91 = arith.constant 0 : i32
        %dma_wait3A_92 = tpu.memref_slice %arg4[%multiple_of3A_72, %dma_wait3A_91] : memref<131072x256xf32, #tpu.memory_space<hbm>> -> memref<128x256xf32, #tpu.memory_space<hbm>>
        %dma_wait3A_93 = arith.constant 0 : i32
        %dma_wait3A_94 = tpu.memref_slice %arg4[%multiple_of3A_72, %dma_wait3A_93] : memref<131072x256xf32, #tpu.memory_space<hbm>> -> memref<128x256xf32, #tpu.memory_space<hbm>>
        %dma_wait3A_95 = arith.constant 0 : i32
        %dma_wait3A_96 = arith.constant 0 : i32
        %dma_wait3A_97 = tpu.memref_slice %arg6[%run_scoped3A_73, %dma_wait3A_95, %dma_wait3A_96] : memref<2x128x256xf32, #tpu.memory_space<vmem>> -> memref<1x128x256xf32, #tpu.memory_space<vmem>>
        %dma_wait3A_98 = tpu.memref_squeeze %dma_wait3A_97 : memref<1x128x256xf32, #tpu.memory_space<vmem>> -> memref<128x256xf32, #tpu.memory_space<vmem>>
        tpu.wait_dma2 semaphore(%run_scoped3A_74 : memref<!tpu.dma_semaphore, #tpu.memory_space<semaphore_mem>>) src(%dma_wait3A_98 : memref<128x256xf32, #tpu.memory_space<vmem>>) dst(%dma_wait3A_94 : memref<128x256xf32, #tpu.memory_space<hbm>>)
        tpu.yield
      }) : () -> ()
    }
    %scan3A_20 = arith.constant 16 : i32
    return
  }
}

#map = affine_map<(d0, d1) -> (0, 0)>
#map1 = affine_map<(d0, d1) -> (0)>
module attributes {stable_mosaic.version = 14 : i64} {
  func.func @k(%arg0: i32, %arg1: i32, %arg2: memref<32768x128xf32, #tpu.memory_space<hbm>>, %arg3: memref<262144xi32, #tpu.memory_space<hbm>>, %arg4: memref<262144x128xf32, #tpu.memory_space<hbm>>, %arg5: memref<2x128xi32, #tpu.memory_space<vmem>>, %arg6: memref<2x128x128xf32, #tpu.memory_space<vmem>>, %arg7: memref<!tpu.dma_semaphore, #tpu.memory_space<semaphore_mem>>, %arg8: memref<!tpu.dma_semaphore, #tpu.memory_space<semaphore_mem>>) attributes {dimension_semantics = [#tpu.dimension_semantics<core_parallel>, #tpu.dimension_semantics<subcore_parallel>], iteration_bounds = array<i64: 2, 16>, scalar_prefetch = 0 : i64, scratch_operands = 4 : i64, tpu.core_type = #tpu.core_type<sc_vector_subcore>, window_params = [{transform_indices = #map}, {transform_indices = #map1}, {transform_indices = #map}]} {
    %mul3A = arith.constant 2 : i32
    %mul3A_0 = arith.muli %arg1, %mul3A : i32
    %add3A = arith.addi %mul3A_0, %arg0 : i32
    %mul3A_1 = arith.constant 8192 : i32
    %mul3A_2 = arith.muli %add3A, %mul3A_1 : i32
    %add3A_3 = arith.constant 0 : i32
    %add3A_4 = arith.addi %mul3A_2, %add3A_3 : i32
    %multiple_of3A = tpu.assume_multiple %add3A_4, 128 : i32
    %run_scoped3A = arith.constant 0 : i32
    "tpu.region"() ({
      %run_scoped3A_21 = tpu.sem_alloc : memref<!tpu.dma_semaphore, #tpu.memory_space<semaphore_mem>>
      %dma_start3A_22 = arith.constant 0 : i32
      %dma_start3A_23 = tpu.memref_slice %arg5[%run_scoped3A, %dma_start3A_22] : memref<2x128xi32, #tpu.memory_space<vmem>> -> memref<1x128xi32, #tpu.memory_space<vmem>>
      %dma_start3A_24 = tpu.memref_squeeze %dma_start3A_23 : memref<1x128xi32, #tpu.memory_space<vmem>> -> memref<128xi32, #tpu.memory_space<vmem>>
      %dma_start3A_25 = tpu.memref_slice %arg3[%multiple_of3A] : memref<262144xi32, #tpu.memory_space<hbm>> -> memref<128xi32, #tpu.memory_space<hbm>>
      %dma_start3A_26 = arith.constant 0 : i32
      %dma_start3A_27 = tpu.memref_slice %arg5[%run_scoped3A, %dma_start3A_26] : memref<2x128xi32, #tpu.memory_space<vmem>> -> memref<1x128xi32, #tpu.memory_space<vmem>>
      %dma_start3A_28 = tpu.memref_squeeze %dma_start3A_27 : memref<1x128xi32, #tpu.memory_space<vmem>> -> memref<128xi32, #tpu.memory_space<vmem>>
      %dma_start3A_29 = tpu.memref_slice %arg3[%multiple_of3A] : memref<262144xi32, #tpu.memory_space<hbm>> -> memref<128xi32, #tpu.memory_space<hbm>>
      tpu.enqueue_dma source(%dma_start3A_29 : memref<128xi32, #tpu.memory_space<hbm>>) target(%dma_start3A_28 : memref<128xi32, #tpu.memory_space<vmem>>) target_semaphore(%run_scoped3A_21 : memref<!tpu.dma_semaphore, #tpu.memory_space<semaphore_mem>>)
      %dma_wait3A = arith.constant 0 : i32
      %dma_wait3A_30 = tpu.memref_slice %arg5[%run_scoped3A, %dma_wait3A] : memref<2x128xi32, #tpu.memory_space<vmem>> -> memref<1x128xi32, #tpu.memory_space<vmem>>
      %dma_wait3A_31 = tpu.memref_squeeze %dma_wait3A_30 : memref<1x128xi32, #tpu.memory_space<vmem>> -> memref<128xi32, #tpu.memory_space<vmem>>
      %dma_wait3A_32 = tpu.memref_slice %arg3[%multiple_of3A] : memref<262144xi32, #tpu.memory_space<hbm>> -> memref<128xi32, #tpu.memory_space<hbm>>
      %dma_wait3A_33 = arith.constant 0 : i32
      %dma_wait3A_34 = tpu.memref_slice %arg5[%run_scoped3A, %dma_wait3A_33] : memref<2x128xi32, #tpu.memory_space<vmem>> -> memref<1x128xi32, #tpu.memory_space<vmem>>
      %dma_wait3A_35 = tpu.memref_squeeze %dma_wait3A_34 : memref<1x128xi32, #tpu.memory_space<vmem>> -> memref<128xi32, #tpu.memory_space<vmem>>
      %dma_wait3A_36 = tpu.memref_slice %arg3[%multiple_of3A] : memref<262144xi32, #tpu.memory_space<hbm>> -> memref<128xi32, #tpu.memory_space<hbm>>
      tpu.wait_dma2 semaphore(%run_scoped3A_21 : memref<!tpu.dma_semaphore, #tpu.memory_space<semaphore_mem>>) src(%dma_wait3A_36 : memref<128xi32, #tpu.memory_space<hbm>>) dst(%dma_wait3A_35 : memref<128xi32, #tpu.memory_space<vmem>>)
      tpu.yield
    }) : () -> ()
    %dma_start3A = arith.constant 0 : i32
    %dma_start3A_5 = arith.constant 0 : i32
    %dma_start3A_6 = arith.constant 0 : i32
    %dma_start3A_7 = arith.constant 0 : i32
    %dma_start3A_8 = tpu.memref_slice %arg6[%dma_start3A_5, %dma_start3A_6, %dma_start3A_7] : memref<2x128x128xf32, #tpu.memory_space<vmem>> -> memref<1x128x128xf32, #tpu.memory_space<vmem>>
    %dma_start3A_9 = tpu.memref_squeeze %dma_start3A_8 : memref<1x128x128xf32, #tpu.memory_space<vmem>> -> memref<128x128xf32, #tpu.memory_space<vmem>>
    %dma_start3A_10 = arith.constant 0 : i32
    %dma_start3A_11 = tpu.memref_slice %arg5[%dma_start3A, %dma_start3A_10] : memref<2x128xi32, #tpu.memory_space<vmem>> -> memref<1x128xi32, #tpu.memory_space<vmem>>
    %dma_start3A_12 = tpu.memref_squeeze %dma_start3A_11 : memref<1x128xi32, #tpu.memory_space<vmem>> -> memref<128xi32, #tpu.memory_space<vmem>>
    %dma_start3A_13 = arith.constant 0 : i32
    %dma_start3A_14 = arith.constant 0 : i32
    %dma_start3A_15 = tpu.memref_slice %arg2[%dma_start3A_13, %dma_start3A_14] : memref<32768x128xf32, #tpu.memory_space<hbm>> -> memref<32768x128xf32, #tpu.memory_space<hbm>>
    tpu.enqueue_indirect_dma source(%dma_start3A_15 : memref<32768x128xf32, #tpu.memory_space<hbm>>) target(%dma_start3A_9 : memref<128x128xf32, #tpu.memory_space<vmem>>) offsets(%dma_start3A_12 : memref<128xi32, #tpu.memory_space<vmem>>) semaphore(%arg7 : memref<!tpu.dma_semaphore, #tpu.memory_space<semaphore_mem>>)
    %scan3A = arith.constant 0 : i32
    %scan3A_16 = arith.constant 0 : i32
    %scan3A_17 = arith.constant 32 : i32
    %scan3A_18 = arith.addi %scan3A_16, %scan3A_17 : i32
    %scan3A_19 = arith.constant 1 : i32
    scf.for %scan3A_21 = %scan3A_16 to %scan3A_18 step %scan3A_19  : i32 {
      %mul3A_22 = arith.constant 2 : i32
      %mul3A_23 = arith.muli %mul3A_22, %scan3A_21 : i32
      %add3A_24 = arith.constant 0 : i32
      %add3A_25 = arith.addi %mul3A_23, %add3A_24 : i32
      %add3A_26 = arith.constant 1 : i32
      %add3A_27 = arith.addi %add3A_25, %add3A_26 : i32
      %lt3A = arith.constant 64 : i32
      %lt3A_28 = arith.cmpi slt, %add3A_27, %lt3A : i32
      %convert_element_type3A = arith.extui %lt3A_28 : i1 to i32
      %cond3A = arith.constant 0 : i32
      %cond3A_29 = arith.cmpi ne, %convert_element_type3A, %cond3A : i32
      scf.if %cond3A_29 {
        %add3A_74 = arith.constant 1 : i32
        %add3A_75 = arith.addi %add3A_25, %add3A_74 : i32
        %mul3A_76 = arith.constant 128 : i32
        %mul3A_77 = arith.muli %add3A_75, %mul3A_76 : i32
        %add3A_78 = arith.addi %mul3A_2, %mul3A_77 : i32
        %multiple_of3A_79 = tpu.assume_multiple %add3A_78, 128 : i32
        %run_scoped3A_80 = arith.constant 1 : i32
        "tpu.region"() ({
          %run_scoped3A_93 = tpu.sem_alloc : memref<!tpu.dma_semaphore, #tpu.memory_space<semaphore_mem>>
          %dma_start3A_94 = arith.constant 0 : i32
          %dma_start3A_95 = tpu.memref_slice %arg5[%run_scoped3A_80, %dma_start3A_94] : memref<2x128xi32, #tpu.memory_space<vmem>> -> memref<1x128xi32, #tpu.memory_space<vmem>>
          %dma_start3A_96 = tpu.memref_squeeze %dma_start3A_95 : memref<1x128xi32, #tpu.memory_space<vmem>> -> memref<128xi32, #tpu.memory_space<vmem>>
          %dma_start3A_97 = tpu.memref_slice %arg3[%multiple_of3A_79] : memref<262144xi32, #tpu.memory_space<hbm>> -> memref<128xi32, #tpu.memory_space<hbm>>
          %dma_start3A_98 = arith.constant 0 : i32
          %dma_start3A_99 = tpu.memref_slice %arg5[%run_scoped3A_80, %dma_start3A_98] : memref<2x128xi32, #tpu.memory_space<vmem>> -> memref<1x128xi32, #tpu.memory_space<vmem>>
          %dma_start3A_100 = tpu.memref_squeeze %dma_start3A_99 : memref<1x128xi32, #tpu.memory_space<vmem>> -> memref<128xi32, #tpu.memory_space<vmem>>
          %dma_start3A_101 = tpu.memref_slice %arg3[%multiple_of3A_79] : memref<262144xi32, #tpu.memory_space<hbm>> -> memref<128xi32, #tpu.memory_space<hbm>>
          tpu.enqueue_dma source(%dma_start3A_101 : memref<128xi32, #tpu.memory_space<hbm>>) target(%dma_start3A_100 : memref<128xi32, #tpu.memory_space<vmem>>) target_semaphore(%run_scoped3A_93 : memref<!tpu.dma_semaphore, #tpu.memory_space<semaphore_mem>>)
          %dma_wait3A_102 = arith.constant 0 : i32
          %dma_wait3A_103 = tpu.memref_slice %arg5[%run_scoped3A_80, %dma_wait3A_102] : memref<2x128xi32, #tpu.memory_space<vmem>> -> memref<1x128xi32, #tpu.memory_space<vmem>>
          %dma_wait3A_104 = tpu.memref_squeeze %dma_wait3A_103 : memref<1x128xi32, #tpu.memory_space<vmem>> -> memref<128xi32, #tpu.memory_space<vmem>>
          %dma_wait3A_105 = tpu.memref_slice %arg3[%multiple_of3A_79] : memref<262144xi32, #tpu.memory_space<hbm>> -> memref<128xi32, #tpu.memory_space<hbm>>
          %dma_wait3A_106 = arith.constant 0 : i32
          %dma_wait3A_107 = tpu.memref_slice %arg5[%run_scoped3A_80, %dma_wait3A_106] : memref<2x128xi32, #tpu.memory_space<vmem>> -> memref<1x128xi32, #tpu.memory_space<vmem>>
          %dma_wait3A_108 = tpu.memref_squeeze %dma_wait3A_107 : memref<1x128xi32, #tpu.memory_space<vmem>> -> memref<128xi32, #tpu.memory_space<vmem>>
          %dma_wait3A_109 = tpu.memref_slice %arg3[%multiple_of3A_79] : memref<262144xi32, #tpu.memory_space<hbm>> -> memref<128xi32, #tpu.memory_space<hbm>>
          tpu.wait_dma2 semaphore(%run_scoped3A_93 : memref<!tpu.dma_semaphore, #tpu.memory_space<semaphore_mem>>) src(%dma_wait3A_109 : memref<128xi32, #tpu.memory_space<hbm>>) dst(%dma_wait3A_108 : memref<128xi32, #tpu.memory_space<vmem>>)
          tpu.yield
        }) : () -> ()
        %dma_start3A_81 = arith.constant 1 : i32
        %dma_start3A_82 = arith.constant 1 : i32
        %dma_start3A_83 = arith.constant 0 : i32
        %dma_start3A_84 = arith.constant 0 : i32
        %dma_start3A_85 = tpu.memref_slice %arg6[%dma_start3A_82, %dma_start3A_83, %dma_start3A_84] : memref<2x128x128xf32, #tpu.memory_space<vmem>> -> memref<1x128x128xf32, #tpu.memory_space<vmem>>
        %dma_start3A_86 = tpu.memref_squeeze %dma_start3A_85 : memref<1x128x128xf32, #tpu.memory_space<vmem>> -> memref<128x128xf32, #tpu.memory_space<vmem>>
        %dma_start3A_87 = arith.constant 0 : i32
        %dma_start3A_88 = tpu.memref_slice %arg5[%dma_start3A_81, %dma_start3A_87] : memref<2x128xi32, #tpu.memory_space<vmem>> -> memref<1x128xi32, #tpu.memory_space<vmem>>
        %dma_start3A_89 = tpu.memref_squeeze %dma_start3A_88 : memref<1x128xi32, #tpu.memory_space<vmem>> -> memref<128xi32, #tpu.memory_space<vmem>>
        %dma_start3A_90 = arith.constant 0 : i32
        %dma_start3A_91 = arith.constant 0 : i32
        %dma_start3A_92 = tpu.memref_slice %arg2[%dma_start3A_90, %dma_start3A_91] : memref<32768x128xf32, #tpu.memory_space<hbm>> -> memref<32768x128xf32, #tpu.memory_space<hbm>>
        tpu.enqueue_indirect_dma source(%dma_start3A_92 : memref<32768x128xf32, #tpu.memory_space<hbm>>) target(%dma_start3A_86 : memref<128x128xf32, #tpu.memory_space<vmem>>) offsets(%dma_start3A_89 : memref<128xi32, #tpu.memory_space<vmem>>) semaphore(%arg8 : memref<!tpu.dma_semaphore, #tpu.memory_space<semaphore_mem>>)
      } else {
      }
      %dma_wait3A = arith.constant 0 : i32
      %dma_wait3A_30 = arith.constant 0 : i32
      %dma_wait3A_31 = arith.constant 0 : i32
      %dma_wait3A_32 = arith.constant 0 : i32
      %dma_wait3A_33 = tpu.memref_slice %arg6[%dma_wait3A_30, %dma_wait3A_31, %dma_wait3A_32] : memref<2x128x128xf32, #tpu.memory_space<vmem>> -> memref<1x128x128xf32, #tpu.memory_space<vmem>>
      %dma_wait3A_34 = tpu.memref_squeeze %dma_wait3A_33 : memref<1x128x128xf32, #tpu.memory_space<vmem>> -> memref<128x128xf32, #tpu.memory_space<vmem>>
      %dma_wait3A_35 = arith.constant 0 : i32
      %dma_wait3A_36 = tpu.memref_slice %arg5[%dma_wait3A, %dma_wait3A_35] : memref<2x128xi32, #tpu.memory_space<vmem>> -> memref<1x128xi32, #tpu.memory_space<vmem>>
      %dma_wait3A_37 = tpu.memref_squeeze %dma_wait3A_36 : memref<1x128xi32, #tpu.memory_space<vmem>> -> memref<128xi32, #tpu.memory_space<vmem>>
      %dma_wait3A_38 = arith.constant 0 : i32
      %dma_wait3A_39 = arith.constant 0 : i32
      %dma_wait3A_40 = tpu.memref_slice %arg2[%dma_wait3A_38, %dma_wait3A_39] : memref<32768x128xf32, #tpu.memory_space<hbm>> -> memref<32768x128xf32, #tpu.memory_space<hbm>>
      tpu.wait_indirect_dma semaphore(%arg7 : memref<!tpu.dma_semaphore, #tpu.memory_space<semaphore_mem>>) src(%dma_wait3A_40 : memref<32768x128xf32, #tpu.memory_space<hbm>>) dst(%dma_wait3A_34 : memref<128x128xf32, #tpu.memory_space<vmem>>)
      %mul3A_41 = arith.constant 128 : i32
      %mul3A_42 = arith.muli %add3A_25, %mul3A_41 : i32
      %add3A_43 = arith.addi %mul3A_2, %mul3A_42 : i32
      %multiple_of3A_44 = tpu.assume_multiple %add3A_43, 128 : i32
      %run_scoped3A_45 = arith.constant 0 : i32
      "tpu.region"() ({
        %run_scoped3A_74 = tpu.sem_alloc : memref<!tpu.dma_semaphore, #tpu.memory_space<semaphore_mem>>
        %dma_start3A_75 = arith.constant 0 : i32
        %dma_start3A_76 = arith.constant 0 : i32
        %dma_start3A_77 = tpu.memref_slice %arg6[%run_scoped3A_45, %dma_start3A_75, %dma_start3A_76] : memref<2x128x128xf32, #tpu.memory_space<vmem>> -> memref<1x128x128xf32, #tpu.memory_space<vmem>>
        %dma_start3A_78 = tpu.memref_squeeze %dma_start3A_77 : memref<1x128x128xf32, #tpu.memory_space<vmem>> -> memref<128x128xf32, #tpu.memory_space<vmem>>
        %dma_start3A_79 = arith.constant 0 : i32
        %dma_start3A_80 = tpu.memref_slice %arg4[%multiple_of3A_44, %dma_start3A_79] : memref<262144x128xf32, #tpu.memory_space<hbm>> -> memref<128x128xf32, #tpu.memory_space<hbm>>
        %dma_start3A_81 = arith.constant 0 : i32
        %dma_start3A_82 = tpu.memref_slice %arg4[%multiple_of3A_44, %dma_start3A_81] : memref<262144x128xf32, #tpu.memory_space<hbm>> -> memref<128x128xf32, #tpu.memory_space<hbm>>
        %dma_start3A_83 = arith.constant 0 : i32
        %dma_start3A_84 = arith.constant 0 : i32
        %dma_start3A_85 = tpu.memref_slice %arg6[%run_scoped3A_45, %dma_start3A_83, %dma_start3A_84] : memref<2x128x128xf32, #tpu.memory_space<vmem>> -> memref<1x128x128xf32, #tpu.memory_space<vmem>>
        %dma_start3A_86 = tpu.memref_squeeze %dma_start3A_85 : memref<1x128x128xf32, #tpu.memory_space<vmem>> -> memref<128x128xf32, #tpu.memory_space<vmem>>
        tpu.enqueue_dma source(%dma_start3A_86 : memref<128x128xf32, #tpu.memory_space<vmem>>) target(%dma_start3A_82 : memref<128x128xf32, #tpu.memory_space<hbm>>) target_semaphore(%run_scoped3A_74 : memref<!tpu.dma_semaphore, #tpu.memory_space<semaphore_mem>>)
        %dma_wait3A_87 = arith.constant 0 : i32
        %dma_wait3A_88 = arith.constant 0 : i32
        %dma_wait3A_89 = tpu.memref_slice %arg6[%run_scoped3A_45, %dma_wait3A_87, %dma_wait3A_88] : memref<2x128x128xf32, #tpu.memory_space<vmem>> -> memref<1x128x128xf32, #tpu.memory_space<vmem>>
        %dma_wait3A_90 = tpu.memref_squeeze %dma_wait3A_89 : memref<1x128x128xf32, #tpu.memory_space<vmem>> -> memref<128x128xf32, #tpu.memory_space<vmem>>
        %dma_wait3A_91 = arith.constant 0 : i32
        %dma_wait3A_92 = tpu.memref_slice %arg4[%multiple_of3A_44, %dma_wait3A_91] : memref<262144x128xf32, #tpu.memory_space<hbm>> -> memref<128x128xf32, #tpu.memory_space<hbm>>
        %dma_wait3A_93 = arith.constant 0 : i32
        %dma_wait3A_94 = tpu.memref_slice %arg4[%multiple_of3A_44, %dma_wait3A_93] : memref<262144x128xf32, #tpu.memory_space<hbm>> -> memref<128x128xf32, #tpu.memory_space<hbm>>
        %dma_wait3A_95 = arith.constant 0 : i32
        %dma_wait3A_96 = arith.constant 0 : i32
        %dma_wait3A_97 = tpu.memref_slice %arg6[%run_scoped3A_45, %dma_wait3A_95, %dma_wait3A_96] : memref<2x128x128xf32, #tpu.memory_space<vmem>> -> memref<1x128x128xf32, #tpu.memory_space<vmem>>
        %dma_wait3A_98 = tpu.memref_squeeze %dma_wait3A_97 : memref<1x128x128xf32, #tpu.memory_space<vmem>> -> memref<128x128xf32, #tpu.memory_space<vmem>>
        tpu.wait_dma2 semaphore(%run_scoped3A_74 : memref<!tpu.dma_semaphore, #tpu.memory_space<semaphore_mem>>) src(%dma_wait3A_98 : memref<128x128xf32, #tpu.memory_space<vmem>>) dst(%dma_wait3A_94 : memref<128x128xf32, #tpu.memory_space<hbm>>)
        tpu.yield
      }) : () -> ()
      %mul3A_46 = arith.constant 2 : i32
      %mul3A_47 = arith.muli %mul3A_46, %scan3A_21 : i32
      %add3A_48 = arith.constant 1 : i32
      %add3A_49 = arith.addi %mul3A_47, %add3A_48 : i32
      %add3A_50 = arith.constant 1 : i32
      %add3A_51 = arith.addi %add3A_49, %add3A_50 : i32
      %lt3A_52 = arith.constant 64 : i32
      %lt3A_53 = arith.cmpi slt, %add3A_51, %lt3A_52 : i32
      %convert_element_type3A_54 = arith.extui %lt3A_53 : i1 to i32
      %cond3A_55 = arith.constant 0 : i32
      %cond3A_56 = arith.cmpi ne, %convert_element_type3A_54, %cond3A_55 : i32
      scf.if %cond3A_56 {
        %add3A_74 = arith.constant 1 : i32
        %add3A_75 = arith.addi %add3A_49, %add3A_74 : i32
        %mul3A_76 = arith.constant 128 : i32
        %mul3A_77 = arith.muli %add3A_75, %mul3A_76 : i32
        %add3A_78 = arith.addi %mul3A_2, %mul3A_77 : i32
        %multiple_of3A_79 = tpu.assume_multiple %add3A_78, 128 : i32
        %run_scoped3A_80 = arith.constant 0 : i32
        "tpu.region"() ({
          %run_scoped3A_93 = tpu.sem_alloc : memref<!tpu.dma_semaphore, #tpu.memory_space<semaphore_mem>>
          %dma_start3A_94 = arith.constant 0 : i32
          %dma_start3A_95 = tpu.memref_slice %arg5[%run_scoped3A_80, %dma_start3A_94] : memref<2x128xi32, #tpu.memory_space<vmem>> -> memref<1x128xi32, #tpu.memory_space<vmem>>
          %dma_start3A_96 = tpu.memref_squeeze %dma_start3A_95 : memref<1x128xi32, #tpu.memory_space<vmem>> -> memref<128xi32, #tpu.memory_space<vmem>>
          %dma_start3A_97 = tpu.memref_slice %arg3[%multiple_of3A_79] : memref<262144xi32, #tpu.memory_space<hbm>> -> memref<128xi32, #tpu.memory_space<hbm>>
          %dma_start3A_98 = arith.constant 0 : i32
          %dma_start3A_99 = tpu.memref_slice %arg5[%run_scoped3A_80, %dma_start3A_98] : memref<2x128xi32, #tpu.memory_space<vmem>> -> memref<1x128xi32, #tpu.memory_space<vmem>>
          %dma_start3A_100 = tpu.memref_squeeze %dma_start3A_99 : memref<1x128xi32, #tpu.memory_space<vmem>> -> memref<128xi32, #tpu.memory_space<vmem>>
          %dma_start3A_101 = tpu.memref_slice %arg3[%multiple_of3A_79] : memref<262144xi32, #tpu.memory_space<hbm>> -> memref<128xi32, #tpu.memory_space<hbm>>
          tpu.enqueue_dma source(%dma_start3A_101 : memref<128xi32, #tpu.memory_space<hbm>>) target(%dma_start3A_100 : memref<128xi32, #tpu.memory_space<vmem>>) target_semaphore(%run_scoped3A_93 : memref<!tpu.dma_semaphore, #tpu.memory_space<semaphore_mem>>)
          %dma_wait3A_102 = arith.constant 0 : i32
          %dma_wait3A_103 = tpu.memref_slice %arg5[%run_scoped3A_80, %dma_wait3A_102] : memref<2x128xi32, #tpu.memory_space<vmem>> -> memref<1x128xi32, #tpu.memory_space<vmem>>
          %dma_wait3A_104 = tpu.memref_squeeze %dma_wait3A_103 : memref<1x128xi32, #tpu.memory_space<vmem>> -> memref<128xi32, #tpu.memory_space<vmem>>
          %dma_wait3A_105 = tpu.memref_slice %arg3[%multiple_of3A_79] : memref<262144xi32, #tpu.memory_space<hbm>> -> memref<128xi32, #tpu.memory_space<hbm>>
          %dma_wait3A_106 = arith.constant 0 : i32
          %dma_wait3A_107 = tpu.memref_slice %arg5[%run_scoped3A_80, %dma_wait3A_106] : memref<2x128xi32, #tpu.memory_space<vmem>> -> memref<1x128xi32, #tpu.memory_space<vmem>>
          %dma_wait3A_108 = tpu.memref_squeeze %dma_wait3A_107 : memref<1x128xi32, #tpu.memory_space<vmem>> -> memref<128xi32, #tpu.memory_space<vmem>>
          %dma_wait3A_109 = tpu.memref_slice %arg3[%multiple_of3A_79] : memref<262144xi32, #tpu.memory_space<hbm>> -> memref<128xi32, #tpu.memory_space<hbm>>
          tpu.wait_dma2 semaphore(%run_scoped3A_93 : memref<!tpu.dma_semaphore, #tpu.memory_space<semaphore_mem>>) src(%dma_wait3A_109 : memref<128xi32, #tpu.memory_space<hbm>>) dst(%dma_wait3A_108 : memref<128xi32, #tpu.memory_space<vmem>>)
          tpu.yield
        }) : () -> ()
        %dma_start3A_81 = arith.constant 0 : i32
        %dma_start3A_82 = arith.constant 0 : i32
        %dma_start3A_83 = arith.constant 0 : i32
        %dma_start3A_84 = arith.constant 0 : i32
        %dma_start3A_85 = tpu.memref_slice %arg6[%dma_start3A_82, %dma_start3A_83, %dma_start3A_84] : memref<2x128x128xf32, #tpu.memory_space<vmem>> -> memref<1x128x128xf32, #tpu.memory_space<vmem>>
        %dma_start3A_86 = tpu.memref_squeeze %dma_start3A_85 : memref<1x128x128xf32, #tpu.memory_space<vmem>> -> memref<128x128xf32, #tpu.memory_space<vmem>>
        %dma_start3A_87 = arith.constant 0 : i32
        %dma_start3A_88 = tpu.memref_slice %arg5[%dma_start3A_81, %dma_start3A_87] : memref<2x128xi32, #tpu.memory_space<vmem>> -> memref<1x128xi32, #tpu.memory_space<vmem>>
        %dma_start3A_89 = tpu.memref_squeeze %dma_start3A_88 : memref<1x128xi32, #tpu.memory_space<vmem>> -> memref<128xi32, #tpu.memory_space<vmem>>
        %dma_start3A_90 = arith.constant 0 : i32
        %dma_start3A_91 = arith.constant 0 : i32
        %dma_start3A_92 = tpu.memref_slice %arg2[%dma_start3A_90, %dma_start3A_91] : memref<32768x128xf32, #tpu.memory_space<hbm>> -> memref<32768x128xf32, #tpu.memory_space<hbm>>
        tpu.enqueue_indirect_dma source(%dma_start3A_92 : memref<32768x128xf32, #tpu.memory_space<hbm>>) target(%dma_start3A_86 : memref<128x128xf32, #tpu.memory_space<vmem>>) offsets(%dma_start3A_89 : memref<128xi32, #tpu.memory_space<vmem>>) semaphore(%arg7 : memref<!tpu.dma_semaphore, #tpu.memory_space<semaphore_mem>>)
      } else {
      }
      %dma_wait3A_57 = arith.constant 1 : i32
      %dma_wait3A_58 = arith.constant 1 : i32
      %dma_wait3A_59 = arith.constant 0 : i32
      %dma_wait3A_60 = arith.constant 0 : i32
      %dma_wait3A_61 = tpu.memref_slice %arg6[%dma_wait3A_58, %dma_wait3A_59, %dma_wait3A_60] : memref<2x128x128xf32, #tpu.memory_space<vmem>> -> memref<1x128x128xf32, #tpu.memory_space<vmem>>
      %dma_wait3A_62 = tpu.memref_squeeze %dma_wait3A_61 : memref<1x128x128xf32, #tpu.memory_space<vmem>> -> memref<128x128xf32, #tpu.memory_space<vmem>>
      %dma_wait3A_63 = arith.constant 0 : i32
      %dma_wait3A_64 = tpu.memref_slice %arg5[%dma_wait3A_57, %dma_wait3A_63] : memref<2x128xi32, #tpu.memory_space<vmem>> -> memref<1x128xi32, #tpu.memory_space<vmem>>
      %dma_wait3A_65 = tpu.memref_squeeze %dma_wait3A_64 : memref<1x128xi32, #tpu.memory_space<vmem>> -> memref<128xi32, #tpu.memory_space<vmem>>
      %dma_wait3A_66 = arith.constant 0 : i32
      %dma_wait3A_67 = arith.constant 0 : i32
      %dma_wait3A_68 = tpu.memref_slice %arg2[%dma_wait3A_66, %dma_wait3A_67] : memref<32768x128xf32, #tpu.memory_space<hbm>> -> memref<32768x128xf32, #tpu.memory_space<hbm>>
      tpu.wait_indirect_dma semaphore(%arg8 : memref<!tpu.dma_semaphore, #tpu.memory_space<semaphore_mem>>) src(%dma_wait3A_68 : memref<32768x128xf32, #tpu.memory_space<hbm>>) dst(%dma_wait3A_62 : memref<128x128xf32, #tpu.memory_space<vmem>>)
      %mul3A_69 = arith.constant 128 : i32
      %mul3A_70 = arith.muli %add3A_49, %mul3A_69 : i32
      %add3A_71 = arith.addi %mul3A_2, %mul3A_70 : i32
      %multiple_of3A_72 = tpu.assume_multiple %add3A_71, 128 : i32
      %run_scoped3A_73 = arith.constant 1 : i32
      "tpu.region"() ({
        %run_scoped3A_74 = tpu.sem_alloc : memref<!tpu.dma_semaphore, #tpu.memory_space<semaphore_mem>>
        %dma_start3A_75 = arith.constant 0 : i32
        %dma_start3A_76 = arith.constant 0 : i32
        %dma_start3A_77 = tpu.memref_slice %arg6[%run_scoped3A_73, %dma_start3A_75, %dma_start3A_76] : memref<2x128x128xf32, #tpu.memory_space<vmem>> -> memref<1x128x128xf32, #tpu.memory_space<vmem>>
        %dma_start3A_78 = tpu.memref_squeeze %dma_start3A_77 : memref<1x128x128xf32, #tpu.memory_space<vmem>> -> memref<128x128xf32, #tpu.memory_space<vmem>>
        %dma_start3A_79 = arith.constant 0 : i32
        %dma_start3A_80 = tpu.memref_slice %arg4[%multiple_of3A_72, %dma_start3A_79] : memref<262144x128xf32, #tpu.memory_space<hbm>> -> memref<128x128xf32, #tpu.memory_space<hbm>>
        %dma_start3A_81 = arith.constant 0 : i32
        %dma_start3A_82 = tpu.memref_slice %arg4[%multiple_of3A_72, %dma_start3A_81] : memref<262144x128xf32, #tpu.memory_space<hbm>> -> memref<128x128xf32, #tpu.memory_space<hbm>>
        %dma_start3A_83 = arith.constant 0 : i32
        %dma_start3A_84 = arith.constant 0 : i32
        %dma_start3A_85 = tpu.memref_slice %arg6[%run_scoped3A_73, %dma_start3A_83, %dma_start3A_84] : memref<2x128x128xf32, #tpu.memory_space<vmem>> -> memref<1x128x128xf32, #tpu.memory_space<vmem>>
        %dma_start3A_86 = tpu.memref_squeeze %dma_start3A_85 : memref<1x128x128xf32, #tpu.memory_space<vmem>> -> memref<128x128xf32, #tpu.memory_space<vmem>>
        tpu.enqueue_dma source(%dma_start3A_86 : memref<128x128xf32, #tpu.memory_space<vmem>>) target(%dma_start3A_82 : memref<128x128xf32, #tpu.memory_space<hbm>>) target_semaphore(%run_scoped3A_74 : memref<!tpu.dma_semaphore, #tpu.memory_space<semaphore_mem>>)
        %dma_wait3A_87 = arith.constant 0 : i32
        %dma_wait3A_88 = arith.constant 0 : i32
        %dma_wait3A_89 = tpu.memref_slice %arg6[%run_scoped3A_73, %dma_wait3A_87, %dma_wait3A_88] : memref<2x128x128xf32, #tpu.memory_space<vmem>> -> memref<1x128x128xf32, #tpu.memory_space<vmem>>
        %dma_wait3A_90 = tpu.memref_squeeze %dma_wait3A_89 : memref<1x128x128xf32, #tpu.memory_space<vmem>> -> memref<128x128xf32, #tpu.memory_space<vmem>>
        %dma_wait3A_91 = arith.constant 0 : i32
        %dma_wait3A_92 = tpu.memref_slice %arg4[%multiple_of3A_72, %dma_wait3A_91] : memref<262144x128xf32, #tpu.memory_space<hbm>> -> memref<128x128xf32, #tpu.memory_space<hbm>>
        %dma_wait3A_93 = arith.constant 0 : i32
        %dma_wait3A_94 = tpu.memref_slice %arg4[%multiple_of3A_72, %dma_wait3A_93] : memref<262144x128xf32, #tpu.memory_space<hbm>> -> memref<128x128xf32, #tpu.memory_space<hbm>>
        %dma_wait3A_95 = arith.constant 0 : i32
        %dma_wait3A_96 = arith.constant 0 : i32
        %dma_wait3A_97 = tpu.memref_slice %arg6[%run_scoped3A_73, %dma_wait3A_95, %dma_wait3A_96] : memref<2x128x128xf32, #tpu.memory_space<vmem>> -> memref<1x128x128xf32, #tpu.memory_space<vmem>>
        %dma_wait3A_98 = tpu.memref_squeeze %dma_wait3A_97 : memref<1x128x128xf32, #tpu.memory_space<vmem>> -> memref<128x128xf32, #tpu.memory_space<vmem>>
        tpu.wait_dma2 semaphore(%run_scoped3A_74 : memref<!tpu.dma_semaphore, #tpu.memory_space<semaphore_mem>>) src(%dma_wait3A_98 : memref<128x128xf32, #tpu.memory_space<vmem>>) dst(%dma_wait3A_94 : memref<128x128xf32, #tpu.memory_space<hbm>>)
        tpu.yield
      }) : () -> ()
    }
    %scan3A_20 = arith.constant 32 : i32
    return
  }
}

module attributes {stable_mosaic.version = 14 : i64} {
  func.func @_fps_body(%arg0: memref<16x2048xf32, #tpu.memory_space<vmem>>, %arg1: memref<16x2048xf32, #tpu.memory_space<vmem>>, %arg2: memref<16x2048xf32, #tpu.memory_space<vmem>>, %arg3: memref<16x512xf32, #tpu.memory_space<vmem>>, %arg4: memref<16x512xf32, #tpu.memory_space<vmem>>, %arg5: memref<16x512xf32, #tpu.memory_space<vmem>>) attributes {dimension_semantics = [], scalar_prefetch = 0 : i64, scratch_operands = 0 : i64, tpu.core_type = #tpu.core_type<tc>} {
    %get3A = arith.constant 0 : index
    %get3A_0 = arith.constant 0 : index
    %get3A_1 = vector.load %arg0[%get3A, %get3A_0] : memref<16x2048xf32, #tpu.memory_space<vmem>>, vector<16x2048xf32>
    %get3A_2 = arith.constant 0 : index
    %get3A_3 = arith.constant 0 : index
    %get3A_4 = vector.load %arg1[%get3A_2, %get3A_3] : memref<16x2048xf32, #tpu.memory_space<vmem>>, vector<16x2048xf32>
    %get3A_5 = arith.constant 0 : index
    %get3A_6 = arith.constant 0 : index
    %get3A_7 = vector.load %arg2[%get3A_5, %get3A_6] : memref<16x2048xf32, #tpu.memory_space<vmem>>, vector<16x2048xf32>
    %iota3A = tpu.iota {dimensions = array<i32: 1>} : vector<16x2048xi32>
    %iota3A_8 = tpu.iota {dimensions = array<i32: 1>} : vector<16x512xi32>
    %broadcast_in_dim3A = arith.constant 1.000000e+10 : f32
    %broadcast_in_dim3A_9 = vector.broadcast %broadcast_in_dim3A : f32 to vector<16x2048xf32>
    %broadcast_in_dim3A_10 = arith.constant 0 : i32
    %broadcast_in_dim3A_11 = vector.broadcast %broadcast_in_dim3A_10 : i32 to vector<16x1xi32>
    %broadcast_in_dim3A_12 = arith.constant 0.000000e+00 : f32
    %broadcast_in_dim3A_13 = vector.broadcast %broadcast_in_dim3A_12 : f32 to vector<16x512xf32>
    %broadcast_in_dim3A_14 = arith.constant 0.000000e+00 : f32
    %broadcast_in_dim3A_15 = vector.broadcast %broadcast_in_dim3A_14 : f32 to vector<16x512xf32>
    %broadcast_in_dim3A_16 = arith.constant 0.000000e+00 : f32
    %broadcast_in_dim3A_17 = vector.broadcast %broadcast_in_dim3A_16 : f32 to vector<16x512xf32>
    %scan3A = arith.constant 0 : i32
    %scan3A_18 = arith.constant 512 : i32
    %scan3A_19 = arith.addi %scan3A, %scan3A_18 : i32
    %scan3A_20 = arith.constant 1 : i32
    %scan3A_21:5 = scf.for %scan3A_31 = %scan3A to %scan3A_19 step %scan3A_20 iter_args(%scan3A_32 = %broadcast_in_dim3A_9, %scan3A_33 = %broadcast_in_dim3A_11, %scan3A_34 = %broadcast_in_dim3A_13, %scan3A_35 = %broadcast_in_dim3A_15, %scan3A_36 = %broadcast_in_dim3A_17) -> (vector<16x2048xf32>, vector<16x1xi32>, vector<16x512xf32>, vector<16x512xf32>, vector<16x512xf32>)  : i32 {
      %eq3A = vector.broadcast %scan3A_33 : vector<16x1xi32> to vector<16x2048xi32>
      %eq3A_37 = arith.cmpi eq, %iota3A, %eq3A : vector<16x2048xi32>
      %jit3A = arith.constant 0.000000e+00 : f32
      %broadcast_in_dim3A_38 = vector.broadcast %jit3A : f32 to vector<16x2048xf32>
      %select_n3A = arith.select %eq3A_37, %get3A_1, %broadcast_in_dim3A_38 : vector<16x2048xi1>, vector<16x2048xf32>
      %reduce_sum3A = arith.constant dense<0.000000e+00> : vector<16xf32>
      %reduce_sum3A_39 = vector.multi_reduction <add>, %select_n3A, %reduce_sum3A [1] : vector<16x2048xf32> to vector<16xf32>
      %broadcast_in_dim3A_40 = vector.shape_cast %reduce_sum3A_39 : vector<16xf32> to vector<16x1xf32>
      %jit3A_41 = arith.constant 0.000000e+00 : f32
      %broadcast_in_dim3A_42 = vector.broadcast %jit3A_41 : f32 to vector<16x2048xf32>
      %select_n3A_43 = arith.select %eq3A_37, %get3A_4, %broadcast_in_dim3A_42 : vector<16x2048xi1>, vector<16x2048xf32>
      %reduce_sum3A_44 = arith.constant dense<0.000000e+00> : vector<16xf32>
      %reduce_sum3A_45 = vector.multi_reduction <add>, %select_n3A_43, %reduce_sum3A_44 [1] : vector<16x2048xf32> to vector<16xf32>
      %broadcast_in_dim3A_46 = vector.shape_cast %reduce_sum3A_45 : vector<16xf32> to vector<16x1xf32>
      %jit3A_47 = arith.constant 0.000000e+00 : f32
      %broadcast_in_dim3A_48 = vector.broadcast %jit3A_47 : f32 to vector<16x2048xf32>
      %select_n3A_49 = arith.select %eq3A_37, %get3A_7, %broadcast_in_dim3A_48 : vector<16x2048xi1>, vector<16x2048xf32>
      %reduce_sum3A_50 = arith.constant dense<0.000000e+00> : vector<16xf32>
      %reduce_sum3A_51 = vector.multi_reduction <add>, %select_n3A_49, %reduce_sum3A_50 [1] : vector<16x2048xf32> to vector<16xf32>
      %broadcast_in_dim3A_52 = vector.shape_cast %reduce_sum3A_51 : vector<16xf32> to vector<16x1xf32>
      %eq3A_53 = vector.broadcast %scan3A_31 : i32 to vector<16x512xi32>
      %eq3A_54 = arith.cmpi eq, %iota3A_8, %eq3A_53 : vector<16x512xi32>
      %broadcast_in_dim3A_55 = vector.shape_cast %broadcast_in_dim3A_40 : vector<16x1xf32> to vector<16x1xf32>
      %broadcast_in_dim3A_56 = vector.broadcast %broadcast_in_dim3A_55 : vector<16x1xf32> to vector<16x512xf32>
      %select_n3A_57 = arith.select %eq3A_54, %broadcast_in_dim3A_56, %scan3A_34 : vector<16x512xi1>, vector<16x512xf32>
      %broadcast_in_dim3A_58 = vector.shape_cast %broadcast_in_dim3A_46 : vector<16x1xf32> to vector<16x1xf32>
      %broadcast_in_dim3A_59 = vector.broadcast %broadcast_in_dim3A_58 : vector<16x1xf32> to vector<16x512xf32>
      %select_n3A_60 = arith.select %eq3A_54, %broadcast_in_dim3A_59, %scan3A_35 : vector<16x512xi1>, vector<16x512xf32>
      %broadcast_in_dim3A_61 = vector.shape_cast %broadcast_in_dim3A_52 : vector<16x1xf32> to vector<16x1xf32>
      %broadcast_in_dim3A_62 = vector.broadcast %broadcast_in_dim3A_61 : vector<16x1xf32> to vector<16x512xf32>
      %select_n3A_63 = arith.select %eq3A_54, %broadcast_in_dim3A_62, %scan3A_36 : vector<16x512xi1>, vector<16x512xf32>
      %sub3A = vector.broadcast %broadcast_in_dim3A_40 : vector<16x1xf32> to vector<16x2048xf32>
      %sub3A_64 = arith.subf %get3A_1, %sub3A : vector<16x2048xf32>
      %integer_pow3A = arith.mulf %sub3A_64, %sub3A_64 : vector<16x2048xf32>
      %sub3A_65 = vector.broadcast %broadcast_in_dim3A_46 : vector<16x1xf32> to vector<16x2048xf32>
      %sub3A_66 = arith.subf %get3A_4, %sub3A_65 : vector<16x2048xf32>
      %integer_pow3A_67 = arith.mulf %sub3A_66, %sub3A_66 : vector<16x2048xf32>
      %add3A = arith.addf %integer_pow3A, %integer_pow3A_67 : vector<16x2048xf32>
      %sub3A_68 = vector.broadcast %broadcast_in_dim3A_52 : vector<16x1xf32> to vector<16x2048xf32>
      %sub3A_69 = arith.subf %get3A_7, %sub3A_68 : vector<16x2048xf32>
      %integer_pow3A_70 = arith.mulf %sub3A_69, %sub3A_69 : vector<16x2048xf32>
      %add3A_71 = arith.addf %add3A, %integer_pow3A_70 : vector<16x2048xf32>
      %min3A = arith.minimumf %scan3A_32, %add3A_71 : vector<16x2048xf32>
      %reduce_max3A = arith.constant dense<0xFF800000> : vector<16xf32>
      %reduce_max3A_72 = vector.multi_reduction <maximumf>, %min3A, %reduce_max3A [1] : vector<16x2048xf32> to vector<16xf32>
      %broadcast_in_dim3A_73 = vector.shape_cast %reduce_max3A_72 : vector<16xf32> to vector<16x1xf32>
      %eq3A_74 = vector.broadcast %broadcast_in_dim3A_73 : vector<16x1xf32> to vector<16x2048xf32>
      %eq3A_75 = arith.cmpf oeq, %min3A, %eq3A_74 : vector<16x2048xf32>
      %jit3A_76 = arith.constant 2048 : i32
      %broadcast_in_dim3A_77 = vector.broadcast %jit3A_76 : i32 to vector<16x2048xi32>
      %select_n3A_78 = arith.select %eq3A_75, %iota3A, %broadcast_in_dim3A_77 : vector<16x2048xi1>, vector<16x2048xi32>
      %reduce_min3A = arith.constant dense<2147483647> : vector<16xi32>
      %reduce_min3A_79 = vector.multi_reduction <minsi>, %select_n3A_78, %reduce_min3A [1] : vector<16x2048xi32> to vector<16xi32>
      %broadcast_in_dim3A_80 = vector.shape_cast %reduce_min3A_79 : vector<16xi32> to vector<16x1xi32>
      scf.yield %min3A, %broadcast_in_dim3A_80, %select_n3A_57, %select_n3A_60, %select_n3A_63 : vector<16x2048xf32>, vector<16x1xi32>, vector<16x512xf32>, vector<16x512xf32>, vector<16x512xf32>
    }
    %scan3A_22 = arith.constant 512 : i32
    %swap3A = arith.constant 0 : index
    %swap3A_23 = arith.constant 0 : index
    %swap3A_24 = vector.load %arg3[%swap3A, %swap3A_23] : memref<16x512xf32, #tpu.memory_space<vmem>>, vector<16x512xf32>
    tpu.vector_store %arg3[%swap3A, %swap3A_23], %scan3A_21#2 {strides = array<i32>} : memref<16x512xf32, #tpu.memory_space<vmem>>, vector<16x512xf32>,
    %swap3A_25 = arith.constant 0 : index
    %swap3A_26 = arith.constant 0 : index
    %swap3A_27 = vector.load %arg4[%swap3A_25, %swap3A_26] : memref<16x512xf32, #tpu.memory_space<vmem>>, vector<16x512xf32>
    tpu.vector_store %arg4[%swap3A_25, %swap3A_26], %scan3A_21#3 {strides = array<i32>} : memref<16x512xf32, #tpu.memory_space<vmem>>, vector<16x512xf32>,
    %swap3A_28 = arith.constant 0 : index
    %swap3A_29 = arith.constant 0 : index
    %swap3A_30 = vector.load %arg5[%swap3A_28, %swap3A_29] : memref<16x512xf32, #tpu.memory_space<vmem>>, vector<16x512xf32>
    tpu.vector_store %arg5[%swap3A_28, %swap3A_29], %scan3A_21#4 {strides = array<i32>} : memref<16x512xf32, #tpu.memory_space<vmem>>, vector<16x512xf32>,
    return
  }
}

module attributes {stable_mosaic.version = 14 : i64} {
  func.func @_bq_body(%arg0: i32, %arg1: i32, %arg2: memref<1x3x2048xf32, #tpu.memory_space<vmem>>, %arg3: memref<128x3xf32, #tpu.memory_space<vmem>>, %arg4: memref<1x128x32xi32, #tpu.memory_space<vmem>>) attributes {dimension_semantics = [#tpu.dimension_semantics<arbitrary>, #tpu.dimension_semantics<arbitrary>], iteration_bounds = array<i64: 16, 4>, scalar_prefetch = 0 : i64, scratch_operands = 0 : i64, tpu.core_type = #tpu.core_type<tc>, window_params = [{transform_indices = @transform_0, window_bounds = array<i64: 1, 3, 2048>}, {transform_indices = @transform_1, window_bounds = array<i64: 128, 3>}, {transform_indices = @transform_2, window_bounds = array<i64: 1, 128, 32>}]} {
    %get3A = arith.constant 0 : index
    %get3A_0 = arith.constant 0 : index
    %get3A_1 = arith.constant 0 : index
    %get3A_2 = vector.load %arg2[%get3A, %get3A_0, %get3A_1] : memref<1x3x2048xf32, #tpu.memory_space<vmem>>, vector<1x3x2048xf32>
    %get3A_3 = vector.shape_cast %get3A_2 : vector<1x3x2048xf32> to vector<3x2048xf32>
    %get3A_4 = arith.constant 0 : index
    %get3A_5 = arith.constant 0 : index
    %get3A_6 = vector.load %arg3[%get3A_4, %get3A_5] : memref<128x3xf32, #tpu.memory_space<vmem>>, vector<128x3xf32>
    %mul3A = arith.mulf %get3A_3, %get3A_3 : vector<3x2048xf32>
    %reduce_sum3A = arith.constant dense<0.000000e+00> : vector<2048xf32>
    %reduce_sum3A_7 = vector.multi_reduction <add>, %mul3A, %reduce_sum3A [0] : vector<3x2048xf32> to vector<2048xf32>
    %broadcast_in_dim3A = vector.shape_cast %reduce_sum3A_7 : vector<2048xf32> to vector<1x2048xf32>
    %mul3A_8 = arith.mulf %get3A_6, %get3A_6 : vector<128x3xf32>
    %reduce_sum3A_9 = arith.constant dense<0.000000e+00> : vector<128xf32>
    %reduce_sum3A_10 = vector.multi_reduction <add>, %mul3A_8, %reduce_sum3A_9 [1] : vector<128x3xf32> to vector<128xf32>
    %broadcast_in_dim3A_11 = vector.shape_cast %reduce_sum3A_10 : vector<128xf32> to vector<128x1xf32>
    %dot_general3A = arith.constant dense<0.000000e+00> : vector<128x2048xf32>
    %dot_general3A_12 = tpu.matmul %get3A_6, %get3A_3, %dot_general3A {dimension_numbers = #tpu.dot_dimension_numbers<[1], [0], [0], [1], [0, 0, 1, 1], [], []>, transpose_lhs_hint = false} : vector<128x3xf32>, vector<3x2048xf32>, vector<128x2048xf32> -> vector<128x2048xf32>
    %add3A = vector.broadcast %broadcast_in_dim3A_11 : vector<128x1xf32> to vector<128x2048xf32>
    %add3A_13 = vector.broadcast %broadcast_in_dim3A : vector<1x2048xf32> to vector<128x2048xf32>
    %add3A_14 = arith.addf %add3A, %add3A_13 : vector<128x2048xf32>
    %mul3A_15 = arith.constant 2.000000e+00 : f32
    %mul3A_16 = vector.broadcast %mul3A_15 : f32 to vector<128x2048xf32>
    %mul3A_17 = arith.mulf %mul3A_16, %dot_general3A_12 : vector<128x2048xf32>
    %sub3A = arith.subf %add3A_14, %mul3A_17 : vector<128x2048xf32>
    %iota3A = tpu.iota {dimensions = array<i32: 1>} : vector<128x2048xi32>
    %iota3A_18 = tpu.iota {dimensions = array<i32: 1>} : vector<128x32xi32>
    %le3A = arith.constant 4.000000e-02 : f32
    %le3A_19 = vector.broadcast %le3A : f32 to vector<128x2048xf32>
    %le3A_20 = arith.cmpf ole, %sub3A, %le3A_19 : vector<128x2048xf32>
    %jit3A = arith.constant 2048 : i32
    %broadcast_in_dim3A_21 = vector.broadcast %jit3A : i32 to vector<128x2048xi32>
    %select_n3A = arith.select %le3A_20, %iota3A, %broadcast_in_dim3A_21 : vector<128x2048xi1>, vector<128x2048xi32>
    %broadcast_in_dim3A_22 = arith.constant 2048 : i32
    %broadcast_in_dim3A_23 = vector.broadcast %broadcast_in_dim3A_22 : i32 to vector<128x32xi32>
    %scan3A = arith.constant 0 : i32
    %scan3A_24 = arith.constant 32 : i32
    %scan3A_25 = arith.addi %scan3A, %scan3A_24 : i32
    %scan3A_26 = arith.constant 1 : i32
    %scan3A_27:2 = scf.for %scan3A_43 = %scan3A to %scan3A_25 step %scan3A_26 iter_args(%scan3A_44 = %select_n3A, %scan3A_45 = %broadcast_in_dim3A_23) -> (vector<128x2048xi32>, vector<128x32xi32>)  : i32 {
      %reduce_min3A = arith.constant dense<2147483647> : vector<128xi32>
      %reduce_min3A_46 = vector.multi_reduction <minsi>, %scan3A_44, %reduce_min3A [1] : vector<128x2048xi32> to vector<128xi32>
      %broadcast_in_dim3A_47 = vector.shape_cast %reduce_min3A_46 : vector<128xi32> to vector<128x1xi32>
      %eq3A = vector.broadcast %scan3A_43 : i32 to vector<128x32xi32>
      %eq3A_48 = arith.cmpi eq, %iota3A_18, %eq3A : vector<128x32xi32>
      %broadcast_in_dim3A_49 = vector.shape_cast %broadcast_in_dim3A_47 : vector<128x1xi32> to vector<128x1xi32>
      %broadcast_in_dim3A_50 = vector.broadcast %broadcast_in_dim3A_49 : vector<128x1xi32> to vector<128x32xi32>
      %select_n3A_51 = arith.select %eq3A_48, %broadcast_in_dim3A_50, %scan3A_45 : vector<128x32xi1>, vector<128x32xi32>
      %eq3A_52 = vector.broadcast %broadcast_in_dim3A_47 : vector<128x1xi32> to vector<128x2048xi32>
      %eq3A_53 = arith.cmpi eq, %scan3A_44, %eq3A_52 : vector<128x2048xi32>
      %jit3A_54 = arith.constant 2048 : i32
      %broadcast_in_dim3A_55 = vector.broadcast %jit3A_54 : i32 to vector<128x2048xi32>
      %select_n3A_56 = arith.select %eq3A_53, %broadcast_in_dim3A_55, %scan3A_44 : vector<128x2048xi1>, vector<128x2048xi32>
      scf.yield %select_n3A_56, %select_n3A_51 : vector<128x2048xi32>, vector<128x32xi32>
    }
    %scan3A_28 = arith.constant 32 : i32
    %slice3A = vector.extract_strided_slice %scan3A_27#1 {offsets = [0, 0], sizes = [128, 1], strides = [1, 1]} : vector<128x32xi32> to vector<128x1xi32>
    %lt3A = arith.constant 2048 : i32
    %lt3A_29 = vector.broadcast %lt3A : i32 to vector<128x32xi32>
    %lt3A_30 = arith.cmpi slt, %scan3A_27#1, %lt3A_29 : vector<128x32xi32>
    %broadcast_in_dim3A_31 = vector.shape_cast %slice3A : vector<128x1xi32> to vector<128x1xi32>
    %broadcast_in_dim3A_32 = vector.broadcast %broadcast_in_dim3A_31 : vector<128x1xi32> to vector<128x32xi32>
    %select_n3A_33 = arith.select %lt3A_30, %scan3A_27#1, %broadcast_in_dim3A_32 : vector<128x32xi1>, vector<128x32xi32>
    %mul3A_34 = arith.constant 2048 : i32
    %mul3A_35 = arith.muli %arg0, %mul3A_34 : i32
    %add3A_36 = vector.broadcast %mul3A_35 : i32 to vector<128x32xi32>
    %add3A_37 = arith.addi %select_n3A_33, %add3A_36 : vector<128x32xi32>
    %swap3A = arith.constant 0 : index
    %swap3A_38 = arith.constant 0 : index
    %swap3A_39 = arith.constant 0 : index
    %swap3A_40 = vector.load %arg4[%swap3A, %swap3A_38, %swap3A_39] : memref<1x128x32xi32, #tpu.memory_space<vmem>>, vector<1x128x32xi32>
    %swap3A_41 = vector.shape_cast %swap3A_40 : vector<1x128x32xi32> to vector<128x32xi32>
    %swap3A_42 = vector.shape_cast %add3A_37 : vector<128x32xi32> to vector<1x128x32xi32>
    tpu.vector_store %arg4[%swap3A, %swap3A_38, %swap3A_39], %swap3A_42 {strides = array<i32>} : memref<1x128x32xi32, #tpu.memory_space<vmem>>, vector<1x128x32xi32>,
    return
  }
  func.func @transform_0(%arg0: i32, %arg1: i32) -> (i32, i32, i32) {
    %c0_i32 = arith.constant 0 : i32
    %c0_i32_0 = arith.constant 0 : i32
    %c0_i32_1 = arith.constant 0 : i32
    return %arg0, %c0_i32, %c0_i32_0 : i32, i32, i32
  }
  func.func @transform_1(%arg0: i32, %arg1: i32) -> (i32, i32) {
    %mul3A = arith.constant 4 : i32
    %mul3A_0 = arith.muli %arg0, %mul3A : i32
    %add3A = arith.addi %mul3A_0, %arg1 : i32
    %c0_i32 = arith.constant 0 : i32
    %c0_i32_1 = arith.constant 0 : i32
    return %add3A, %c0_i32 : i32, i32
  }
  func.func @transform_2(%arg0: i32, %arg1: i32) -> (i32, i32, i32) {
    %c0_i32 = arith.constant 0 : i32
    %c0_i32_0 = arith.constant 0 : i32
    return %arg0, %arg1, %c0_i32 : i32, i32, i32
  }
}

module attributes {stable_mosaic.version = 14 : i64} {
  func.func @_fps_body(%arg0: memref<16x512xf32, #tpu.memory_space<vmem>>, %arg1: memref<16x512xf32, #tpu.memory_space<vmem>>, %arg2: memref<16x512xf32, #tpu.memory_space<vmem>>, %arg3: memref<16x128xf32, #tpu.memory_space<vmem>>, %arg4: memref<16x128xf32, #tpu.memory_space<vmem>>, %arg5: memref<16x128xf32, #tpu.memory_space<vmem>>) attributes {dimension_semantics = [], scalar_prefetch = 0 : i64, scratch_operands = 0 : i64, tpu.core_type = #tpu.core_type<tc>} {
    %get3A = arith.constant 0 : index
    %get3A_0 = arith.constant 0 : index
    %get3A_1 = vector.load %arg0[%get3A, %get3A_0] : memref<16x512xf32, #tpu.memory_space<vmem>>, vector<16x512xf32>
    %get3A_2 = arith.constant 0 : index
    %get3A_3 = arith.constant 0 : index
    %get3A_4 = vector.load %arg1[%get3A_2, %get3A_3] : memref<16x512xf32, #tpu.memory_space<vmem>>, vector<16x512xf32>
    %get3A_5 = arith.constant 0 : index
    %get3A_6 = arith.constant 0 : index
    %get3A_7 = vector.load %arg2[%get3A_5, %get3A_6] : memref<16x512xf32, #tpu.memory_space<vmem>>, vector<16x512xf32>
    %iota3A = tpu.iota {dimensions = array<i32: 1>} : vector<16x512xi32>
    %iota3A_8 = tpu.iota {dimensions = array<i32: 1>} : vector<16x128xi32>
    %broadcast_in_dim3A = arith.constant 1.000000e+10 : f32
    %broadcast_in_dim3A_9 = vector.broadcast %broadcast_in_dim3A : f32 to vector<16x512xf32>
    %broadcast_in_dim3A_10 = arith.constant 0 : i32
    %broadcast_in_dim3A_11 = vector.broadcast %broadcast_in_dim3A_10 : i32 to vector<16x1xi32>
    %broadcast_in_dim3A_12 = arith.constant 0.000000e+00 : f32
    %broadcast_in_dim3A_13 = vector.broadcast %broadcast_in_dim3A_12 : f32 to vector<16x128xf32>
    %broadcast_in_dim3A_14 = arith.constant 0.000000e+00 : f32
    %broadcast_in_dim3A_15 = vector.broadcast %broadcast_in_dim3A_14 : f32 to vector<16x128xf32>
    %broadcast_in_dim3A_16 = arith.constant 0.000000e+00 : f32
    %broadcast_in_dim3A_17 = vector.broadcast %broadcast_in_dim3A_16 : f32 to vector<16x128xf32>
    %scan3A = arith.constant 0 : i32
    %scan3A_18 = arith.constant 128 : i32
    %scan3A_19 = arith.addi %scan3A, %scan3A_18 : i32
    %scan3A_20 = arith.constant 1 : i32
    %scan3A_21:5 = scf.for %scan3A_31 = %scan3A to %scan3A_19 step %scan3A_20 iter_args(%scan3A_32 = %broadcast_in_dim3A_9, %scan3A_33 = %broadcast_in_dim3A_11, %scan3A_34 = %broadcast_in_dim3A_13, %scan3A_35 = %broadcast_in_dim3A_15, %scan3A_36 = %broadcast_in_dim3A_17) -> (vector<16x512xf32>, vector<16x1xi32>, vector<16x128xf32>, vector<16x128xf32>, vector<16x128xf32>)  : i32 {
      %eq3A = vector.broadcast %scan3A_33 : vector<16x1xi32> to vector<16x512xi32>
      %eq3A_37 = arith.cmpi eq, %iota3A, %eq3A : vector<16x512xi32>
      %jit3A = arith.constant 0.000000e+00 : f32
      %broadcast_in_dim3A_38 = vector.broadcast %jit3A : f32 to vector<16x512xf32>
      %select_n3A = arith.select %eq3A_37, %get3A_1, %broadcast_in_dim3A_38 : vector<16x512xi1>, vector<16x512xf32>
      %reduce_sum3A = arith.constant dense<0.000000e+00> : vector<16xf32>
      %reduce_sum3A_39 = vector.multi_reduction <add>, %select_n3A, %reduce_sum3A [1] : vector<16x512xf32> to vector<16xf32>
      %broadcast_in_dim3A_40 = vector.shape_cast %reduce_sum3A_39 : vector<16xf32> to vector<16x1xf32>
      %jit3A_41 = arith.constant 0.000000e+00 : f32
      %broadcast_in_dim3A_42 = vector.broadcast %jit3A_41 : f32 to vector<16x512xf32>
      %select_n3A_43 = arith.select %eq3A_37, %get3A_4, %broadcast_in_dim3A_42 : vector<16x512xi1>, vector<16x512xf32>
      %reduce_sum3A_44 = arith.constant dense<0.000000e+00> : vector<16xf32>
      %reduce_sum3A_45 = vector.multi_reduction <add>, %select_n3A_43, %reduce_sum3A_44 [1] : vector<16x512xf32> to vector<16xf32>
      %broadcast_in_dim3A_46 = vector.shape_cast %reduce_sum3A_45 : vector<16xf32> to vector<16x1xf32>
      %jit3A_47 = arith.constant 0.000000e+00 : f32
      %broadcast_in_dim3A_48 = vector.broadcast %jit3A_47 : f32 to vector<16x512xf32>
      %select_n3A_49 = arith.select %eq3A_37, %get3A_7, %broadcast_in_dim3A_48 : vector<16x512xi1>, vector<16x512xf32>
      %reduce_sum3A_50 = arith.constant dense<0.000000e+00> : vector<16xf32>
      %reduce_sum3A_51 = vector.multi_reduction <add>, %select_n3A_49, %reduce_sum3A_50 [1] : vector<16x512xf32> to vector<16xf32>
      %broadcast_in_dim3A_52 = vector.shape_cast %reduce_sum3A_51 : vector<16xf32> to vector<16x1xf32>
      %eq3A_53 = vector.broadcast %scan3A_31 : i32 to vector<16x128xi32>
      %eq3A_54 = arith.cmpi eq, %iota3A_8, %eq3A_53 : vector<16x128xi32>
      %broadcast_in_dim3A_55 = vector.shape_cast %broadcast_in_dim3A_40 : vector<16x1xf32> to vector<16x1xf32>
      %broadcast_in_dim3A_56 = vector.broadcast %broadcast_in_dim3A_55 : vector<16x1xf32> to vector<16x128xf32>
      %select_n3A_57 = arith.select %eq3A_54, %broadcast_in_dim3A_56, %scan3A_34 : vector<16x128xi1>, vector<16x128xf32>
      %broadcast_in_dim3A_58 = vector.shape_cast %broadcast_in_dim3A_46 : vector<16x1xf32> to vector<16x1xf32>
      %broadcast_in_dim3A_59 = vector.broadcast %broadcast_in_dim3A_58 : vector<16x1xf32> to vector<16x128xf32>
      %select_n3A_60 = arith.select %eq3A_54, %broadcast_in_dim3A_59, %scan3A_35 : vector<16x128xi1>, vector<16x128xf32>
      %broadcast_in_dim3A_61 = vector.shape_cast %broadcast_in_dim3A_52 : vector<16x1xf32> to vector<16x1xf32>
      %broadcast_in_dim3A_62 = vector.broadcast %broadcast_in_dim3A_61 : vector<16x1xf32> to vector<16x128xf32>
      %select_n3A_63 = arith.select %eq3A_54, %broadcast_in_dim3A_62, %scan3A_36 : vector<16x128xi1>, vector<16x128xf32>
      %sub3A = vector.broadcast %broadcast_in_dim3A_40 : vector<16x1xf32> to vector<16x512xf32>
      %sub3A_64 = arith.subf %get3A_1, %sub3A : vector<16x512xf32>
      %integer_pow3A = arith.mulf %sub3A_64, %sub3A_64 : vector<16x512xf32>
      %sub3A_65 = vector.broadcast %broadcast_in_dim3A_46 : vector<16x1xf32> to vector<16x512xf32>
      %sub3A_66 = arith.subf %get3A_4, %sub3A_65 : vector<16x512xf32>
      %integer_pow3A_67 = arith.mulf %sub3A_66, %sub3A_66 : vector<16x512xf32>
      %add3A = arith.addf %integer_pow3A, %integer_pow3A_67 : vector<16x512xf32>
      %sub3A_68 = vector.broadcast %broadcast_in_dim3A_52 : vector<16x1xf32> to vector<16x512xf32>
      %sub3A_69 = arith.subf %get3A_7, %sub3A_68 : vector<16x512xf32>
      %integer_pow3A_70 = arith.mulf %sub3A_69, %sub3A_69 : vector<16x512xf32>
      %add3A_71 = arith.addf %add3A, %integer_pow3A_70 : vector<16x512xf32>
      %min3A = arith.minimumf %scan3A_32, %add3A_71 : vector<16x512xf32>
      %reduce_max3A = arith.constant dense<0xFF800000> : vector<16xf32>
      %reduce_max3A_72 = vector.multi_reduction <maximumf>, %min3A, %reduce_max3A [1] : vector<16x512xf32> to vector<16xf32>
      %broadcast_in_dim3A_73 = vector.shape_cast %reduce_max3A_72 : vector<16xf32> to vector<16x1xf32>
      %eq3A_74 = vector.broadcast %broadcast_in_dim3A_73 : vector<16x1xf32> to vector<16x512xf32>
      %eq3A_75 = arith.cmpf oeq, %min3A, %eq3A_74 : vector<16x512xf32>
      %jit3A_76 = arith.constant 512 : i32
      %broadcast_in_dim3A_77 = vector.broadcast %jit3A_76 : i32 to vector<16x512xi32>
      %select_n3A_78 = arith.select %eq3A_75, %iota3A, %broadcast_in_dim3A_77 : vector<16x512xi1>, vector<16x512xi32>
      %reduce_min3A = arith.constant dense<2147483647> : vector<16xi32>
      %reduce_min3A_79 = vector.multi_reduction <minsi>, %select_n3A_78, %reduce_min3A [1] : vector<16x512xi32> to vector<16xi32>
      %broadcast_in_dim3A_80 = vector.shape_cast %reduce_min3A_79 : vector<16xi32> to vector<16x1xi32>
      scf.yield %min3A, %broadcast_in_dim3A_80, %select_n3A_57, %select_n3A_60, %select_n3A_63 : vector<16x512xf32>, vector<16x1xi32>, vector<16x128xf32>, vector<16x128xf32>, vector<16x128xf32>
    }
    %scan3A_22 = arith.constant 128 : i32
    %swap3A = arith.constant 0 : index
    %swap3A_23 = arith.constant 0 : index
    %swap3A_24 = vector.load %arg3[%swap3A, %swap3A_23] : memref<16x128xf32, #tpu.memory_space<vmem>>, vector<16x128xf32>
    tpu.vector_store %arg3[%swap3A, %swap3A_23], %scan3A_21#2 {strides = array<i32>} : memref<16x128xf32, #tpu.memory_space<vmem>>, vector<16x128xf32>,
    %swap3A_25 = arith.constant 0 : index
    %swap3A_26 = arith.constant 0 : index
    %swap3A_27 = vector.load %arg4[%swap3A_25, %swap3A_26] : memref<16x128xf32, #tpu.memory_space<vmem>>, vector<16x128xf32>
    tpu.vector_store %arg4[%swap3A_25, %swap3A_26], %scan3A_21#3 {strides = array<i32>} : memref<16x128xf32, #tpu.memory_space<vmem>>, vector<16x128xf32>,
    %swap3A_28 = arith.constant 0 : index
    %swap3A_29 = arith.constant 0 : index
    %swap3A_30 = vector.load %arg5[%swap3A_28, %swap3A_29] : memref<16x128xf32, #tpu.memory_space<vmem>>, vector<16x128xf32>
    tpu.vector_store %arg5[%swap3A_28, %swap3A_29], %scan3A_21#4 {strides = array<i32>} : memref<16x128xf32, #tpu.memory_space<vmem>>, vector<16x128xf32>,
    return
  }
}

module attributes {stable_mosaic.version = 14 : i64} {
  func.func @_bq_body(%arg0: i32, %arg1: i32, %arg2: memref<1x3x512xf32, #tpu.memory_space<vmem>>, %arg3: memref<128x3xf32, #tpu.memory_space<vmem>>, %arg4: memref<1x128x64xi32, #tpu.memory_space<vmem>>) attributes {dimension_semantics = [#tpu.dimension_semantics<arbitrary>, #tpu.dimension_semantics<arbitrary>], iteration_bounds = array<i64: 16, 1>, scalar_prefetch = 0 : i64, scratch_operands = 0 : i64, tpu.core_type = #tpu.core_type<tc>, window_params = [{transform_indices = @transform_0, window_bounds = array<i64: 1, 3, 512>}, {transform_indices = @transform_1, window_bounds = array<i64: 128, 3>}, {transform_indices = @transform_2, window_bounds = array<i64: 1, 128, 64>}]} {
    %get3A = arith.constant 0 : index
    %get3A_0 = arith.constant 0 : index
    %get3A_1 = arith.constant 0 : index
    %get3A_2 = vector.load %arg2[%get3A, %get3A_0, %get3A_1] : memref<1x3x512xf32, #tpu.memory_space<vmem>>, vector<1x3x512xf32>
    %get3A_3 = vector.shape_cast %get3A_2 : vector<1x3x512xf32> to vector<3x512xf32>
    %get3A_4 = arith.constant 0 : index
    %get3A_5 = arith.constant 0 : index
    %get3A_6 = vector.load %arg3[%get3A_4, %get3A_5] : memref<128x3xf32, #tpu.memory_space<vmem>>, vector<128x3xf32>
    %mul3A = arith.mulf %get3A_3, %get3A_3 : vector<3x512xf32>
    %reduce_sum3A = arith.constant dense<0.000000e+00> : vector<512xf32>
    %reduce_sum3A_7 = vector.multi_reduction <add>, %mul3A, %reduce_sum3A [0] : vector<3x512xf32> to vector<512xf32>
    %broadcast_in_dim3A = vector.shape_cast %reduce_sum3A_7 : vector<512xf32> to vector<1x512xf32>
    %mul3A_8 = arith.mulf %get3A_6, %get3A_6 : vector<128x3xf32>
    %reduce_sum3A_9 = arith.constant dense<0.000000e+00> : vector<128xf32>
    %reduce_sum3A_10 = vector.multi_reduction <add>, %mul3A_8, %reduce_sum3A_9 [1] : vector<128x3xf32> to vector<128xf32>
    %broadcast_in_dim3A_11 = vector.shape_cast %reduce_sum3A_10 : vector<128xf32> to vector<128x1xf32>
    %dot_general3A = arith.constant dense<0.000000e+00> : vector<128x512xf32>
    %dot_general3A_12 = tpu.matmul %get3A_6, %get3A_3, %dot_general3A {dimension_numbers = #tpu.dot_dimension_numbers<[1], [0], [0], [1], [0, 0, 1, 1], [], []>, transpose_lhs_hint = false} : vector<128x3xf32>, vector<3x512xf32>, vector<128x512xf32> -> vector<128x512xf32>
    %add3A = vector.broadcast %broadcast_in_dim3A_11 : vector<128x1xf32> to vector<128x512xf32>
    %add3A_13 = vector.broadcast %broadcast_in_dim3A : vector<1x512xf32> to vector<128x512xf32>
    %add3A_14 = arith.addf %add3A, %add3A_13 : vector<128x512xf32>
    %mul3A_15 = arith.constant 2.000000e+00 : f32
    %mul3A_16 = vector.broadcast %mul3A_15 : f32 to vector<128x512xf32>
    %mul3A_17 = arith.mulf %mul3A_16, %dot_general3A_12 : vector<128x512xf32>
    %sub3A = arith.subf %add3A_14, %mul3A_17 : vector<128x512xf32>
    %iota3A = tpu.iota {dimensions = array<i32: 1>} : vector<128x512xi32>
    %iota3A_18 = tpu.iota {dimensions = array<i32: 1>} : vector<128x64xi32>
    %le3A = arith.constant 1.600000e-01 : f32
    %le3A_19 = vector.broadcast %le3A : f32 to vector<128x512xf32>
    %le3A_20 = arith.cmpf ole, %sub3A, %le3A_19 : vector<128x512xf32>
    %jit3A = arith.constant 512 : i32
    %broadcast_in_dim3A_21 = vector.broadcast %jit3A : i32 to vector<128x512xi32>
    %select_n3A = arith.select %le3A_20, %iota3A, %broadcast_in_dim3A_21 : vector<128x512xi1>, vector<128x512xi32>
    %broadcast_in_dim3A_22 = arith.constant 512 : i32
    %broadcast_in_dim3A_23 = vector.broadcast %broadcast_in_dim3A_22 : i32 to vector<128x64xi32>
    %scan3A = arith.constant 0 : i32
    %scan3A_24 = arith.constant 64 : i32
    %scan3A_25 = arith.addi %scan3A, %scan3A_24 : i32
    %scan3A_26 = arith.constant 1 : i32
    %scan3A_27:2 = scf.for %scan3A_43 = %scan3A to %scan3A_25 step %scan3A_26 iter_args(%scan3A_44 = %select_n3A, %scan3A_45 = %broadcast_in_dim3A_23) -> (vector<128x512xi32>, vector<128x64xi32>)  : i32 {
      %reduce_min3A = arith.constant dense<2147483647> : vector<128xi32>
      %reduce_min3A_46 = vector.multi_reduction <minsi>, %scan3A_44, %reduce_min3A [1] : vector<128x512xi32> to vector<128xi32>
      %broadcast_in_dim3A_47 = vector.shape_cast %reduce_min3A_46 : vector<128xi32> to vector<128x1xi32>
      %eq3A = vector.broadcast %scan3A_43 : i32 to vector<128x64xi32>
      %eq3A_48 = arith.cmpi eq, %iota3A_18, %eq3A : vector<128x64xi32>
      %broadcast_in_dim3A_49 = vector.shape_cast %broadcast_in_dim3A_47 : vector<128x1xi32> to vector<128x1xi32>
      %broadcast_in_dim3A_50 = vector.broadcast %broadcast_in_dim3A_49 : vector<128x1xi32> to vector<128x64xi32>
      %select_n3A_51 = arith.select %eq3A_48, %broadcast_in_dim3A_50, %scan3A_45 : vector<128x64xi1>, vector<128x64xi32>
      %eq3A_52 = vector.broadcast %broadcast_in_dim3A_47 : vector<128x1xi32> to vector<128x512xi32>
      %eq3A_53 = arith.cmpi eq, %scan3A_44, %eq3A_52 : vector<128x512xi32>
      %jit3A_54 = arith.constant 512 : i32
      %broadcast_in_dim3A_55 = vector.broadcast %jit3A_54 : i32 to vector<128x512xi32>
      %select_n3A_56 = arith.select %eq3A_53, %broadcast_in_dim3A_55, %scan3A_44 : vector<128x512xi1>, vector<128x512xi32>
      scf.yield %select_n3A_56, %select_n3A_51 : vector<128x512xi32>, vector<128x64xi32>
    }
    %scan3A_28 = arith.constant 64 : i32
    %slice3A = vector.extract_strided_slice %scan3A_27#1 {offsets = [0, 0], sizes = [128, 1], strides = [1, 1]} : vector<128x64xi32> to vector<128x1xi32>
    %lt3A = arith.constant 512 : i32
    %lt3A_29 = vector.broadcast %lt3A : i32 to vector<128x64xi32>
    %lt3A_30 = arith.cmpi slt, %scan3A_27#1, %lt3A_29 : vector<128x64xi32>
    %broadcast_in_dim3A_31 = vector.shape_cast %slice3A : vector<128x1xi32> to vector<128x1xi32>
    %broadcast_in_dim3A_32 = vector.broadcast %broadcast_in_dim3A_31 : vector<128x1xi32> to vector<128x64xi32>
    %select_n3A_33 = arith.select %lt3A_30, %scan3A_27#1, %broadcast_in_dim3A_32 : vector<128x64xi1>, vector<128x64xi32>
    %mul3A_34 = arith.constant 512 : i32
    %mul3A_35 = arith.muli %arg0, %mul3A_34 : i32
    %add3A_36 = vector.broadcast %mul3A_35 : i32 to vector<128x64xi32>
    %add3A_37 = arith.addi %select_n3A_33, %add3A_36 : vector<128x64xi32>
    %swap3A = arith.constant 0 : index
    %swap3A_38 = arith.constant 0 : index
    %swap3A_39 = arith.constant 0 : index
    %swap3A_40 = vector.load %arg4[%swap3A, %swap3A_38, %swap3A_39] : memref<1x128x64xi32, #tpu.memory_space<vmem>>, vector<1x128x64xi32>
    %swap3A_41 = vector.shape_cast %swap3A_40 : vector<1x128x64xi32> to vector<128x64xi32>
    %swap3A_42 = vector.shape_cast %add3A_37 : vector<128x64xi32> to vector<1x128x64xi32>
    tpu.vector_store %arg4[%swap3A, %swap3A_38, %swap3A_39], %swap3A_42 {strides = array<i32>} : memref<1x128x64xi32, #tpu.memory_space<vmem>>, vector<1x128x64xi32>,
    return
  }
  func.func @transform_0(%arg0: i32, %arg1: i32) -> (i32, i32, i32) {
    %c0_i32 = arith.constant 0 : i32
    %c0_i32_0 = arith.constant 0 : i32
    %c0_i32_1 = arith.constant 0 : i32
    return %arg0, %c0_i32, %c0_i32_0 : i32, i32, i32
  }
  func.func @transform_1(%arg0: i32, %arg1: i32) -> (i32, i32) {
    %mul3A = arith.constant 1 : i32
    %mul3A_0 = arith.muli %arg0, %mul3A : i32
    %add3A = arith.addi %mul3A_0, %arg1 : i32
    %c0_i32 = arith.constant 0 : i32
    %c0_i32_1 = arith.constant 0 : i32
    return %add3A, %c0_i32 : i32, i32
  }
  func.func @transform_2(%arg0: i32, %arg1: i32) -> (i32, i32, i32) {
    %c0_i32 = arith.constant 0 : i32
    %c0_i32_0 = arith.constant 0 : i32
    return %arg0, %arg1, %c0_i32 : i32, i32, i32
  }
}

module attributes {stable_mosaic.version = 14 : i64} {
  func.func @_sagroup_body(%arg0: i32, %arg1: memref<4096x128xf32, #tpu.memory_space<vmem>>, %arg2: memref<128x3xf32, #tpu.memory_space<vmem>>, %arg3: memref<6x64xf32, #tpu.memory_space<vmem>>, %arg4: memref<1x64xf32, #tpu.memory_space<vmem>>, %arg5: memref<1x64xf32, #tpu.memory_space<vmem>>, %arg6: memref<1x64xf32, #tpu.memory_space<vmem>>, %arg7: memref<64x64xf32, #tpu.memory_space<vmem>>, %arg8: memref<1x64xf32, #tpu.memory_space<vmem>>, %arg9: memref<1x64xf32, #tpu.memory_space<vmem>>, %arg10: memref<1x64xf32, #tpu.memory_space<vmem>>, %arg11: memref<64x128xf32, #tpu.memory_space<vmem>>, %arg12: memref<1x128xf32, #tpu.memory_space<vmem>>, %arg13: memref<1x128xf32, #tpu.memory_space<vmem>>, %arg14: memref<1x128xf32, #tpu.memory_space<vmem>>, %arg15: memref<128x128xf32, #tpu.memory_space<vmem>>) attributes {dimension_semantics = [#tpu.dimension_semantics<arbitrary>], iteration_bounds = array<i64: 64>, scalar_prefetch = 0 : i64, scratch_operands = 0 : i64, tpu.core_type = #tpu.core_type<tc>, window_params = [{transform_indices = @transform_0, window_bounds = array<i64: 4096, 128>}, {transform_indices = @transform_1, window_bounds = array<i64: 128, 3>}, {pipeline_mode = #tpu.pipeline_mode<synchronous>, transform_indices = @transform_2, window_bounds = array<i64: 6, 64>}, {pipeline_mode = #tpu.pipeline_mode<synchronous>, transform_indices = @transform_3, window_bounds = array<i64: 1, 64>}, {pipeline_mode = #tpu.pipeline_mode<synchronous>, transform_indices = @transform_4, window_bounds = array<i64: 1, 64>}, {pipeline_mode = #tpu.pipeline_mode<synchronous>, transform_indices = @transform_5, window_bounds = array<i64: 1, 64>}, {pipeline_mode = #tpu.pipeline_mode<synchronous>, transform_indices = @transform_6, window_bounds = array<i64: 64, 64>}, {pipeline_mode = #tpu.pipeline_mode<synchronous>, transform_indices = @transform_7, window_bounds = array<i64: 1, 64>}, {pipeline_mode = #tpu.pipeline_mode<synchronous>, transform_indices = @transform_8, window_bounds = array<i64: 1, 64>}, {pipeline_mode = #tpu.pipeline_mode<synchronous>, transform_indices = @transform_9, window_bounds = array<i64: 1, 64>}, {pipeline_mode = #tpu.pipeline_mode<synchronous>, transform_indices = @transform_10, window_bounds = array<i64: 64, 128>}, {pipeline_mode = #tpu.pipeline_mode<synchronous>, transform_indices = @transform_11, window_bounds = array<i64: 1, 128>}, {pipeline_mode = #tpu.pipeline_mode<synchronous>, transform_indices = @transform_12, window_bounds = array<i64: 1, 128>}, {pipeline_mode = #tpu.pipeline_mode<synchronous>, transform_indices = @transform_13, window_bounds = array<i64: 1, 128>}, {transform_indices = @transform_14, window_bounds = array<i64: 128, 128>}]} {
    %get3A = arith.constant 0 : index
    %get3A_0 = arith.constant 0 : index
    %get3A_1 = vector.load %arg1[%get3A, %get3A_0] : memref<4096x128xf32, #tpu.memory_space<vmem>>, vector<4096x128xf32>
    %get3A_2 = arith.constant 0 : index
    %get3A_3 = arith.constant 0 : index
    %get3A_4 = vector.load %arg2[%get3A_2, %get3A_3] : memref<128x3xf32, #tpu.memory_space<vmem>>, vector<128x3xf32>
    %broadcast_in_dim3A = vector.shape_cast %get3A_4 : vector<128x3xf32> to vector<128x1x3xf32>
    %broadcast_in_dim3A_5 = vector.shape_cast %broadcast_in_dim3A : vector<128x1x3xf32> to vector<128x1x3xf32>
    %broadcast_in_dim3A_6 = vector.broadcast %broadcast_in_dim3A_5 : vector<128x1x3xf32> to vector<128x32x3xf32>
    %reshape3A = vector.shape_cast %broadcast_in_dim3A_6 : vector<128x32x3xf32> to vector<4096x3xf32>
    %slice3A = vector.extract_strided_slice %get3A_1 {offsets = [0, 0], sizes = [4096, 3], strides = [1, 1]} : vector<4096x128xf32> to vector<4096x3xf32>
    %sub3A = arith.subf %slice3A, %reshape3A : vector<4096x3xf32>
    %slice3A_7 = vector.extract_strided_slice %get3A_1 {offsets = [0, 0], sizes = [4096, 3], strides = [1, 1]} : vector<4096x128xf32> to vector<4096x3xf32>
    %concatenate3A = tpu.concatenate %sub3A, %slice3A_7 in 1 : vector<4096x3xf32>, vector<4096x3xf32> -> vector<4096x6xf32>
    %get3A_8 = arith.constant 0 : index
    %get3A_9 = arith.constant 0 : index
    %get3A_10 = vector.load %arg3[%get3A_8, %get3A_9] : memref<6x64xf32, #tpu.memory_space<vmem>>, vector<6x64xf32>
    %dot_general3A = arith.constant dense<0.000000e+00> : vector<4096x64xf32>
    %dot_general3A_11 = tpu.matmul %concatenate3A, %get3A_10, %dot_general3A {dimension_numbers = #tpu.dot_dimension_numbers<[1], [0], [0], [1], [0, 0, 1, 1], [], []>, transpose_lhs_hint = false} : vector<4096x6xf32>, vector<6x64xf32>, vector<4096x64xf32> -> vector<4096x64xf32>
    %get3A_12 = arith.constant 0 : index
    %get3A_13 = arith.constant 0 : index
    %get3A_14 = vector.load %arg4[%get3A_12, %get3A_13] : memref<1x64xf32, #tpu.memory_space<vmem>>, vector<1x64xf32>
    %add3A = vector.broadcast %get3A_14 : vector<1x64xf32> to vector<4096x64xf32>
    %add3A_15 = arith.addf %dot_general3A_11, %add3A : vector<4096x64xf32>
    %div3A = arith.constant 1.00000501 : f32
    %div3A_16 = vector.broadcast %div3A : f32 to vector<4096x64xf32>
    %div3A_17 = arith.divf %add3A_15, %div3A_16 : vector<4096x64xf32>
    %get3A_18 = arith.constant 0 : index
    %get3A_19 = arith.constant 0 : index
    %get3A_20 = vector.load %arg5[%get3A_18, %get3A_19] : memref<1x64xf32, #tpu.memory_space<vmem>>, vector<1x64xf32>
    %mul3A = vector.broadcast %get3A_20 : vector<1x64xf32> to vector<4096x64xf32>
    %mul3A_21 = arith.mulf %div3A_17, %mul3A : vector<4096x64xf32>
    %get3A_22 = arith.constant 0 : index
    %get3A_23 = arith.constant 0 : index
    %get3A_24 = vector.load %arg6[%get3A_22, %get3A_23] : memref<1x64xf32, #tpu.memory_space<vmem>>, vector<1x64xf32>
    %add3A_25 = vector.broadcast %get3A_24 : vector<1x64xf32> to vector<4096x64xf32>
    %add3A_26 = arith.addf %mul3A_21, %add3A_25 : vector<4096x64xf32>
    %max3A = arith.constant 0.000000e+00 : f32
    %max3A_27 = vector.broadcast %max3A : f32 to vector<4096x64xf32>
    %max3A_28 = arith.maximumf %add3A_26, %max3A_27 : vector<4096x64xf32>
    %get3A_29 = arith.constant 0 : index
    %get3A_30 = arith.constant 0 : index
    %get3A_31 = vector.load %arg7[%get3A_29, %get3A_30] : memref<64x64xf32, #tpu.memory_space<vmem>>, vector<64x64xf32>
    %dot_general3A_32 = arith.constant dense<0.000000e+00> : vector<4096x64xf32>
    %dot_general3A_33 = tpu.matmul %max3A_28, %get3A_31, %dot_general3A_32 {dimension_numbers = #tpu.dot_dimension_numbers<[1], [0], [0], [1], [0, 0, 1, 1], [], []>, transpose_lhs_hint = false} : vector<4096x64xf32>, vector<64x64xf32>, vector<4096x64xf32> -> vector<4096x64xf32>
    %get3A_34 = arith.constant 0 : index
    %get3A_35 = arith.constant 0 : index
    %get3A_36 = vector.load %arg8[%get3A_34, %get3A_35] : memref<1x64xf32, #tpu.memory_space<vmem>>, vector<1x64xf32>
    %add3A_37 = vector.broadcast %get3A_36 : vector<1x64xf32> to vector<4096x64xf32>
    %add3A_38 = arith.addf %dot_general3A_33, %add3A_37 : vector<4096x64xf32>
    %div3A_39 = arith.constant 1.00000501 : f32
    %div3A_40 = vector.broadcast %div3A_39 : f32 to vector<4096x64xf32>
    %div3A_41 = arith.divf %add3A_38, %div3A_40 : vector<4096x64xf32>
    %get3A_42 = arith.constant 0 : index
    %get3A_43 = arith.constant 0 : index
    %get3A_44 = vector.load %arg9[%get3A_42, %get3A_43] : memref<1x64xf32, #tpu.memory_space<vmem>>, vector<1x64xf32>
    %mul3A_45 = vector.broadcast %get3A_44 : vector<1x64xf32> to vector<4096x64xf32>
    %mul3A_46 = arith.mulf %div3A_41, %mul3A_45 : vector<4096x64xf32>
    %get3A_47 = arith.constant 0 : index
    %get3A_48 = arith.constant 0 : index
    %get3A_49 = vector.load %arg10[%get3A_47, %get3A_48] : memref<1x64xf32, #tpu.memory_space<vmem>>, vector<1x64xf32>
    %add3A_50 = vector.broadcast %get3A_49 : vector<1x64xf32> to vector<4096x64xf32>
    %add3A_51 = arith.addf %mul3A_46, %add3A_50 : vector<4096x64xf32>
    %max3A_52 = arith.constant 0.000000e+00 : f32
    %max3A_53 = vector.broadcast %max3A_52 : f32 to vector<4096x64xf32>
    %max3A_54 = arith.maximumf %add3A_51, %max3A_53 : vector<4096x64xf32>
    %get3A_55 = arith.constant 0 : index
    %get3A_56 = arith.constant 0 : index
    %get3A_57 = vector.load %arg11[%get3A_55, %get3A_56] : memref<64x128xf32, #tpu.memory_space<vmem>>, vector<64x128xf32>
    %dot_general3A_58 = arith.constant dense<0.000000e+00> : vector<4096x128xf32>
    %dot_general3A_59 = tpu.matmul %max3A_54, %get3A_57, %dot_general3A_58 {dimension_numbers = #tpu.dot_dimension_numbers<[1], [0], [0], [1], [0, 0, 1, 1], [], []>, transpose_lhs_hint = false} : vector<4096x64xf32>, vector<64x128xf32>, vector<4096x128xf32> -> vector<4096x128xf32>
    %get3A_60 = arith.constant 0 : index
    %get3A_61 = arith.constant 0 : index
    %get3A_62 = vector.load %arg12[%get3A_60, %get3A_61] : memref<1x128xf32, #tpu.memory_space<vmem>>, vector<1x128xf32>
    %add3A_63 = vector.broadcast %get3A_62 : vector<1x128xf32> to vector<4096x128xf32>
    %add3A_64 = arith.addf %dot_general3A_59, %add3A_63 : vector<4096x128xf32>
    %div3A_65 = arith.constant 1.00000501 : f32
    %div3A_66 = vector.broadcast %div3A_65 : f32 to vector<4096x128xf32>
    %div3A_67 = arith.divf %add3A_64, %div3A_66 : vector<4096x128xf32>
    %get3A_68 = arith.constant 0 : index
    %get3A_69 = arith.constant 0 : index
    %get3A_70 = vector.load %arg13[%get3A_68, %get3A_69] : memref<1x128xf32, #tpu.memory_space<vmem>>, vector<1x128xf32>
    %mul3A_71 = vector.broadcast %get3A_70 : vector<1x128xf32> to vector<4096x128xf32>
    %mul3A_72 = arith.mulf %div3A_67, %mul3A_71 : vector<4096x128xf32>
    %get3A_73 = arith.constant 0 : index
    %get3A_74 = arith.constant 0 : index
    %get3A_75 = vector.load %arg14[%get3A_73, %get3A_74] : memref<1x128xf32, #tpu.memory_space<vmem>>, vector<1x128xf32>
    %add3A_76 = vector.broadcast %get3A_75 : vector<1x128xf32> to vector<4096x128xf32>
    %add3A_77 = arith.addf %mul3A_72, %add3A_76 : vector<4096x128xf32>
    %max3A_78 = arith.constant 0.000000e+00 : f32
    %max3A_79 = vector.broadcast %max3A_78 : f32 to vector<4096x128xf32>
    %max3A_80 = arith.maximumf %add3A_77, %max3A_79 : vector<4096x128xf32>
    %reshape3A_81 = vector.shape_cast %max3A_80 : vector<4096x128xf32> to vector<128x32x128xf32>
    %reduce_max3A = arith.constant dense<0xFF800000> : vector<128x128xf32>
    %reduce_max3A_82 = vector.multi_reduction <maximumf>, %reshape3A_81, %reduce_max3A [1] : vector<128x32x128xf32> to vector<128x128xf32>
    %swap3A = arith.constant 0 : index
    %swap3A_83 = arith.constant 0 : index
    %swap3A_84 = vector.load %arg15[%swap3A, %swap3A_83] : memref<128x128xf32, #tpu.memory_space<vmem>>, vector<128x128xf32>
    tpu.vector_store %arg15[%swap3A, %swap3A_83], %reduce_max3A_82 {strides = array<i32>} : memref<128x128xf32, #tpu.memory_space<vmem>>, vector<128x128xf32>,
    return
  }
  func.func @transform_0(%arg0: i32) -> (i32, i32) {
    %c0_i32 = arith.constant 0 : i32
    %c0_i32_0 = arith.constant 0 : i32
    return %arg0, %c0_i32 : i32, i32
  }
  func.func @transform_1(%arg0: i32) -> (i32, i32) {
    %c0_i32 = arith.constant 0 : i32
    %c0_i32_0 = arith.constant 0 : i32
    return %arg0, %c0_i32 : i32, i32
  }
  func.func @transform_2(%arg0: i32) -> (i32, i32) {
    %c0_i32 = arith.constant 0 : i32
    %c0_i32_0 = arith.constant 0 : i32
    %c0_i32_1 = arith.constant 0 : i32
    return %c0_i32, %c0_i32_0 : i32, i32
  }
  func.func @transform_3(%arg0: i32) -> (i32, i32) {
    %c0_i32 = arith.constant 0 : i32
    %c0_i32_0 = arith.constant 0 : i32
    %c0_i32_1 = arith.constant 0 : i32
    return %c0_i32, %c0_i32_0 : i32, i32
  }
  func.func @transform_4(%arg0: i32) -> (i32, i32) {
    %c0_i32 = arith.constant 0 : i32
    %c0_i32_0 = arith.constant 0 : i32
    %c0_i32_1 = arith.constant 0 : i32
    return %c0_i32, %c0_i32_0 : i32, i32
  }
  func.func @transform_5(%arg0: i32) -> (i32, i32) {
    %c0_i32 = arith.constant 0 : i32
    %c0_i32_0 = arith.constant 0 : i32
    %c0_i32_1 = arith.constant 0 : i32
    return %c0_i32, %c0_i32_0 : i32, i32
  }
  func.func @transform_6(%arg0: i32) -> (i32, i32) {
    %c0_i32 = arith.constant 0 : i32
    %c0_i32_0 = arith.constant 0 : i32
    %c0_i32_1 = arith.constant 0 : i32
    return %c0_i32, %c0_i32_0 : i32, i32
  }
  func.func @transform_7(%arg0: i32) -> (i32, i32) {
    %c0_i32 = arith.constant 0 : i32
    %c0_i32_0 = arith.constant 0 : i32
    %c0_i32_1 = arith.constant 0 : i32
    return %c0_i32, %c0_i32_0 : i32, i32
  }
  func.func @transform_8(%arg0: i32) -> (i32, i32) {
    %c0_i32 = arith.constant 0 : i32
    %c0_i32_0 = arith.constant 0 : i32
    %c0_i32_1 = arith.constant 0 : i32
    return %c0_i32, %c0_i32_0 : i32, i32
  }
  func.func @transform_9(%arg0: i32) -> (i32, i32) {
    %c0_i32 = arith.constant 0 : i32
    %c0_i32_0 = arith.constant 0 : i32
    %c0_i32_1 = arith.constant 0 : i32
    return %c0_i32, %c0_i32_0 : i32, i32
  }
  func.func @transform_10(%arg0: i32) -> (i32, i32) {
    %c0_i32 = arith.constant 0 : i32
    %c0_i32_0 = arith.constant 0 : i32
    %c0_i32_1 = arith.constant 0 : i32
    return %c0_i32, %c0_i32_0 : i32, i32
  }
  func.func @transform_11(%arg0: i32) -> (i32, i32) {
    %c0_i32 = arith.constant 0 : i32
    %c0_i32_0 = arith.constant 0 : i32
    %c0_i32_1 = arith.constant 0 : i32
    return %c0_i32, %c0_i32_0 : i32, i32
  }
  func.func @transform_12(%arg0: i32) -> (i32, i32) {
    %c0_i32 = arith.constant 0 : i32
    %c0_i32_0 = arith.constant 0 : i32
    %c0_i32_1 = arith.constant 0 : i32
    return %c0_i32, %c0_i32_0 : i32, i32
  }
  func.func @transform_13(%arg0: i32) -> (i32, i32) {
    %c0_i32 = arith.constant 0 : i32
    %c0_i32_0 = arith.constant 0 : i32
    %c0_i32_1 = arith.constant 0 : i32
    return %c0_i32, %c0_i32_0 : i32, i32
  }
  func.func @transform_14(%arg0: i32) -> (i32, i32) {
    %c0_i32 = arith.constant 0 : i32
    %c0_i32_0 = arith.constant 0 : i32
    return %arg0, %c0_i32 : i32, i32
  }
}

module attributes {stable_mosaic.version = 14 : i64} {
  func.func @_sagroup_body(%arg0: i32, %arg1: memref<4096x256xf32, #tpu.memory_space<vmem>>, %arg2: memref<64x3xf32, #tpu.memory_space<vmem>>, %arg3: memref<131x128xf32, #tpu.memory_space<vmem>>, %arg4: memref<1x128xf32, #tpu.memory_space<vmem>>, %arg5: memref<1x128xf32, #tpu.memory_space<vmem>>, %arg6: memref<1x128xf32, #tpu.memory_space<vmem>>, %arg7: memref<128x128xf32, #tpu.memory_space<vmem>>, %arg8: memref<1x128xf32, #tpu.memory_space<vmem>>, %arg9: memref<1x128xf32, #tpu.memory_space<vmem>>, %arg10: memref<1x128xf32, #tpu.memory_space<vmem>>, %arg11: memref<128x256xf32, #tpu.memory_space<vmem>>, %arg12: memref<1x256xf32, #tpu.memory_space<vmem>>, %arg13: memref<1x256xf32, #tpu.memory_space<vmem>>, %arg14: memref<1x256xf32, #tpu.memory_space<vmem>>, %arg15: memref<64x256xf32, #tpu.memory_space<vmem>>) attributes {dimension_semantics = [#tpu.dimension_semantics<arbitrary>], iteration_bounds = array<i64: 32>, scalar_prefetch = 0 : i64, scratch_operands = 0 : i64, tpu.core_type = #tpu.core_type<tc>, window_params = [{transform_indices = @transform_0, window_bounds = array<i64: 4096, 256>}, {transform_indices = @transform_1, window_bounds = array<i64: 64, 3>}, {pipeline_mode = #tpu.pipeline_mode<synchronous>, transform_indices = @transform_2, window_bounds = array<i64: 131, 128>}, {pipeline_mode = #tpu.pipeline_mode<synchronous>, transform_indices = @transform_3, window_bounds = array<i64: 1, 128>}, {pipeline_mode = #tpu.pipeline_mode<synchronous>, transform_indices = @transform_4, window_bounds = array<i64: 1, 128>}, {pipeline_mode = #tpu.pipeline_mode<synchronous>, transform_indices = @transform_5, window_bounds = array<i64: 1, 128>}, {pipeline_mode = #tpu.pipeline_mode<synchronous>, transform_indices = @transform_6, window_bounds = array<i64: 128, 128>}, {pipeline_mode = #tpu.pipeline_mode<synchronous>, transform_indices = @transform_7, window_bounds = array<i64: 1, 128>}, {pipeline_mode = #tpu.pipeline_mode<synchronous>, transform_indices = @transform_8, window_bounds = array<i64: 1, 128>}, {pipeline_mode = #tpu.pipeline_mode<synchronous>, transform_indices = @transform_9, window_bounds = array<i64: 1, 128>}, {pipeline_mode = #tpu.pipeline_mode<synchronous>, transform_indices = @transform_10, window_bounds = array<i64: 128, 256>}, {pipeline_mode = #tpu.pipeline_mode<synchronous>, transform_indices = @transform_11, window_bounds = array<i64: 1, 256>}, {pipeline_mode = #tpu.pipeline_mode<synchronous>, transform_indices = @transform_12, window_bounds = array<i64: 1, 256>}, {pipeline_mode = #tpu.pipeline_mode<synchronous>, transform_indices = @transform_13, window_bounds = array<i64: 1, 256>}, {transform_indices = @transform_14, window_bounds = array<i64: 64, 256>}]} {
    %get3A = arith.constant 0 : index
    %get3A_0 = arith.constant 0 : index
    %get3A_1 = vector.load %arg1[%get3A, %get3A_0] : memref<4096x256xf32, #tpu.memory_space<vmem>>, vector<4096x256xf32>
    %get3A_2 = arith.constant 0 : index
    %get3A_3 = arith.constant 0 : index
    %get3A_4 = vector.load %arg2[%get3A_2, %get3A_3] : memref<64x3xf32, #tpu.memory_space<vmem>>, vector<64x3xf32>
    %broadcast_in_dim3A = vector.shape_cast %get3A_4 : vector<64x3xf32> to vector<64x1x3xf32>
    %broadcast_in_dim3A_5 = vector.shape_cast %broadcast_in_dim3A : vector<64x1x3xf32> to vector<64x1x3xf32>
    %broadcast_in_dim3A_6 = vector.broadcast %broadcast_in_dim3A_5 : vector<64x1x3xf32> to vector<64x64x3xf32>
    %reshape3A = vector.shape_cast %broadcast_in_dim3A_6 : vector<64x64x3xf32> to vector<4096x3xf32>
    %slice3A = vector.extract_strided_slice %get3A_1 {offsets = [0, 128], sizes = [4096, 3], strides = [1, 1]} : vector<4096x256xf32> to vector<4096x3xf32>
    %sub3A = arith.subf %slice3A, %reshape3A : vector<4096x3xf32>
    %slice3A_7 = vector.extract_strided_slice %get3A_1 {offsets = [0, 0], sizes = [4096, 128], strides = [1, 1]} : vector<4096x256xf32> to vector<4096x128xf32>
    %concatenate3A = tpu.concatenate %sub3A, %slice3A_7 in 1 : vector<4096x3xf32>, vector<4096x128xf32> -> vector<4096x131xf32>
    %get3A_8 = arith.constant 0 : index
    %get3A_9 = arith.constant 0 : index
    %get3A_10 = vector.load %arg3[%get3A_8, %get3A_9] : memref<131x128xf32, #tpu.memory_space<vmem>>, vector<131x128xf32>
    %dot_general3A = arith.constant dense<0.000000e+00> : vector<4096x128xf32>
    %dot_general3A_11 = tpu.matmul %concatenate3A, %get3A_10, %dot_general3A {dimension_numbers = #tpu.dot_dimension_numbers<[1], [0], [0], [1], [0, 0, 1, 1], [], []>, transpose_lhs_hint = false} : vector<4096x131xf32>, vector<131x128xf32>, vector<4096x128xf32> -> vector<4096x128xf32>
    %get3A_12 = arith.constant 0 : index
    %get3A_13 = arith.constant 0 : index
    %get3A_14 = vector.load %arg4[%get3A_12, %get3A_13] : memref<1x128xf32, #tpu.memory_space<vmem>>, vector<1x128xf32>
    %add3A = vector.broadcast %get3A_14 : vector<1x128xf32> to vector<4096x128xf32>
    %add3A_15 = arith.addf %dot_general3A_11, %add3A : vector<4096x128xf32>
    %div3A = arith.constant 1.00000501 : f32
    %div3A_16 = vector.broadcast %div3A : f32 to vector<4096x128xf32>
    %div3A_17 = arith.divf %add3A_15, %div3A_16 : vector<4096x128xf32>
    %get3A_18 = arith.constant 0 : index
    %get3A_19 = arith.constant 0 : index
    %get3A_20 = vector.load %arg5[%get3A_18, %get3A_19] : memref<1x128xf32, #tpu.memory_space<vmem>>, vector<1x128xf32>
    %mul3A = vector.broadcast %get3A_20 : vector<1x128xf32> to vector<4096x128xf32>
    %mul3A_21 = arith.mulf %div3A_17, %mul3A : vector<4096x128xf32>
    %get3A_22 = arith.constant 0 : index
    %get3A_23 = arith.constant 0 : index
    %get3A_24 = vector.load %arg6[%get3A_22, %get3A_23] : memref<1x128xf32, #tpu.memory_space<vmem>>, vector<1x128xf32>
    %add3A_25 = vector.broadcast %get3A_24 : vector<1x128xf32> to vector<4096x128xf32>
    %add3A_26 = arith.addf %mul3A_21, %add3A_25 : vector<4096x128xf32>
    %max3A = arith.constant 0.000000e+00 : f32
    %max3A_27 = vector.broadcast %max3A : f32 to vector<4096x128xf32>
    %max3A_28 = arith.maximumf %add3A_26, %max3A_27 : vector<4096x128xf32>
    %get3A_29 = arith.constant 0 : index
    %get3A_30 = arith.constant 0 : index
    %get3A_31 = vector.load %arg7[%get3A_29, %get3A_30] : memref<128x128xf32, #tpu.memory_space<vmem>>, vector<128x128xf32>
    %dot_general3A_32 = arith.constant dense<0.000000e+00> : vector<4096x128xf32>
    %dot_general3A_33 = tpu.matmul %max3A_28, %get3A_31, %dot_general3A_32 {dimension_numbers = #tpu.dot_dimension_numbers<[1], [0], [0], [1], [0, 0, 1, 1], [], []>, transpose_lhs_hint = false} : vector<4096x128xf32>, vector<128x128xf32>, vector<4096x128xf32> -> vector<4096x128xf32>
    %get3A_34 = arith.constant 0 : index
    %get3A_35 = arith.constant 0 : index
    %get3A_36 = vector.load %arg8[%get3A_34, %get3A_35] : memref<1x128xf32, #tpu.memory_space<vmem>>, vector<1x128xf32>
    %add3A_37 = vector.broadcast %get3A_36 : vector<1x128xf32> to vector<4096x128xf32>
    %add3A_38 = arith.addf %dot_general3A_33, %add3A_37 : vector<4096x128xf32>
    %div3A_39 = arith.constant 1.00000501 : f32
    %div3A_40 = vector.broadcast %div3A_39 : f32 to vector<4096x128xf32>
    %div3A_41 = arith.divf %add3A_38, %div3A_40 : vector<4096x128xf32>
    %get3A_42 = arith.constant 0 : index
    %get3A_43 = arith.constant 0 : index
    %get3A_44 = vector.load %arg9[%get3A_42, %get3A_43] : memref<1x128xf32, #tpu.memory_space<vmem>>, vector<1x128xf32>
    %mul3A_45 = vector.broadcast %get3A_44 : vector<1x128xf32> to vector<4096x128xf32>
    %mul3A_46 = arith.mulf %div3A_41, %mul3A_45 : vector<4096x128xf32>
    %get3A_47 = arith.constant 0 : index
    %get3A_48 = arith.constant 0 : index
    %get3A_49 = vector.load %arg10[%get3A_47, %get3A_48] : memref<1x128xf32, #tpu.memory_space<vmem>>, vector<1x128xf32>
    %add3A_50 = vector.broadcast %get3A_49 : vector<1x128xf32> to vector<4096x128xf32>
    %add3A_51 = arith.addf %mul3A_46, %add3A_50 : vector<4096x128xf32>
    %max3A_52 = arith.constant 0.000000e+00 : f32
    %max3A_53 = vector.broadcast %max3A_52 : f32 to vector<4096x128xf32>
    %max3A_54 = arith.maximumf %add3A_51, %max3A_53 : vector<4096x128xf32>
    %get3A_55 = arith.constant 0 : index
    %get3A_56 = arith.constant 0 : index
    %get3A_57 = vector.load %arg11[%get3A_55, %get3A_56] : memref<128x256xf32, #tpu.memory_space<vmem>>, vector<128x256xf32>
    %dot_general3A_58 = arith.constant dense<0.000000e+00> : vector<4096x256xf32>
    %dot_general3A_59 = tpu.matmul %max3A_54, %get3A_57, %dot_general3A_58 {dimension_numbers = #tpu.dot_dimension_numbers<[1], [0], [0], [1], [0, 0, 1, 1], [], []>, transpose_lhs_hint = false} : vector<4096x128xf32>, vector<128x256xf32>, vector<4096x256xf32> -> vector<4096x256xf32>
    %get3A_60 = arith.constant 0 : index
    %get3A_61 = arith.constant 0 : index
    %get3A_62 = vector.load %arg12[%get3A_60, %get3A_61] : memref<1x256xf32, #tpu.memory_space<vmem>>, vector<1x256xf32>
    %add3A_63 = vector.broadcast %get3A_62 : vector<1x256xf32> to vector<4096x256xf32>
    %add3A_64 = arith.addf %dot_general3A_59, %add3A_63 : vector<4096x256xf32>
    %div3A_65 = arith.constant 1.00000501 : f32
    %div3A_66 = vector.broadcast %div3A_65 : f32 to vector<4096x256xf32>
    %div3A_67 = arith.divf %add3A_64, %div3A_66 : vector<4096x256xf32>
    %get3A_68 = arith.constant 0 : index
    %get3A_69 = arith.constant 0 : index
    %get3A_70 = vector.load %arg13[%get3A_68, %get3A_69] : memref<1x256xf32, #tpu.memory_space<vmem>>, vector<1x256xf32>
    %mul3A_71 = vector.broadcast %get3A_70 : vector<1x256xf32> to vector<4096x256xf32>
    %mul3A_72 = arith.mulf %div3A_67, %mul3A_71 : vector<4096x256xf32>
    %get3A_73 = arith.constant 0 : index
    %get3A_74 = arith.constant 0 : index
    %get3A_75 = vector.load %arg14[%get3A_73, %get3A_74] : memref<1x256xf32, #tpu.memory_space<vmem>>, vector<1x256xf32>
    %add3A_76 = vector.broadcast %get3A_75 : vector<1x256xf32> to vector<4096x256xf32>
    %add3A_77 = arith.addf %mul3A_72, %add3A_76 : vector<4096x256xf32>
    %max3A_78 = arith.constant 0.000000e+00 : f32
    %max3A_79 = vector.broadcast %max3A_78 : f32 to vector<4096x256xf32>
    %max3A_80 = arith.maximumf %add3A_77, %max3A_79 : vector<4096x256xf32>
    %reshape3A_81 = vector.shape_cast %max3A_80 : vector<4096x256xf32> to vector<64x64x256xf32>
    %reduce_max3A = arith.constant dense<0xFF800000> : vector<64x256xf32>
    %reduce_max3A_82 = vector.multi_reduction <maximumf>, %reshape3A_81, %reduce_max3A [1] : vector<64x64x256xf32> to vector<64x256xf32>
    %swap3A = arith.constant 0 : index
    %swap3A_83 = arith.constant 0 : index
    %swap3A_84 = vector.load %arg15[%swap3A, %swap3A_83] : memref<64x256xf32, #tpu.memory_space<vmem>>, vector<64x256xf32>
    tpu.vector_store %arg15[%swap3A, %swap3A_83], %reduce_max3A_82 {strides = array<i32>} : memref<64x256xf32, #tpu.memory_space<vmem>>, vector<64x256xf32>,
    return
  }
  func.func @transform_0(%arg0: i32) -> (i32, i32) {
    %c0_i32 = arith.constant 0 : i32
    %c0_i32_0 = arith.constant 0 : i32
    return %arg0, %c0_i32 : i32, i32
  }
  func.func @transform_1(%arg0: i32) -> (i32, i32) {
    %c0_i32 = arith.constant 0 : i32
    %c0_i32_0 = arith.constant 0 : i32
    return %arg0, %c0_i32 : i32, i32
  }
  func.func @transform_2(%arg0: i32) -> (i32, i32) {
    %c0_i32 = arith.constant 0 : i32
    %c0_i32_0 = arith.constant 0 : i32
    %c0_i32_1 = arith.constant 0 : i32
    return %c0_i32, %c0_i32_0 : i32, i32
  }
  func.func @transform_3(%arg0: i32) -> (i32, i32) {
    %c0_i32 = arith.constant 0 : i32
    %c0_i32_0 = arith.constant 0 : i32
    %c0_i32_1 = arith.constant 0 : i32
    return %c0_i32, %c0_i32_0 : i32, i32
  }
  func.func @transform_4(%arg0: i32) -> (i32, i32) {
    %c0_i32 = arith.constant 0 : i32
    %c0_i32_0 = arith.constant 0 : i32
    %c0_i32_1 = arith.constant 0 : i32
    return %c0_i32, %c0_i32_0 : i32, i32
  }
  func.func @transform_5(%arg0: i32) -> (i32, i32) {
    %c0_i32 = arith.constant 0 : i32
    %c0_i32_0 = arith.constant 0 : i32
    %c0_i32_1 = arith.constant 0 : i32
    return %c0_i32, %c0_i32_0 : i32, i32
  }
  func.func @transform_6(%arg0: i32) -> (i32, i32) {
    %c0_i32 = arith.constant 0 : i32
    %c0_i32_0 = arith.constant 0 : i32
    %c0_i32_1 = arith.constant 0 : i32
    return %c0_i32, %c0_i32_0 : i32, i32
  }
  func.func @transform_7(%arg0: i32) -> (i32, i32) {
    %c0_i32 = arith.constant 0 : i32
    %c0_i32_0 = arith.constant 0 : i32
    %c0_i32_1 = arith.constant 0 : i32
    return %c0_i32, %c0_i32_0 : i32, i32
  }
  func.func @transform_8(%arg0: i32) -> (i32, i32) {
    %c0_i32 = arith.constant 0 : i32
    %c0_i32_0 = arith.constant 0 : i32
    %c0_i32_1 = arith.constant 0 : i32
    return %c0_i32, %c0_i32_0 : i32, i32
  }
  func.func @transform_9(%arg0: i32) -> (i32, i32) {
    %c0_i32 = arith.constant 0 : i32
    %c0_i32_0 = arith.constant 0 : i32
    %c0_i32_1 = arith.constant 0 : i32
    return %c0_i32, %c0_i32_0 : i32, i32
  }
  func.func @transform_10(%arg0: i32) -> (i32, i32) {
    %c0_i32 = arith.constant 0 : i32
    %c0_i32_0 = arith.constant 0 : i32
    %c0_i32_1 = arith.constant 0 : i32
    return %c0_i32, %c0_i32_0 : i32, i32
  }
  func.func @transform_11(%arg0: i32) -> (i32, i32) {
    %c0_i32 = arith.constant 0 : i32
    %c0_i32_0 = arith.constant 0 : i32
    %c0_i32_1 = arith.constant 0 : i32
    return %c0_i32, %c0_i32_0 : i32, i32
  }
  func.func @transform_12(%arg0: i32) -> (i32, i32) {
    %c0_i32 = arith.constant 0 : i32
    %c0_i32_0 = arith.constant 0 : i32
    %c0_i32_1 = arith.constant 0 : i32
    return %c0_i32, %c0_i32_0 : i32, i32
  }
  func.func @transform_13(%arg0: i32) -> (i32, i32) {
    %c0_i32 = arith.constant 0 : i32
    %c0_i32_0 = arith.constant 0 : i32
    %c0_i32_1 = arith.constant 0 : i32
    return %c0_i32, %c0_i32_0 : i32, i32
  }
  func.func @transform_14(%arg0: i32) -> (i32, i32) {
    %c0_i32 = arith.constant 0 : i32
    %c0_i32_0 = arith.constant 0 : i32
    return %arg0, %c0_i32 : i32, i32
  }
}

module attributes {stable_mosaic.version = 14 : i64} {
  func.func @_sa3_body(%arg0: i32, %arg1: memref<1024x259xf32, #tpu.memory_space<vmem>>, %arg2: memref<259x256xf32, #tpu.memory_space<vmem>>, %arg3: memref<1x256xf32, #tpu.memory_space<vmem>>, %arg4: memref<1x256xf32, #tpu.memory_space<vmem>>, %arg5: memref<1x256xf32, #tpu.memory_space<vmem>>, %arg6: memref<256x512xf32, #tpu.memory_space<vmem>>, %arg7: memref<1x512xf32, #tpu.memory_space<vmem>>, %arg8: memref<1x512xf32, #tpu.memory_space<vmem>>, %arg9: memref<1x512xf32, #tpu.memory_space<vmem>>, %arg10: memref<512x1024xf32, #tpu.memory_space<vmem>>, %arg11: memref<1x1024xf32, #tpu.memory_space<vmem>>, %arg12: memref<1x1024xf32, #tpu.memory_space<vmem>>, %arg13: memref<1x1024xf32, #tpu.memory_space<vmem>>, %arg14: memref<8x1024xf32, #tpu.memory_space<vmem>>) attributes {dimension_semantics = [#tpu.dimension_semantics<arbitrary>], iteration_bounds = array<i64: 2>, scalar_prefetch = 0 : i64, scratch_operands = 0 : i64, tpu.core_type = #tpu.core_type<tc>, window_params = [{transform_indices = @transform_0, window_bounds = array<i64: 1024, 259>}, {pipeline_mode = #tpu.pipeline_mode<synchronous>, transform_indices = @transform_1, window_bounds = array<i64: 259, 256>}, {pipeline_mode = #tpu.pipeline_mode<synchronous>, transform_indices = @transform_2, window_bounds = array<i64: 1, 256>}, {pipeline_mode = #tpu.pipeline_mode<synchronous>, transform_indices = @transform_3, window_bounds = array<i64: 1, 256>}, {pipeline_mode = #tpu.pipeline_mode<synchronous>, transform_indices = @transform_4, window_bounds = array<i64: 1, 256>}, {pipeline_mode = #tpu.pipeline_mode<synchronous>, transform_indices = @transform_5, window_bounds = array<i64: 256, 512>}, {pipeline_mode = #tpu.pipeline_mode<synchronous>, transform_indices = @transform_6, window_bounds = array<i64: 1, 512>}, {pipeline_mode = #tpu.pipeline_mode<synchronous>, transform_indices = @transform_7, window_bounds = array<i64: 1, 512>}, {pipeline_mode = #tpu.pipeline_mode<synchronous>, transform_indices = @transform_8, window_bounds = array<i64: 1, 512>}, {pipeline_mode = #tpu.pipeline_mode<synchronous>, transform_indices = @transform_9, window_bounds = array<i64: 512, 1024>}, {pipeline_mode = #tpu.pipeline_mode<synchronous>, transform_indices = @transform_10, window_bounds = array<i64: 1, 1024>}, {pipeline_mode = #tpu.pipeline_mode<synchronous>, transform_indices = @transform_11, window_bounds = array<i64: 1, 1024>}, {pipeline_mode = #tpu.pipeline_mode<synchronous>, transform_indices = @transform_12, window_bounds = array<i64: 1, 1024>}, {transform_indices = @transform_13, window_bounds = array<i64: 8, 1024>}]} {
    %get3A = arith.constant 0 : index
    %get3A_0 = arith.constant 0 : index
    %get3A_1 = vector.load %arg1[%get3A, %get3A_0] : memref<1024x259xf32, #tpu.memory_space<vmem>>, vector<1024x259xf32>
    %get3A_2 = arith.constant 0 : index
    %get3A_3 = arith.constant 0 : index
    %get3A_4 = vector.load %arg2[%get3A_2, %get3A_3] : memref<259x256xf32, #tpu.memory_space<vmem>>, vector<259x256xf32>
    %dot_general3A = arith.constant dense<0.000000e+00> : vector<1024x256xf32>
    %dot_general3A_5 = tpu.matmul %get3A_1, %get3A_4, %dot_general3A {dimension_numbers = #tpu.dot_dimension_numbers<[1], [0], [0], [1], [0, 0, 1, 1], [], []>, transpose_lhs_hint = false} : vector<1024x259xf32>, vector<259x256xf32>, vector<1024x256xf32> -> vector<1024x256xf32>
    %get3A_6 = arith.constant 0 : index
    %get3A_7 = arith.constant 0 : index
    %get3A_8 = vector.load %arg3[%get3A_6, %get3A_7] : memref<1x256xf32, #tpu.memory_space<vmem>>, vector<1x256xf32>
    %add3A = vector.broadcast %get3A_8 : vector<1x256xf32> to vector<1024x256xf32>
    %add3A_9 = arith.addf %dot_general3A_5, %add3A : vector<1024x256xf32>
    %div3A = arith.constant 1.00000501 : f32
    %div3A_10 = vector.broadcast %div3A : f32 to vector<1024x256xf32>
    %div3A_11 = arith.divf %add3A_9, %div3A_10 : vector<1024x256xf32>
    %get3A_12 = arith.constant 0 : index
    %get3A_13 = arith.constant 0 : index
    %get3A_14 = vector.load %arg4[%get3A_12, %get3A_13] : memref<1x256xf32, #tpu.memory_space<vmem>>, vector<1x256xf32>
    %mul3A = vector.broadcast %get3A_14 : vector<1x256xf32> to vector<1024x256xf32>
    %mul3A_15 = arith.mulf %div3A_11, %mul3A : vector<1024x256xf32>
    %get3A_16 = arith.constant 0 : index
    %get3A_17 = arith.constant 0 : index
    %get3A_18 = vector.load %arg5[%get3A_16, %get3A_17] : memref<1x256xf32, #tpu.memory_space<vmem>>, vector<1x256xf32>
    %add3A_19 = vector.broadcast %get3A_18 : vector<1x256xf32> to vector<1024x256xf32>
    %add3A_20 = arith.addf %mul3A_15, %add3A_19 : vector<1024x256xf32>
    %max3A = arith.constant 0.000000e+00 : f32
    %max3A_21 = vector.broadcast %max3A : f32 to vector<1024x256xf32>
    %max3A_22 = arith.maximumf %add3A_20, %max3A_21 : vector<1024x256xf32>
    %get3A_23 = arith.constant 0 : index
    %get3A_24 = arith.constant 0 : index
    %get3A_25 = vector.load %arg6[%get3A_23, %get3A_24] : memref<256x512xf32, #tpu.memory_space<vmem>>, vector<256x512xf32>
    %dot_general3A_26 = arith.constant dense<0.000000e+00> : vector<1024x512xf32>
    %dot_general3A_27 = tpu.matmul %max3A_22, %get3A_25, %dot_general3A_26 {dimension_numbers = #tpu.dot_dimension_numbers<[1], [0], [0], [1], [0, 0, 1, 1], [], []>, transpose_lhs_hint = false} : vector<1024x256xf32>, vector<256x512xf32>, vector<1024x512xf32> -> vector<1024x512xf32>
    %get3A_28 = arith.constant 0 : index
    %get3A_29 = arith.constant 0 : index
    %get3A_30 = vector.load %arg7[%get3A_28, %get3A_29] : memref<1x512xf32, #tpu.memory_space<vmem>>, vector<1x512xf32>
    %add3A_31 = vector.broadcast %get3A_30 : vector<1x512xf32> to vector<1024x512xf32>
    %add3A_32 = arith.addf %dot_general3A_27, %add3A_31 : vector<1024x512xf32>
    %div3A_33 = arith.constant 1.00000501 : f32
    %div3A_34 = vector.broadcast %div3A_33 : f32 to vector<1024x512xf32>
    %div3A_35 = arith.divf %add3A_32, %div3A_34 : vector<1024x512xf32>
    %get3A_36 = arith.constant 0 : index
    %get3A_37 = arith.constant 0 : index
    %get3A_38 = vector.load %arg8[%get3A_36, %get3A_37] : memref<1x512xf32, #tpu.memory_space<vmem>>, vector<1x512xf32>
    %mul3A_39 = vector.broadcast %get3A_38 : vector<1x512xf32> to vector<1024x512xf32>
    %mul3A_40 = arith.mulf %div3A_35, %mul3A_39 : vector<1024x512xf32>
    %get3A_41 = arith.constant 0 : index
    %get3A_42 = arith.constant 0 : index
    %get3A_43 = vector.load %arg9[%get3A_41, %get3A_42] : memref<1x512xf32, #tpu.memory_space<vmem>>, vector<1x512xf32>
    %add3A_44 = vector.broadcast %get3A_43 : vector<1x512xf32> to vector<1024x512xf32>
    %add3A_45 = arith.addf %mul3A_40, %add3A_44 : vector<1024x512xf32>
    %max3A_46 = arith.constant 0.000000e+00 : f32
    %max3A_47 = vector.broadcast %max3A_46 : f32 to vector<1024x512xf32>
    %max3A_48 = arith.maximumf %add3A_45, %max3A_47 : vector<1024x512xf32>
    %get3A_49 = arith.constant 0 : index
    %get3A_50 = arith.constant 0 : index
    %get3A_51 = vector.load %arg10[%get3A_49, %get3A_50] : memref<512x1024xf32, #tpu.memory_space<vmem>>, vector<512x1024xf32>
    %dot_general3A_52 = arith.constant dense<0.000000e+00> : vector<1024x1024xf32>
    %dot_general3A_53 = tpu.matmul %max3A_48, %get3A_51, %dot_general3A_52 {dimension_numbers = #tpu.dot_dimension_numbers<[1], [0], [0], [1], [0, 0, 1, 1], [], []>, transpose_lhs_hint = false} : vector<1024x512xf32>, vector<512x1024xf32>, vector<1024x1024xf32> -> vector<1024x1024xf32>
    %get3A_54 = arith.constant 0 : index
    %get3A_55 = arith.constant 0 : index
    %get3A_56 = vector.load %arg11[%get3A_54, %get3A_55] : memref<1x1024xf32, #tpu.memory_space<vmem>>, vector<1x1024xf32>
    %add3A_57 = vector.broadcast %get3A_56 : vector<1x1024xf32> to vector<1024x1024xf32>
    %add3A_58 = arith.addf %dot_general3A_53, %add3A_57 : vector<1024x1024xf32>
    %div3A_59 = arith.constant 1.00000501 : f32
    %div3A_60 = vector.broadcast %div3A_59 : f32 to vector<1024x1024xf32>
    %div3A_61 = arith.divf %add3A_58, %div3A_60 : vector<1024x1024xf32>
    %get3A_62 = arith.constant 0 : index
    %get3A_63 = arith.constant 0 : index
    %get3A_64 = vector.load %arg12[%get3A_62, %get3A_63] : memref<1x1024xf32, #tpu.memory_space<vmem>>, vector<1x1024xf32>
    %mul3A_65 = vector.broadcast %get3A_64 : vector<1x1024xf32> to vector<1024x1024xf32>
    %mul3A_66 = arith.mulf %div3A_61, %mul3A_65 : vector<1024x1024xf32>
    %get3A_67 = arith.constant 0 : index
    %get3A_68 = arith.constant 0 : index
    %get3A_69 = vector.load %arg13[%get3A_67, %get3A_68] : memref<1x1024xf32, #tpu.memory_space<vmem>>, vector<1x1024xf32>
    %add3A_70 = vector.broadcast %get3A_69 : vector<1x1024xf32> to vector<1024x1024xf32>
    %add3A_71 = arith.addf %mul3A_66, %add3A_70 : vector<1024x1024xf32>
    %max3A_72 = arith.constant 0.000000e+00 : f32
    %max3A_73 = vector.broadcast %max3A_72 : f32 to vector<1024x1024xf32>
    %max3A_74 = arith.maximumf %add3A_71, %max3A_73 : vector<1024x1024xf32>
    %reshape3A = vector.shape_cast %max3A_74 : vector<1024x1024xf32> to vector<8x128x1024xf32>
    %reduce_max3A = arith.constant dense<0xFF800000> : vector<8x1024xf32>
    %reduce_max3A_75 = vector.multi_reduction <maximumf>, %reshape3A, %reduce_max3A [1] : vector<8x128x1024xf32> to vector<8x1024xf32>
    %swap3A = arith.constant 0 : index
    %swap3A_76 = arith.constant 0 : index
    %swap3A_77 = vector.load %arg14[%swap3A, %swap3A_76] : memref<8x1024xf32, #tpu.memory_space<vmem>>, vector<8x1024xf32>
    tpu.vector_store %arg14[%swap3A, %swap3A_76], %reduce_max3A_75 {strides = array<i32>} : memref<8x1024xf32, #tpu.memory_space<vmem>>, vector<8x1024xf32>,
    return
  }
  func.func @transform_0(%arg0: i32) -> (i32, i32) {
    %c0_i32 = arith.constant 0 : i32
    %c0_i32_0 = arith.constant 0 : i32
    return %arg0, %c0_i32 : i32, i32
  }
  func.func @transform_1(%arg0: i32) -> (i32, i32) {
    %c0_i32 = arith.constant 0 : i32
    %c0_i32_0 = arith.constant 0 : i32
    %c0_i32_1 = arith.constant 0 : i32
    return %c0_i32, %c0_i32_0 : i32, i32
  }
  func.func @transform_2(%arg0: i32) -> (i32, i32) {
    %c0_i32 = arith.constant 0 : i32
    %c0_i32_0 = arith.constant 0 : i32
    %c0_i32_1 = arith.constant 0 : i32
    return %c0_i32, %c0_i32_0 : i32, i32
  }
  func.func @transform_3(%arg0: i32) -> (i32, i32) {
    %c0_i32 = arith.constant 0 : i32
    %c0_i32_0 = arith.constant 0 : i32
    %c0_i32_1 = arith.constant 0 : i32
    return %c0_i32, %c0_i32_0 : i32, i32
  }
  func.func @transform_4(%arg0: i32) -> (i32, i32) {
    %c0_i32 = arith.constant 0 : i32
    %c0_i32_0 = arith.constant 0 : i32
    %c0_i32_1 = arith.constant 0 : i32
    return %c0_i32, %c0_i32_0 : i32, i32
  }
  func.func @transform_5(%arg0: i32) -> (i32, i32) {
    %c0_i32 = arith.constant 0 : i32
    %c0_i32_0 = arith.constant 0 : i32
    %c0_i32_1 = arith.constant 0 : i32
    return %c0_i32, %c0_i32_0 : i32, i32
  }
  func.func @transform_6(%arg0: i32) -> (i32, i32) {
    %c0_i32 = arith.constant 0 : i32
    %c0_i32_0 = arith.constant 0 : i32
    %c0_i32_1 = arith.constant 0 : i32
    return %c0_i32, %c0_i32_0 : i32, i32
  }
  func.func @transform_7(%arg0: i32) -> (i32, i32) {
    %c0_i32 = arith.constant 0 : i32
    %c0_i32_0 = arith.constant 0 : i32
    %c0_i32_1 = arith.constant 0 : i32
    return %c0_i32, %c0_i32_0 : i32, i32
  }
  func.func @transform_8(%arg0: i32) -> (i32, i32) {
    %c0_i32 = arith.constant 0 : i32
    %c0_i32_0 = arith.constant 0 : i32
    %c0_i32_1 = arith.constant 0 : i32
    return %c0_i32, %c0_i32_0 : i32, i32
  }
  func.func @transform_9(%arg0: i32) -> (i32, i32) {
    %c0_i32 = arith.constant 0 : i32
    %c0_i32_0 = arith.constant 0 : i32
    %c0_i32_1 = arith.constant 0 : i32
    return %c0_i32, %c0_i32_0 : i32, i32
  }
  func.func @transform_10(%arg0: i32) -> (i32, i32) {
    %c0_i32 = arith.constant 0 : i32
    %c0_i32_0 = arith.constant 0 : i32
    %c0_i32_1 = arith.constant 0 : i32
    return %c0_i32, %c0_i32_0 : i32, i32
  }
  func.func @transform_11(%arg0: i32) -> (i32, i32) {
    %c0_i32 = arith.constant 0 : i32
    %c0_i32_0 = arith.constant 0 : i32
    %c0_i32_1 = arith.constant 0 : i32
    return %c0_i32, %c0_i32_0 : i32, i32
  }
  func.func @transform_12(%arg0: i32) -> (i32, i32) {
    %c0_i32 = arith.constant 0 : i32
    %c0_i32_0 = arith.constant 0 : i32
    %c0_i32_1 = arith.constant 0 : i32
    return %c0_i32, %c0_i32_0 : i32, i32
  }
  func.func @transform_13(%arg0: i32) -> (i32, i32) {
    %c0_i32 = arith.constant 0 : i32
    %c0_i32_0 = arith.constant 0 : i32
    return %arg0, %c0_i32 : i32, i32
  }
}

module attributes {stable_mosaic.version = 14 : i64} {
  func.func @_fp3_body(%arg0: i32, %arg1: memref<128x256xf32, #tpu.memory_space<vmem>>, %arg2: memref<1x1x1024xf32, #tpu.memory_space<vmem>>, %arg3: memref<1280x256xf32, #tpu.memory_space<vmem>>, %arg4: memref<1x256xf32, #tpu.memory_space<vmem>>, %arg5: memref<1x256xf32, #tpu.memory_space<vmem>>, %arg6: memref<1x256xf32, #tpu.memory_space<vmem>>, %arg7: memref<256x256xf32, #tpu.memory_space<vmem>>, %arg8: memref<1x256xf32, #tpu.memory_space<vmem>>, %arg9: memref<1x256xf32, #tpu.memory_space<vmem>>, %arg10: memref<1x256xf32, #tpu.memory_space<vmem>>, %arg11: memref<128x256xf32, #tpu.memory_space<vmem>>) attributes {dimension_semantics = [#tpu.dimension_semantics<arbitrary>], iteration_bounds = array<i64: 16>, scalar_prefetch = 0 : i64, scratch_operands = 0 : i64, tpu.core_type = #tpu.core_type<tc>, window_params = [{transform_indices = @transform_0, window_bounds = array<i64: 128, 256>}, {transform_indices = @transform_1, window_bounds = array<i64: 1, 1, 1024>}, {pipeline_mode = #tpu.pipeline_mode<synchronous>, transform_indices = @transform_2, window_bounds = array<i64: 1280, 256>}, {pipeline_mode = #tpu.pipeline_mode<synchronous>, transform_indices = @transform_3, window_bounds = array<i64: 1, 256>}, {pipeline_mode = #tpu.pipeline_mode<synchronous>, transform_indices = @transform_4, window_bounds = array<i64: 1, 256>}, {pipeline_mode = #tpu.pipeline_mode<synchronous>, transform_indices = @transform_5, window_bounds = array<i64: 1, 256>}, {pipeline_mode = #tpu.pipeline_mode<synchronous>, transform_indices = @transform_6, window_bounds = array<i64: 256, 256>}, {pipeline_mode = #tpu.pipeline_mode<synchronous>, transform_indices = @transform_7, window_bounds = array<i64: 1, 256>}, {pipeline_mode = #tpu.pipeline_mode<synchronous>, transform_indices = @transform_8, window_bounds = array<i64: 1, 256>}, {pipeline_mode = #tpu.pipeline_mode<synchronous>, transform_indices = @transform_9, window_bounds = array<i64: 1, 256>}, {transform_indices = @transform_10, window_bounds = array<i64: 128, 256>}]} {
    %get3A = arith.constant 0 : index
    %get3A_0 = arith.constant 0 : index
    %get3A_1 = vector.load %arg1[%get3A, %get3A_0] : memref<128x256xf32, #tpu.memory_space<vmem>>, vector<128x256xf32>
    %get3A_2 = arith.constant 0 : index
    %get3A_3 = arith.constant 0 : index
    %get3A_4 = arith.constant 0 : index
    %get3A_5 = vector.load %arg2[%get3A_2, %get3A_3, %get3A_4] : memref<1x1x1024xf32, #tpu.memory_space<vmem>>, vector<1x1x1024xf32>
    %get3A_6 = vector.shape_cast %get3A_5 : vector<1x1x1024xf32> to vector<1x1024xf32>
    %broadcast_in_dim3A = vector.shape_cast %get3A_6 : vector<1x1024xf32> to vector<1x1024xf32>
    %broadcast_in_dim3A_7 = vector.broadcast %broadcast_in_dim3A : vector<1x1024xf32> to vector<128x1024xf32>
    %concatenate3A = tpu.concatenate %get3A_1, %broadcast_in_dim3A_7 in 1 : vector<128x256xf32>, vector<128x1024xf32> -> vector<128x1280xf32>
    %get3A_8 = arith.constant 0 : index
    %get3A_9 = arith.constant 0 : index
    %get3A_10 = vector.load %arg3[%get3A_8, %get3A_9] : memref<1280x256xf32, #tpu.memory_space<vmem>>, vector<1280x256xf32>
    %dot_general3A = arith.constant dense<0.000000e+00> : vector<128x256xf32>
    %dot_general3A_11 = tpu.matmul %concatenate3A, %get3A_10, %dot_general3A {dimension_numbers = #tpu.dot_dimension_numbers<[1], [0], [0], [1], [0, 0, 1, 1], [], []>, transpose_lhs_hint = false} : vector<128x1280xf32>, vector<1280x256xf32>, vector<128x256xf32> -> vector<128x256xf32>
    %get3A_12 = arith.constant 0 : index
    %get3A_13 = arith.constant 0 : index
    %get3A_14 = vector.load %arg4[%get3A_12, %get3A_13] : memref<1x256xf32, #tpu.memory_space<vmem>>, vector<1x256xf32>
    %add3A = vector.broadcast %get3A_14 : vector<1x256xf32> to vector<128x256xf32>
    %add3A_15 = arith.addf %dot_general3A_11, %add3A : vector<128x256xf32>
    %div3A = arith.constant 1.00000501 : f32
    %div3A_16 = vector.broadcast %div3A : f32 to vector<128x256xf32>
    %div3A_17 = arith.divf %add3A_15, %div3A_16 : vector<128x256xf32>
    %get3A_18 = arith.constant 0 : index
    %get3A_19 = arith.constant 0 : index
    %get3A_20 = vector.load %arg5[%get3A_18, %get3A_19] : memref<1x256xf32, #tpu.memory_space<vmem>>, vector<1x256xf32>
    %mul3A = vector.broadcast %get3A_20 : vector<1x256xf32> to vector<128x256xf32>
    %mul3A_21 = arith.mulf %div3A_17, %mul3A : vector<128x256xf32>
    %get3A_22 = arith.constant 0 : index
    %get3A_23 = arith.constant 0 : index
    %get3A_24 = vector.load %arg6[%get3A_22, %get3A_23] : memref<1x256xf32, #tpu.memory_space<vmem>>, vector<1x256xf32>
    %add3A_25 = vector.broadcast %get3A_24 : vector<1x256xf32> to vector<128x256xf32>
    %add3A_26 = arith.addf %mul3A_21, %add3A_25 : vector<128x256xf32>
    %max3A = arith.constant 0.000000e+00 : f32
    %max3A_27 = vector.broadcast %max3A : f32 to vector<128x256xf32>
    %max3A_28 = arith.maximumf %add3A_26, %max3A_27 : vector<128x256xf32>
    %get3A_29 = arith.constant 0 : index
    %get3A_30 = arith.constant 0 : index
    %get3A_31 = vector.load %arg7[%get3A_29, %get3A_30] : memref<256x256xf32, #tpu.memory_space<vmem>>, vector<256x256xf32>
    %dot_general3A_32 = arith.constant dense<0.000000e+00> : vector<128x256xf32>
    %dot_general3A_33 = tpu.matmul %max3A_28, %get3A_31, %dot_general3A_32 {dimension_numbers = #tpu.dot_dimension_numbers<[1], [0], [0], [1], [0, 0, 1, 1], [], []>, transpose_lhs_hint = false} : vector<128x256xf32>, vector<256x256xf32>, vector<128x256xf32> -> vector<128x256xf32>
    %get3A_34 = arith.constant 0 : index
    %get3A_35 = arith.constant 0 : index
    %get3A_36 = vector.load %arg8[%get3A_34, %get3A_35] : memref<1x256xf32, #tpu.memory_space<vmem>>, vector<1x256xf32>
    %add3A_37 = vector.broadcast %get3A_36 : vector<1x256xf32> to vector<128x256xf32>
    %add3A_38 = arith.addf %dot_general3A_33, %add3A_37 : vector<128x256xf32>
    %div3A_39 = arith.constant 1.00000501 : f32
    %div3A_40 = vector.broadcast %div3A_39 : f32 to vector<128x256xf32>
    %div3A_41 = arith.divf %add3A_38, %div3A_40 : vector<128x256xf32>
    %get3A_42 = arith.constant 0 : index
    %get3A_43 = arith.constant 0 : index
    %get3A_44 = vector.load %arg9[%get3A_42, %get3A_43] : memref<1x256xf32, #tpu.memory_space<vmem>>, vector<1x256xf32>
    %mul3A_45 = vector.broadcast %get3A_44 : vector<1x256xf32> to vector<128x256xf32>
    %mul3A_46 = arith.mulf %div3A_41, %mul3A_45 : vector<128x256xf32>
    %get3A_47 = arith.constant 0 : index
    %get3A_48 = arith.constant 0 : index
    %get3A_49 = vector.load %arg10[%get3A_47, %get3A_48] : memref<1x256xf32, #tpu.memory_space<vmem>>, vector<1x256xf32>
    %add3A_50 = vector.broadcast %get3A_49 : vector<1x256xf32> to vector<128x256xf32>
    %add3A_51 = arith.addf %mul3A_46, %add3A_50 : vector<128x256xf32>
    %max3A_52 = arith.constant 0.000000e+00 : f32
    %max3A_53 = vector.broadcast %max3A_52 : f32 to vector<128x256xf32>
    %max3A_54 = arith.maximumf %add3A_51, %max3A_53 : vector<128x256xf32>
    %swap3A = arith.constant 0 : index
    %swap3A_55 = arith.constant 0 : index
    %swap3A_56 = vector.load %arg11[%swap3A, %swap3A_55] : memref<128x256xf32, #tpu.memory_space<vmem>>, vector<128x256xf32>
    tpu.vector_store %arg11[%swap3A, %swap3A_55], %max3A_54 {strides = array<i32>} : memref<128x256xf32, #tpu.memory_space<vmem>>, vector<128x256xf32>,
    return
  }
  func.func @transform_0(%arg0: i32) -> (i32, i32) {
    %c0_i32 = arith.constant 0 : i32
    %c0_i32_0 = arith.constant 0 : i32
    return %arg0, %c0_i32 : i32, i32
  }
  func.func @transform_1(%arg0: i32) -> (i32, i32, i32) {
    %c0_i32 = arith.constant 0 : i32
    %c0_i32_0 = arith.constant 0 : i32
    %c0_i32_1 = arith.constant 0 : i32
    return %arg0, %c0_i32, %c0_i32_0 : i32, i32, i32
  }
  func.func @transform_2(%arg0: i32) -> (i32, i32) {
    %c0_i32 = arith.constant 0 : i32
    %c0_i32_0 = arith.constant 0 : i32
    %c0_i32_1 = arith.constant 0 : i32
    return %c0_i32, %c0_i32_0 : i32, i32
  }
  func.func @transform_3(%arg0: i32) -> (i32, i32) {
    %c0_i32 = arith.constant 0 : i32
    %c0_i32_0 = arith.constant 0 : i32
    %c0_i32_1 = arith.constant 0 : i32
    return %c0_i32, %c0_i32_0 : i32, i32
  }
  func.func @transform_4(%arg0: i32) -> (i32, i32) {
    %c0_i32 = arith.constant 0 : i32
    %c0_i32_0 = arith.constant 0 : i32
    %c0_i32_1 = arith.constant 0 : i32
    return %c0_i32, %c0_i32_0 : i32, i32
  }
  func.func @transform_5(%arg0: i32) -> (i32, i32) {
    %c0_i32 = arith.constant 0 : i32
    %c0_i32_0 = arith.constant 0 : i32
    %c0_i32_1 = arith.constant 0 : i32
    return %c0_i32, %c0_i32_0 : i32, i32
  }
  func.func @transform_6(%arg0: i32) -> (i32, i32) {
    %c0_i32 = arith.constant 0 : i32
    %c0_i32_0 = arith.constant 0 : i32
    %c0_i32_1 = arith.constant 0 : i32
    return %c0_i32, %c0_i32_0 : i32, i32
  }
  func.func @transform_7(%arg0: i32) -> (i32, i32) {
    %c0_i32 = arith.constant 0 : i32
    %c0_i32_0 = arith.constant 0 : i32
    %c0_i32_1 = arith.constant 0 : i32
    return %c0_i32, %c0_i32_0 : i32, i32
  }
  func.func @transform_8(%arg0: i32) -> (i32, i32) {
    %c0_i32 = arith.constant 0 : i32
    %c0_i32_0 = arith.constant 0 : i32
    %c0_i32_1 = arith.constant 0 : i32
    return %c0_i32, %c0_i32_0 : i32, i32
  }
  func.func @transform_9(%arg0: i32) -> (i32, i32) {
    %c0_i32 = arith.constant 0 : i32
    %c0_i32_0 = arith.constant 0 : i32
    %c0_i32_1 = arith.constant 0 : i32
    return %c0_i32, %c0_i32_0 : i32, i32
  }
  func.func @transform_10(%arg0: i32) -> (i32, i32) {
    %c0_i32 = arith.constant 0 : i32
    %c0_i32_0 = arith.constant 0 : i32
    return %arg0, %c0_i32 : i32, i32
  }
}

module attributes {stable_mosaic.version = 14 : i64} {
  func.func @body(%arg0: i32, %arg1: i32, %arg2: memref<512x3xf32, #tpu.memory_space<vmem>>, %arg3: memref<1x3x128xf32, #tpu.memory_space<vmem>>, %arg4: memref<512x128xf32, #tpu.memory_space<vmem>>, %arg5: memref<128x256xf32, #tpu.memory_space<vmem>>, %arg6: memref<384x256xf32, #tpu.memory_space<vmem>>, %arg7: memref<1x256xf32, #tpu.memory_space<vmem>>, %arg8: memref<1x256xf32, #tpu.memory_space<vmem>>, %arg9: memref<1x256xf32, #tpu.memory_space<vmem>>, %arg10: memref<256x128xf32, #tpu.memory_space<vmem>>, %arg11: memref<1x128xf32, #tpu.memory_space<vmem>>, %arg12: memref<1x128xf32, #tpu.memory_space<vmem>>, %arg13: memref<1x128xf32, #tpu.memory_space<vmem>>, %arg14: memref<512x128xf32, #tpu.memory_space<vmem>>) attributes {dimension_semantics = [#tpu.dimension_semantics<arbitrary>, #tpu.dimension_semantics<arbitrary>], iteration_bounds = array<i64: 16, 1>, scalar_prefetch = 0 : i64, scratch_operands = 0 : i64, tpu.core_type = #tpu.core_type<tc>, window_params = [{transform_indices = @transform_0, window_bounds = array<i64: 512, 3>}, {transform_indices = @transform_1, window_bounds = array<i64: 1, 3, 128>}, {transform_indices = @transform_2, window_bounds = array<i64: 512, 128>}, {transform_indices = @transform_3, window_bounds = array<i64: 128, 256>}, {pipeline_mode = #tpu.pipeline_mode<synchronous>, transform_indices = @transform_4, window_bounds = array<i64: 384, 256>}, {pipeline_mode = #tpu.pipeline_mode<synchronous>, transform_indices = @transform_5, window_bounds = array<i64: 1, 256>}, {pipeline_mode = #tpu.pipeline_mode<synchronous>, transform_indices = @transform_6, window_bounds = array<i64: 1, 256>}, {pipeline_mode = #tpu.pipeline_mode<synchronous>, transform_indices = @transform_7, window_bounds = array<i64: 1, 256>}, {pipeline_mode = #tpu.pipeline_mode<synchronous>, transform_indices = @transform_8, window_bounds = array<i64: 256, 128>}, {pipeline_mode = #tpu.pipeline_mode<synchronous>, transform_indices = @transform_9, window_bounds = array<i64: 1, 128>}, {pipeline_mode = #tpu.pipeline_mode<synchronous>, transform_indices = @transform_10, window_bounds = array<i64: 1, 128>}, {pipeline_mode = #tpu.pipeline_mode<synchronous>, transform_indices = @transform_11, window_bounds = array<i64: 1, 128>}, {transform_indices = @transform_12, window_bounds = array<i64: 512, 128>}]} {
    %get3A = arith.constant 0 : index
    %get3A_0 = arith.constant 0 : index
    %get3A_1 = vector.load %arg2[%get3A, %get3A_0] : memref<512x3xf32, #tpu.memory_space<vmem>>, vector<512x3xf32>
    %get3A_2 = arith.constant 0 : index
    %get3A_3 = arith.constant 0 : index
    %get3A_4 = arith.constant 0 : index
    %get3A_5 = vector.load %arg3[%get3A_2, %get3A_3, %get3A_4] : memref<1x3x128xf32, #tpu.memory_space<vmem>>, vector<1x3x128xf32>
    %get3A_6 = vector.shape_cast %get3A_5 : vector<1x3x128xf32> to vector<3x128xf32>
    %mul3A = arith.mulf %get3A_1, %get3A_1 : vector<512x3xf32>
    %reduce_sum3A = arith.constant dense<0.000000e+00> : vector<512xf32>
    %reduce_sum3A_7 = vector.multi_reduction <add>, %mul3A, %reduce_sum3A [1] : vector<512x3xf32> to vector<512xf32>
    %broadcast_in_dim3A = vector.shape_cast %reduce_sum3A_7 : vector<512xf32> to vector<512x1xf32>
    %mul3A_8 = arith.mulf %get3A_6, %get3A_6 : vector<3x128xf32>
    %reduce_sum3A_9 = arith.constant dense<0.000000e+00> : vector<128xf32>
    %reduce_sum3A_10 = vector.multi_reduction <add>, %mul3A_8, %reduce_sum3A_9 [0] : vector<3x128xf32> to vector<128xf32>
    %broadcast_in_dim3A_11 = vector.shape_cast %reduce_sum3A_10 : vector<128xf32> to vector<1x128xf32>
    %dot_general3A = arith.constant dense<0.000000e+00> : vector<512x128xf32>
    %dot_general3A_12 = tpu.matmul %get3A_1, %get3A_6, %dot_general3A {dimension_numbers = #tpu.dot_dimension_numbers<[1], [0], [0], [1], [0, 0, 1, 1], [], []>, transpose_lhs_hint = false} : vector<512x3xf32>, vector<3x128xf32>, vector<512x128xf32> -> vector<512x128xf32>
    %add3A = vector.broadcast %broadcast_in_dim3A : vector<512x1xf32> to vector<512x128xf32>
    %add3A_13 = vector.broadcast %broadcast_in_dim3A_11 : vector<1x128xf32> to vector<512x128xf32>
    %add3A_14 = arith.addf %add3A, %add3A_13 : vector<512x128xf32>
    %mul3A_15 = arith.constant 2.000000e+00 : f32
    %mul3A_16 = vector.broadcast %mul3A_15 : f32 to vector<512x128xf32>
    %mul3A_17 = arith.mulf %mul3A_16, %dot_general3A_12 : vector<512x128xf32>
    %sub3A = arith.subf %add3A_14, %mul3A_17 : vector<512x128xf32>
    %iota3A = tpu.iota {dimensions = array<i32: 1>} : vector<512x128xi32>
    %reduce_min3A = arith.constant dense<0x7F800000> : vector<512xf32>
    %reduce_min3A_18 = vector.multi_reduction <minimumf>, %sub3A, %reduce_min3A [1] : vector<512x128xf32> to vector<512xf32>
    %broadcast_in_dim3A_19 = vector.shape_cast %reduce_min3A_18 : vector<512xf32> to vector<512x1xf32>
    %eq3A = vector.broadcast %broadcast_in_dim3A_19 : vector<512x1xf32> to vector<512x128xf32>
    %eq3A_20 = arith.cmpf oeq, %sub3A, %eq3A : vector<512x128xf32>
    %jit3A = arith.constant 128 : i32
    %broadcast_in_dim3A_21 = vector.broadcast %jit3A : i32 to vector<512x128xi32>
    %select_n3A = arith.select %eq3A_20, %iota3A, %broadcast_in_dim3A_21 : vector<512x128xi1>, vector<512x128xi32>
    %reduce_min3A_22 = arith.constant dense<2147483647> : vector<512xi32>
    %reduce_min3A_23 = vector.multi_reduction <minsi>, %select_n3A, %reduce_min3A_22 [1] : vector<512x128xi32> to vector<512xi32>
    %broadcast_in_dim3A_24 = vector.shape_cast %reduce_min3A_23 : vector<512xi32> to vector<512x1xi32>
    %eq3A_25 = vector.broadcast %broadcast_in_dim3A_24 : vector<512x1xi32> to vector<512x128xi32>
    %eq3A_26 = arith.cmpi eq, %iota3A, %eq3A_25 : vector<512x128xi32>
    %jit3A_27 = arith.constant 1.000000e+30 : f32
    %broadcast_in_dim3A_28 = vector.broadcast %jit3A_27 : f32 to vector<512x128xf32>
    %select_n3A_29 = arith.select %eq3A_26, %broadcast_in_dim3A_28, %sub3A : vector<512x128xi1>, vector<512x128xf32>
    %reduce_min3A_30 = arith.constant dense<0x7F800000> : vector<512xf32>
    %reduce_min3A_31 = vector.multi_reduction <minimumf>, %select_n3A_29, %reduce_min3A_30 [1] : vector<512x128xf32> to vector<512xf32>
    %broadcast_in_dim3A_32 = vector.shape_cast %reduce_min3A_31 : vector<512xf32> to vector<512x1xf32>
    %eq3A_33 = vector.broadcast %broadcast_in_dim3A_32 : vector<512x1xf32> to vector<512x128xf32>
    %eq3A_34 = arith.cmpf oeq, %select_n3A_29, %eq3A_33 : vector<512x128xf32>
    %jit3A_35 = arith.constant 128 : i32
    %broadcast_in_dim3A_36 = vector.broadcast %jit3A_35 : i32 to vector<512x128xi32>
    %select_n3A_37 = arith.select %eq3A_34, %iota3A, %broadcast_in_dim3A_36 : vector<512x128xi1>, vector<512x128xi32>
    %reduce_min3A_38 = arith.constant dense<2147483647> : vector<512xi32>
    %reduce_min3A_39 = vector.multi_reduction <minsi>, %select_n3A_37, %reduce_min3A_38 [1] : vector<512x128xi32> to vector<512xi32>
    %broadcast_in_dim3A_40 = vector.shape_cast %reduce_min3A_39 : vector<512xi32> to vector<512x1xi32>
    %eq3A_41 = vector.broadcast %broadcast_in_dim3A_40 : vector<512x1xi32> to vector<512x128xi32>
    %eq3A_42 = arith.cmpi eq, %iota3A, %eq3A_41 : vector<512x128xi32>
    %jit3A_43 = arith.constant 1.000000e+30 : f32
    %broadcast_in_dim3A_44 = vector.broadcast %jit3A_43 : f32 to vector<512x128xf32>
    %select_n3A_45 = arith.select %eq3A_42, %broadcast_in_dim3A_44, %select_n3A_29 : vector<512x128xi1>, vector<512x128xf32>
    %reduce_min3A_46 = arith.constant dense<0x7F800000> : vector<512xf32>
    %reduce_min3A_47 = vector.multi_reduction <minimumf>, %select_n3A_45, %reduce_min3A_46 [1] : vector<512x128xf32> to vector<512xf32>
    %broadcast_in_dim3A_48 = vector.shape_cast %reduce_min3A_47 : vector<512xf32> to vector<512x1xf32>
    %eq3A_49 = vector.broadcast %broadcast_in_dim3A_48 : vector<512x1xf32> to vector<512x128xf32>
    %eq3A_50 = arith.cmpf oeq, %select_n3A_45, %eq3A_49 : vector<512x128xf32>
    %jit3A_51 = arith.constant 128 : i32
    %broadcast_in_dim3A_52 = vector.broadcast %jit3A_51 : i32 to vector<512x128xi32>
    %select_n3A_53 = arith.select %eq3A_50, %iota3A, %broadcast_in_dim3A_52 : vector<512x128xi1>, vector<512x128xi32>
    %reduce_min3A_54 = arith.constant dense<2147483647> : vector<512xi32>
    %reduce_min3A_55 = vector.multi_reduction <minsi>, %select_n3A_53, %reduce_min3A_54 [1] : vector<512x128xi32> to vector<512xi32>
    %broadcast_in_dim3A_56 = vector.shape_cast %reduce_min3A_55 : vector<512xi32> to vector<512x1xi32>
    %add3A_57 = arith.constant 9.99999993E-9 : f32
    %add3A_58 = vector.broadcast %add3A_57 : f32 to vector<512x1xf32>
    %add3A_59 = arith.addf %broadcast_in_dim3A_19, %add3A_58 : vector<512x1xf32>
    %div3A = arith.constant 1.000000e+00 : f32
    %div3A_60 = vector.broadcast %div3A : f32 to vector<512x1xf32>
    %div3A_61 = arith.divf %div3A_60, %add3A_59 : vector<512x1xf32>
    %add3A_62 = arith.constant 9.99999993E-9 : f32
    %add3A_63 = vector.broadcast %add3A_62 : f32 to vector<512x1xf32>
    %add3A_64 = arith.addf %broadcast_in_dim3A_32, %add3A_63 : vector<512x1xf32>
    %div3A_65 = arith.constant 1.000000e+00 : f32
    %div3A_66 = vector.broadcast %div3A_65 : f32 to vector<512x1xf32>
    %div3A_67 = arith.divf %div3A_66, %add3A_64 : vector<512x1xf32>
    %add3A_68 = arith.constant 9.99999993E-9 : f32
    %add3A_69 = vector.broadcast %add3A_68 : f32 to vector<512x1xf32>
    %add3A_70 = arith.addf %broadcast_in_dim3A_48, %add3A_69 : vector<512x1xf32>
    %div3A_71 = arith.constant 1.000000e+00 : f32
    %div3A_72 = vector.broadcast %div3A_71 : f32 to vector<512x1xf32>
    %div3A_73 = arith.divf %div3A_72, %add3A_70 : vector<512x1xf32>
    %add3A_74 = arith.addf %div3A_61, %div3A_67 : vector<512x1xf32>
    %add3A_75 = arith.addf %add3A_74, %div3A_73 : vector<512x1xf32>
    %eq3A_76 = vector.broadcast %broadcast_in_dim3A_24 : vector<512x1xi32> to vector<512x128xi32>
    %eq3A_77 = arith.cmpi eq, %iota3A, %eq3A_76 : vector<512x128xi32>
    %div3A_78 = arith.divf %div3A_61, %add3A_75 : vector<512x1xf32>
    %jit3A_79 = arith.constant 0.000000e+00 : f32
    %broadcast_in_dim3A_80 = vector.shape_cast %div3A_78 : vector<512x1xf32> to vector<512x1xf32>
    %broadcast_in_dim3A_81 = vector.broadcast %broadcast_in_dim3A_80 : vector<512x1xf32> to vector<512x128xf32>
    %broadcast_in_dim3A_82 = vector.broadcast %jit3A_79 : f32 to vector<512x128xf32>
    %select_n3A_83 = arith.select %eq3A_77, %broadcast_in_dim3A_81, %broadcast_in_dim3A_82 : vector<512x128xi1>, vector<512x128xf32>
    %eq3A_84 = vector.broadcast %broadcast_in_dim3A_40 : vector<512x1xi32> to vector<512x128xi32>
    %eq3A_85 = arith.cmpi eq, %iota3A, %eq3A_84 : vector<512x128xi32>
    %div3A_86 = arith.divf %div3A_67, %add3A_75 : vector<512x1xf32>
    %jit3A_87 = arith.constant 0.000000e+00 : f32
    %broadcast_in_dim3A_88 = vector.shape_cast %div3A_86 : vector<512x1xf32> to vector<512x1xf32>
    %broadcast_in_dim3A_89 = vector.broadcast %broadcast_in_dim3A_88 : vector<512x1xf32> to vector<512x128xf32>
    %broadcast_in_dim3A_90 = vector.broadcast %jit3A_87 : f32 to vector<512x128xf32>
    %select_n3A_91 = arith.select %eq3A_85, %broadcast_in_dim3A_89, %broadcast_in_dim3A_90 : vector<512x128xi1>, vector<512x128xf32>
    %add3A_92 = arith.addf %select_n3A_83, %select_n3A_91 : vector<512x128xf32>
    %eq3A_93 = vector.broadcast %broadcast_in_dim3A_56 : vector<512x1xi32> to vector<512x128xi32>
    %eq3A_94 = arith.cmpi eq, %iota3A, %eq3A_93 : vector<512x128xi32>
    %div3A_95 = arith.divf %div3A_73, %add3A_75 : vector<512x1xf32>
    %jit3A_96 = arith.constant 0.000000e+00 : f32
    %broadcast_in_dim3A_97 = vector.shape_cast %div3A_95 : vector<512x1xf32> to vector<512x1xf32>
    %broadcast_in_dim3A_98 = vector.broadcast %broadcast_in_dim3A_97 : vector<512x1xf32> to vector<512x128xf32>
    %broadcast_in_dim3A_99 = vector.broadcast %jit3A_96 : f32 to vector<512x128xf32>
    %select_n3A_100 = arith.select %eq3A_94, %broadcast_in_dim3A_98, %broadcast_in_dim3A_99 : vector<512x128xi1>, vector<512x128xf32>
    %add3A_101 = arith.addf %add3A_92, %select_n3A_100 : vector<512x128xf32>
    %get3A_102 = arith.constant 0 : index
    %get3A_103 = arith.constant 0 : index
    %get3A_104 = vector.load %arg5[%get3A_102, %get3A_103] : memref<128x256xf32, #tpu.memory_space<vmem>>, vector<128x256xf32>
    %dot_general3A_105 = arith.constant dense<0.000000e+00> : vector<512x256xf32>
    %dot_general3A_106 = tpu.matmul %add3A_101, %get3A_104, %dot_general3A_105 {dimension_numbers = #tpu.dot_dimension_numbers<[1], [0], [0], [1], [0, 0, 1, 1], [], []>, precision = #tpu.contract_precision<fp32>, transpose_lhs_hint = false} : vector<512x128xf32>, vector<128x256xf32>, vector<512x256xf32> -> vector<512x256xf32>
    %get3A_107 = arith.constant 0 : index
    %get3A_108 = arith.constant 0 : index
    %get3A_109 = vector.load %arg4[%get3A_107, %get3A_108] : memref<512x128xf32, #tpu.memory_space<vmem>>, vector<512x128xf32>
    %concatenate3A = tpu.concatenate %get3A_109, %dot_general3A_106 in 1 : vector<512x128xf32>, vector<512x256xf32> -> vector<512x384xf32>
    %get3A_110 = arith.constant 0 : index
    %get3A_111 = arith.constant 0 : index
    %get3A_112 = vector.load %arg6[%get3A_110, %get3A_111] : memref<384x256xf32, #tpu.memory_space<vmem>>, vector<384x256xf32>
    %dot_general3A_113 = arith.constant dense<0.000000e+00> : vector<512x256xf32>
    %dot_general3A_114 = tpu.matmul %concatenate3A, %get3A_112, %dot_general3A_113 {dimension_numbers = #tpu.dot_dimension_numbers<[1], [0], [0], [1], [0, 0, 1, 1], [], []>, transpose_lhs_hint = false} : vector<512x384xf32>, vector<384x256xf32>, vector<512x256xf32> -> vector<512x256xf32>
    %get3A_115 = arith.constant 0 : index
    %get3A_116 = arith.constant 0 : index
    %get3A_117 = vector.load %arg7[%get3A_115, %get3A_116] : memref<1x256xf32, #tpu.memory_space<vmem>>, vector<1x256xf32>
    %add3A_118 = vector.broadcast %get3A_117 : vector<1x256xf32> to vector<512x256xf32>
    %add3A_119 = arith.addf %dot_general3A_114, %add3A_118 : vector<512x256xf32>
    %div3A_120 = arith.constant 1.00000501 : f32
    %div3A_121 = vector.broadcast %div3A_120 : f32 to vector<512x256xf32>
    %div3A_122 = arith.divf %add3A_119, %div3A_121 : vector<512x256xf32>
    %get3A_123 = arith.constant 0 : index
    %get3A_124 = arith.constant 0 : index
    %get3A_125 = vector.load %arg8[%get3A_123, %get3A_124] : memref<1x256xf32, #tpu.memory_space<vmem>>, vector<1x256xf32>
    %mul3A_126 = vector.broadcast %get3A_125 : vector<1x256xf32> to vector<512x256xf32>
    %mul3A_127 = arith.mulf %div3A_122, %mul3A_126 : vector<512x256xf32>
    %get3A_128 = arith.constant 0 : index
    %get3A_129 = arith.constant 0 : index
    %get3A_130 = vector.load %arg9[%get3A_128, %get3A_129] : memref<1x256xf32, #tpu.memory_space<vmem>>, vector<1x256xf32>
    %add3A_131 = vector.broadcast %get3A_130 : vector<1x256xf32> to vector<512x256xf32>
    %add3A_132 = arith.addf %mul3A_127, %add3A_131 : vector<512x256xf32>
    %max3A = arith.constant 0.000000e+00 : f32
    %max3A_133 = vector.broadcast %max3A : f32 to vector<512x256xf32>
    %max3A_134 = arith.maximumf %add3A_132, %max3A_133 : vector<512x256xf32>
    %get3A_135 = arith.constant 0 : index
    %get3A_136 = arith.constant 0 : index
    %get3A_137 = vector.load %arg10[%get3A_135, %get3A_136] : memref<256x128xf32, #tpu.memory_space<vmem>>, vector<256x128xf32>
    %dot_general3A_138 = arith.constant dense<0.000000e+00> : vector<512x128xf32>
    %dot_general3A_139 = tpu.matmul %max3A_134, %get3A_137, %dot_general3A_138 {dimension_numbers = #tpu.dot_dimension_numbers<[1], [0], [0], [1], [0, 0, 1, 1], [], []>, transpose_lhs_hint = false} : vector<512x256xf32>, vector<256x128xf32>, vector<512x128xf32> -> vector<512x128xf32>
    %get3A_140 = arith.constant 0 : index
    %get3A_141 = arith.constant 0 : index
    %get3A_142 = vector.load %arg11[%get3A_140, %get3A_141] : memref<1x128xf32, #tpu.memory_space<vmem>>, vector<1x128xf32>
    %add3A_143 = vector.broadcast %get3A_142 : vector<1x128xf32> to vector<512x128xf32>
    %add3A_144 = arith.addf %dot_general3A_139, %add3A_143 : vector<512x128xf32>
    %div3A_145 = arith.constant 1.00000501 : f32
    %div3A_146 = vector.broadcast %div3A_145 : f32 to vector<512x128xf32>
    %div3A_147 = arith.divf %add3A_144, %div3A_146 : vector<512x128xf32>
    %get3A_148 = arith.constant 0 : index
    %get3A_149 = arith.constant 0 : index
    %get3A_150 = vector.load %arg12[%get3A_148, %get3A_149] : memref<1x128xf32, #tpu.memory_space<vmem>>, vector<1x128xf32>
    %mul3A_151 = vector.broadcast %get3A_150 : vector<1x128xf32> to vector<512x128xf32>
    %mul3A_152 = arith.mulf %div3A_147, %mul3A_151 : vector<512x128xf32>
    %get3A_153 = arith.constant 0 : index
    %get3A_154 = arith.constant 0 : index
    %get3A_155 = vector.load %arg13[%get3A_153, %get3A_154] : memref<1x128xf32, #tpu.memory_space<vmem>>, vector<1x128xf32>
    %add3A_156 = vector.broadcast %get3A_155 : vector<1x128xf32> to vector<512x128xf32>
    %add3A_157 = arith.addf %mul3A_152, %add3A_156 : vector<512x128xf32>
    %max3A_158 = arith.constant 0.000000e+00 : f32
    %max3A_159 = vector.broadcast %max3A_158 : f32 to vector<512x128xf32>
    %max3A_160 = arith.maximumf %add3A_157, %max3A_159 : vector<512x128xf32>
    %swap3A = arith.constant 0 : index
    %swap3A_161 = arith.constant 0 : index
    %swap3A_162 = vector.load %arg14[%swap3A, %swap3A_161] : memref<512x128xf32, #tpu.memory_space<vmem>>, vector<512x128xf32>
    tpu.vector_store %arg14[%swap3A, %swap3A_161], %max3A_160 {strides = array<i32>} : memref<512x128xf32, #tpu.memory_space<vmem>>, vector<512x128xf32>,
    return
  }
  func.func @transform_0(%arg0: i32, %arg1: i32) -> (i32, i32) {
    %mul3A = arith.constant 1 : i32
    %mul3A_0 = arith.muli %arg0, %mul3A : i32
    %add3A = arith.addi %mul3A_0, %arg1 : i32
    %c0_i32 = arith.constant 0 : i32
    %c0_i32_1 = arith.constant 0 : i32
    return %add3A, %c0_i32 : i32, i32
  }
  func.func @transform_1(%arg0: i32, %arg1: i32) -> (i32, i32, i32) {
    %c0_i32 = arith.constant 0 : i32
    %c0_i32_0 = arith.constant 0 : i32
    %c0_i32_1 = arith.constant 0 : i32
    return %arg0, %c0_i32, %c0_i32_0 : i32, i32, i32
  }
  func.func @transform_2(%arg0: i32, %arg1: i32) -> (i32, i32) {
    %mul3A = arith.constant 1 : i32
    %mul3A_0 = arith.muli %arg0, %mul3A : i32
    %add3A = arith.addi %mul3A_0, %arg1 : i32
    %c0_i32 = arith.constant 0 : i32
    %c0_i32_1 = arith.constant 0 : i32
    return %add3A, %c0_i32 : i32, i32
  }
  func.func @transform_3(%arg0: i32, %arg1: i32) -> (i32, i32) {
    %c0_i32 = arith.constant 0 : i32
    %c0_i32_0 = arith.constant 0 : i32
    return %arg0, %c0_i32 : i32, i32
  }
  func.func @transform_4(%arg0: i32, %arg1: i32) -> (i32, i32) {
    %c0_i32 = arith.constant 0 : i32
    %c0_i32_0 = arith.constant 0 : i32
    %c0_i32_1 = arith.constant 0 : i32
    return %c0_i32, %c0_i32_0 : i32, i32
  }
  func.func @transform_5(%arg0: i32, %arg1: i32) -> (i32, i32) {
    %c0_i32 = arith.constant 0 : i32
    %c0_i32_0 = arith.constant 0 : i32
    %c0_i32_1 = arith.constant 0 : i32
    return %c0_i32, %c0_i32_0 : i32, i32
  }
  func.func @transform_6(%arg0: i32, %arg1: i32) -> (i32, i32) {
    %c0_i32 = arith.constant 0 : i32
    %c0_i32_0 = arith.constant 0 : i32
    %c0_i32_1 = arith.constant 0 : i32
    return %c0_i32, %c0_i32_0 : i32, i32
  }
  func.func @transform_7(%arg0: i32, %arg1: i32) -> (i32, i32) {
    %c0_i32 = arith.constant 0 : i32
    %c0_i32_0 = arith.constant 0 : i32
    %c0_i32_1 = arith.constant 0 : i32
    return %c0_i32, %c0_i32_0 : i32, i32
  }
  func.func @transform_8(%arg0: i32, %arg1: i32) -> (i32, i32) {
    %c0_i32 = arith.constant 0 : i32
    %c0_i32_0 = arith.constant 0 : i32
    %c0_i32_1 = arith.constant 0 : i32
    return %c0_i32, %c0_i32_0 : i32, i32
  }
  func.func @transform_9(%arg0: i32, %arg1: i32) -> (i32, i32) {
    %c0_i32 = arith.constant 0 : i32
    %c0_i32_0 = arith.constant 0 : i32
    %c0_i32_1 = arith.constant 0 : i32
    return %c0_i32, %c0_i32_0 : i32, i32
  }
  func.func @transform_10(%arg0: i32, %arg1: i32) -> (i32, i32) {
    %c0_i32 = arith.constant 0 : i32
    %c0_i32_0 = arith.constant 0 : i32
    %c0_i32_1 = arith.constant 0 : i32
    return %c0_i32, %c0_i32_0 : i32, i32
  }
  func.func @transform_11(%arg0: i32, %arg1: i32) -> (i32, i32) {
    %c0_i32 = arith.constant 0 : i32
    %c0_i32_0 = arith.constant 0 : i32
    %c0_i32_1 = arith.constant 0 : i32
    return %c0_i32, %c0_i32_0 : i32, i32
  }
  func.func @transform_12(%arg0: i32, %arg1: i32) -> (i32, i32) {
    %mul3A = arith.constant 1 : i32
    %mul3A_0 = arith.muli %arg0, %mul3A : i32
    %add3A = arith.addi %mul3A_0, %arg1 : i32
    %c0_i32 = arith.constant 0 : i32
    %c0_i32_1 = arith.constant 0 : i32
    return %add3A, %c0_i32 : i32, i32
  }
}

module attributes {stable_mosaic.version = 14 : i64} {
  func.func @body(%arg0: i32, %arg1: i32, %arg2: memref<1024x3xf32, #tpu.memory_space<vmem>>, %arg3: memref<1x3x512xf32, #tpu.memory_space<vmem>>, %arg4: memref<1024x3xf32, #tpu.memory_space<vmem>>, %arg5: memref<512x128xf32, #tpu.memory_space<vmem>>, %arg6: memref<134x128xf32, #tpu.memory_space<vmem>>, %arg7: memref<1x128xf32, #tpu.memory_space<vmem>>, %arg8: memref<1x128xf32, #tpu.memory_space<vmem>>, %arg9: memref<1x128xf32, #tpu.memory_space<vmem>>, %arg10: memref<128x128xf32, #tpu.memory_space<vmem>>, %arg11: memref<1x128xf32, #tpu.memory_space<vmem>>, %arg12: memref<1x128xf32, #tpu.memory_space<vmem>>, %arg13: memref<1x128xf32, #tpu.memory_space<vmem>>, %arg14: memref<128x128xf32, #tpu.memory_space<vmem>>, %arg15: memref<1x128xf32, #tpu.memory_space<vmem>>, %arg16: memref<1x128xf32, #tpu.memory_space<vmem>>, %arg17: memref<1x128xf32, #tpu.memory_space<vmem>>, %arg18: memref<128x128xf32, #tpu.memory_space<vmem>>, %arg19: memref<1x128xf32, #tpu.memory_space<vmem>>, %arg20: memref<1x128xf32, #tpu.memory_space<vmem>>, %arg21: memref<1x128xf32, #tpu.memory_space<vmem>>, %arg22: memref<128x128xf32, #tpu.memory_space<vmem>>, %arg23: memref<1x128xf32, #tpu.memory_space<vmem>>, %arg24: memref<1x128xf32, #tpu.memory_space<vmem>>, %arg25: memref<1x128xf32, #tpu.memory_space<vmem>>, %arg26: memref<1024x128xf32, #tpu.memory_space<vmem>>) attributes {dimension_semantics = [#tpu.dimension_semantics<arbitrary>, #tpu.dimension_semantics<arbitrary>], iteration_bounds = array<i64: 16, 2>, scalar_prefetch = 0 : i64, scratch_operands = 0 : i64, tpu.core_type = #tpu.core_type<tc>, window_params = [{transform_indices = @transform_0, window_bounds = array<i64: 1024, 3>}, {transform_indices = @transform_1, window_bounds = array<i64: 1, 3, 512>}, {transform_indices = @transform_2, window_bounds = array<i64: 1024, 3>}, {transform_indices = @transform_3, window_bounds = array<i64: 512, 128>}, {pipeline_mode = #tpu.pipeline_mode<synchronous>, transform_indices = @transform_4, window_bounds = array<i64: 134, 128>}, {pipeline_mode = #tpu.pipeline_mode<synchronous>, transform_indices = @transform_5, window_bounds = array<i64: 1, 128>}, {pipeline_mode = #tpu.pipeline_mode<synchronous>, transform_indices = @transform_6, window_bounds = array<i64: 1, 128>}, {pipeline_mode = #tpu.pipeline_mode<synchronous>, transform_indices = @transform_7, window_bounds = array<i64: 1, 128>}, {pipeline_mode = #tpu.pipeline_mode<synchronous>, transform_indices = @transform_8, window_bounds = array<i64: 128, 128>}, {pipeline_mode = #tpu.pipeline_mode<synchronous>, transform_indices = @transform_9, window_bounds = array<i64: 1, 128>}, {pipeline_mode = #tpu.pipeline_mode<synchronous>, transform_indices = @transform_10, window_bounds = array<i64: 1, 128>}, {pipeline_mode = #tpu.pipeline_mode<synchronous>, transform_indices = @transform_11, window_bounds = array<i64: 1, 128>}, {pipeline_mode = #tpu.pipeline_mode<synchronous>, transform_indices = @transform_12, window_bounds = array<i64: 128, 128>}, {pipeline_mode = #tpu.pipeline_mode<synchronous>, transform_indices = @transform_13, window_bounds = array<i64: 1, 128>}, {pipeline_mode = #tpu.pipeline_mode<synchronous>, transform_indices = @transform_14, window_bounds = array<i64: 1, 128>}, {pipeline_mode = #tpu.pipeline_mode<synchronous>, transform_indices = @transform_15, window_bounds = array<i64: 1, 128>}, {pipeline_mode = #tpu.pipeline_mode<synchronous>, transform_indices = @transform_16, window_bounds = array<i64: 128, 128>}, {pipeline_mode = #tpu.pipeline_mode<synchronous>, transform_indices = @transform_17, window_bounds = array<i64: 1, 128>}, {pipeline_mode = #tpu.pipeline_mode<synchronous>, transform_indices = @transform_18, window_bounds = array<i64: 1, 128>}, {pipeline_mode = #tpu.pipeline_mode<synchronous>, transform_indices = @transform_19, window_bounds = array<i64: 1, 128>}, {pipeline_mode = #tpu.pipeline_mode<synchronous>, transform_indices = @transform_20, window_bounds = array<i64: 128, 128>}, {pipeline_mode = #tpu.pipeline_mode<synchronous>, transform_indices = @transform_21, window_bounds = array<i64: 1, 128>}, {pipeline_mode = #tpu.pipeline_mode<synchronous>, transform_indices = @transform_22, window_bounds = array<i64: 1, 128>}, {pipeline_mode = #tpu.pipeline_mode<synchronous>, transform_indices = @transform_23, window_bounds = array<i64: 1, 128>}, {transform_indices = @transform_24, window_bounds = array<i64: 1024, 128>}]} {
    %get3A = arith.constant 0 : index
    %get3A_0 = arith.constant 0 : index
    %get3A_1 = vector.load %arg2[%get3A, %get3A_0] : memref<1024x3xf32, #tpu.memory_space<vmem>>, vector<1024x3xf32>
    %get3A_2 = arith.constant 0 : index
    %get3A_3 = arith.constant 0 : index
    %get3A_4 = arith.constant 0 : index
    %get3A_5 = vector.load %arg3[%get3A_2, %get3A_3, %get3A_4] : memref<1x3x512xf32, #tpu.memory_space<vmem>>, vector<1x3x512xf32>
    %get3A_6 = vector.shape_cast %get3A_5 : vector<1x3x512xf32> to vector<3x512xf32>
    %mul3A = arith.mulf %get3A_1, %get3A_1 : vector<1024x3xf32>
    %reduce_sum3A = arith.constant dense<0.000000e+00> : vector<1024xf32>
    %reduce_sum3A_7 = vector.multi_reduction <add>, %mul3A, %reduce_sum3A [1] : vector<1024x3xf32> to vector<1024xf32>
    %broadcast_in_dim3A = vector.shape_cast %reduce_sum3A_7 : vector<1024xf32> to vector<1024x1xf32>
    %mul3A_8 = arith.mulf %get3A_6, %get3A_6 : vector<3x512xf32>
    %reduce_sum3A_9 = arith.constant dense<0.000000e+00> : vector<512xf32>
    %reduce_sum3A_10 = vector.multi_reduction <add>, %mul3A_8, %reduce_sum3A_9 [0] : vector<3x512xf32> to vector<512xf32>
    %broadcast_in_dim3A_11 = vector.shape_cast %reduce_sum3A_10 : vector<512xf32> to vector<1x512xf32>
    %dot_general3A = arith.constant dense<0.000000e+00> : vector<1024x512xf32>
    %dot_general3A_12 = tpu.matmul %get3A_1, %get3A_6, %dot_general3A {dimension_numbers = #tpu.dot_dimension_numbers<[1], [0], [0], [1], [0, 0, 1, 1], [], []>, transpose_lhs_hint = false} : vector<1024x3xf32>, vector<3x512xf32>, vector<1024x512xf32> -> vector<1024x512xf32>
    %add3A = vector.broadcast %broadcast_in_dim3A : vector<1024x1xf32> to vector<1024x512xf32>
    %add3A_13 = vector.broadcast %broadcast_in_dim3A_11 : vector<1x512xf32> to vector<1024x512xf32>
    %add3A_14 = arith.addf %add3A, %add3A_13 : vector<1024x512xf32>
    %mul3A_15 = arith.constant 2.000000e+00 : f32
    %mul3A_16 = vector.broadcast %mul3A_15 : f32 to vector<1024x512xf32>
    %mul3A_17 = arith.mulf %mul3A_16, %dot_general3A_12 : vector<1024x512xf32>
    %sub3A = arith.subf %add3A_14, %mul3A_17 : vector<1024x512xf32>
    %iota3A = tpu.iota {dimensions = array<i32: 1>} : vector<1024x512xi32>
    %reduce_min3A = arith.constant dense<0x7F800000> : vector<1024xf32>
    %reduce_min3A_18 = vector.multi_reduction <minimumf>, %sub3A, %reduce_min3A [1] : vector<1024x512xf32> to vector<1024xf32>
    %broadcast_in_dim3A_19 = vector.shape_cast %reduce_min3A_18 : vector<1024xf32> to vector<1024x1xf32>
    %eq3A = vector.broadcast %broadcast_in_dim3A_19 : vector<1024x1xf32> to vector<1024x512xf32>
    %eq3A_20 = arith.cmpf oeq, %sub3A, %eq3A : vector<1024x512xf32>
    %jit3A = arith.constant 512 : i32
    %broadcast_in_dim3A_21 = vector.broadcast %jit3A : i32 to vector<1024x512xi32>
    %select_n3A = arith.select %eq3A_20, %iota3A, %broadcast_in_dim3A_21 : vector<1024x512xi1>, vector<1024x512xi32>
    %reduce_min3A_22 = arith.constant dense<2147483647> : vector<1024xi32>
    %reduce_min3A_23 = vector.multi_reduction <minsi>, %select_n3A, %reduce_min3A_22 [1] : vector<1024x512xi32> to vector<1024xi32>
    %broadcast_in_dim3A_24 = vector.shape_cast %reduce_min3A_23 : vector<1024xi32> to vector<1024x1xi32>
    %eq3A_25 = vector.broadcast %broadcast_in_dim3A_24 : vector<1024x1xi32> to vector<1024x512xi32>
    %eq3A_26 = arith.cmpi eq, %iota3A, %eq3A_25 : vector<1024x512xi32>
    %jit3A_27 = arith.constant 1.000000e+30 : f32
    %broadcast_in_dim3A_28 = vector.broadcast %jit3A_27 : f32 to vector<1024x512xf32>
    %select_n3A_29 = arith.select %eq3A_26, %broadcast_in_dim3A_28, %sub3A : vector<1024x512xi1>, vector<1024x512xf32>
    %reduce_min3A_30 = arith.constant dense<0x7F800000> : vector<1024xf32>
    %reduce_min3A_31 = vector.multi_reduction <minimumf>, %select_n3A_29, %reduce_min3A_30 [1] : vector<1024x512xf32> to vector<1024xf32>
    %broadcast_in_dim3A_32 = vector.shape_cast %reduce_min3A_31 : vector<1024xf32> to vector<1024x1xf32>
    %eq3A_33 = vector.broadcast %broadcast_in_dim3A_32 : vector<1024x1xf32> to vector<1024x512xf32>
    %eq3A_34 = arith.cmpf oeq, %select_n3A_29, %eq3A_33 : vector<1024x512xf32>
    %jit3A_35 = arith.constant 512 : i32
    %broadcast_in_dim3A_36 = vector.broadcast %jit3A_35 : i32 to vector<1024x512xi32>
    %select_n3A_37 = arith.select %eq3A_34, %iota3A, %broadcast_in_dim3A_36 : vector<1024x512xi1>, vector<1024x512xi32>
    %reduce_min3A_38 = arith.constant dense<2147483647> : vector<1024xi32>
    %reduce_min3A_39 = vector.multi_reduction <minsi>, %select_n3A_37, %reduce_min3A_38 [1] : vector<1024x512xi32> to vector<1024xi32>
    %broadcast_in_dim3A_40 = vector.shape_cast %reduce_min3A_39 : vector<1024xi32> to vector<1024x1xi32>
    %eq3A_41 = vector.broadcast %broadcast_in_dim3A_40 : vector<1024x1xi32> to vector<1024x512xi32>
    %eq3A_42 = arith.cmpi eq, %iota3A, %eq3A_41 : vector<1024x512xi32>
    %jit3A_43 = arith.constant 1.000000e+30 : f32
    %broadcast_in_dim3A_44 = vector.broadcast %jit3A_43 : f32 to vector<1024x512xf32>
    %select_n3A_45 = arith.select %eq3A_42, %broadcast_in_dim3A_44, %select_n3A_29 : vector<1024x512xi1>, vector<1024x512xf32>
    %reduce_min3A_46 = arith.constant dense<0x7F800000> : vector<1024xf32>
    %reduce_min3A_47 = vector.multi_reduction <minimumf>, %select_n3A_45, %reduce_min3A_46 [1] : vector<1024x512xf32> to vector<1024xf32>
    %broadcast_in_dim3A_48 = vector.shape_cast %reduce_min3A_47 : vector<1024xf32> to vector<1024x1xf32>
    %eq3A_49 = vector.broadcast %broadcast_in_dim3A_48 : vector<1024x1xf32> to vector<1024x512xf32>
    %eq3A_50 = arith.cmpf oeq, %select_n3A_45, %eq3A_49 : vector<1024x512xf32>
    %jit3A_51 = arith.constant 512 : i32
    %broadcast_in_dim3A_52 = vector.broadcast %jit3A_51 : i32 to vector<1024x512xi32>
    %select_n3A_53 = arith.select %eq3A_50, %iota3A, %broadcast_in_dim3A_52 : vector<1024x512xi1>, vector<1024x512xi32>
    %reduce_min3A_54 = arith.constant dense<2147483647> : vector<1024xi32>
    %reduce_min3A_55 = vector.multi_reduction <minsi>, %select_n3A_53, %reduce_min3A_54 [1] : vector<1024x512xi32> to vector<1024xi32>
    %broadcast_in_dim3A_56 = vector.shape_cast %reduce_min3A_55 : vector<1024xi32> to vector<1024x1xi32>
    %add3A_57 = arith.constant 9.99999993E-9 : f32
    %add3A_58 = vector.broadcast %add3A_57 : f32 to vector<1024x1xf32>
    %add3A_59 = arith.addf %broadcast_in_dim3A_19, %add3A_58 : vector<1024x1xf32>
    %div3A = arith.constant 1.000000e+00 : f32
    %div3A_60 = vector.broadcast %div3A : f32 to vector<1024x1xf32>
    %div3A_61 = arith.divf %div3A_60, %add3A_59 : vector<1024x1xf32>
    %add3A_62 = arith.constant 9.99999993E-9 : f32
    %add3A_63 = vector.broadcast %add3A_62 : f32 to vector<1024x1xf32>
    %add3A_64 = arith.addf %broadcast_in_dim3A_32, %add3A_63 : vector<1024x1xf32>
    %div3A_65 = arith.constant 1.000000e+00 : f32
    %div3A_66 = vector.broadcast %div3A_65 : f32 to vector<1024x1xf32>
    %div3A_67 = arith.divf %div3A_66, %add3A_64 : vector<1024x1xf32>
    %add3A_68 = arith.constant 9.99999993E-9 : f32
    %add3A_69 = vector.broadcast %add3A_68 : f32 to vector<1024x1xf32>
    %add3A_70 = arith.addf %broadcast_in_dim3A_48, %add3A_69 : vector<1024x1xf32>
    %div3A_71 = arith.constant 1.000000e+00 : f32
    %div3A_72 = vector.broadcast %div3A_71 : f32 to vector<1024x1xf32>
    %div3A_73 = arith.divf %div3A_72, %add3A_70 : vector<1024x1xf32>
    %add3A_74 = arith.addf %div3A_61, %div3A_67 : vector<1024x1xf32>
    %add3A_75 = arith.addf %add3A_74, %div3A_73 : vector<1024x1xf32>
    %eq3A_76 = vector.broadcast %broadcast_in_dim3A_24 : vector<1024x1xi32> to vector<1024x512xi32>
    %eq3A_77 = arith.cmpi eq, %iota3A, %eq3A_76 : vector<1024x512xi32>
    %div3A_78 = arith.divf %div3A_61, %add3A_75 : vector<1024x1xf32>
    %jit3A_79 = arith.constant 0.000000e+00 : f32
    %broadcast_in_dim3A_80 = vector.shape_cast %div3A_78 : vector<1024x1xf32> to vector<1024x1xf32>
    %broadcast_in_dim3A_81 = vector.broadcast %broadcast_in_dim3A_80 : vector<1024x1xf32> to vector<1024x512xf32>
    %broadcast_in_dim3A_82 = vector.broadcast %jit3A_79 : f32 to vector<1024x512xf32>
    %select_n3A_83 = arith.select %eq3A_77, %broadcast_in_dim3A_81, %broadcast_in_dim3A_82 : vector<1024x512xi1>, vector<1024x512xf32>
    %eq3A_84 = vector.broadcast %broadcast_in_dim3A_40 : vector<1024x1xi32> to vector<1024x512xi32>
    %eq3A_85 = arith.cmpi eq, %iota3A, %eq3A_84 : vector<1024x512xi32>
    %div3A_86 = arith.divf %div3A_67, %add3A_75 : vector<1024x1xf32>
    %jit3A_87 = arith.constant 0.000000e+00 : f32
    %broadcast_in_dim3A_88 = vector.shape_cast %div3A_86 : vector<1024x1xf32> to vector<1024x1xf32>
    %broadcast_in_dim3A_89 = vector.broadcast %broadcast_in_dim3A_88 : vector<1024x1xf32> to vector<1024x512xf32>
    %broadcast_in_dim3A_90 = vector.broadcast %jit3A_87 : f32 to vector<1024x512xf32>
    %select_n3A_91 = arith.select %eq3A_85, %broadcast_in_dim3A_89, %broadcast_in_dim3A_90 : vector<1024x512xi1>, vector<1024x512xf32>
    %add3A_92 = arith.addf %select_n3A_83, %select_n3A_91 : vector<1024x512xf32>
    %eq3A_93 = vector.broadcast %broadcast_in_dim3A_56 : vector<1024x1xi32> to vector<1024x512xi32>
    %eq3A_94 = arith.cmpi eq, %iota3A, %eq3A_93 : vector<1024x512xi32>
    %div3A_95 = arith.divf %div3A_73, %add3A_75 : vector<1024x1xf32>
    %jit3A_96 = arith.constant 0.000000e+00 : f32
    %broadcast_in_dim3A_97 = vector.shape_cast %div3A_95 : vector<1024x1xf32> to vector<1024x1xf32>
    %broadcast_in_dim3A_98 = vector.broadcast %broadcast_in_dim3A_97 : vector<1024x1xf32> to vector<1024x512xf32>
    %broadcast_in_dim3A_99 = vector.broadcast %jit3A_96 : f32 to vector<1024x512xf32>
    %select_n3A_100 = arith.select %eq3A_94, %broadcast_in_dim3A_98, %broadcast_in_dim3A_99 : vector<1024x512xi1>, vector<1024x512xf32>
    %add3A_101 = arith.addf %add3A_92, %select_n3A_100 : vector<1024x512xf32>
    %get3A_102 = arith.constant 0 : index
    %get3A_103 = arith.constant 0 : index
    %get3A_104 = vector.load %arg5[%get3A_102, %get3A_103] : memref<512x128xf32, #tpu.memory_space<vmem>>, vector<512x128xf32>
    %dot_general3A_105 = arith.constant dense<0.000000e+00> : vector<1024x128xf32>
    %dot_general3A_106 = tpu.matmul %add3A_101, %get3A_104, %dot_general3A_105 {dimension_numbers = #tpu.dot_dimension_numbers<[1], [0], [0], [1], [0, 0, 1, 1], [], []>, precision = #tpu.contract_precision<fp32>, transpose_lhs_hint = false} : vector<1024x512xf32>, vector<512x128xf32>, vector<1024x128xf32> -> vector<1024x128xf32>
    %get3A_107 = arith.constant 0 : index
    %get3A_108 = arith.constant 0 : index
    %get3A_109 = vector.load %arg4[%get3A_107, %get3A_108] : memref<1024x3xf32, #tpu.memory_space<vmem>>, vector<1024x3xf32>
    %concatenate3A = tpu.concatenate %get3A_109, %get3A_109, %dot_general3A_106 in 1 : vector<1024x3xf32>, vector<1024x3xf32>, vector<1024x128xf32> -> vector<1024x134xf32>
    %get3A_110 = arith.constant 0 : index
    %get3A_111 = arith.constant 0 : index
    %get3A_112 = vector.load %arg6[%get3A_110, %get3A_111] : memref<134x128xf32, #tpu.memory_space<vmem>>, vector<134x128xf32>
    %dot_general3A_113 = arith.constant dense<0.000000e+00> : vector<1024x128xf32>
    %dot_general3A_114 = tpu.matmul %concatenate3A, %get3A_112, %dot_general3A_113 {dimension_numbers = #tpu.dot_dimension_numbers<[1], [0], [0], [1], [0, 0, 1, 1], [], []>, transpose_lhs_hint = false} : vector<1024x134xf32>, vector<134x128xf32>, vector<1024x128xf32> -> vector<1024x128xf32>
    %get3A_115 = arith.constant 0 : index
    %get3A_116 = arith.constant 0 : index
    %get3A_117 = vector.load %arg7[%get3A_115, %get3A_116] : memref<1x128xf32, #tpu.memory_space<vmem>>, vector<1x128xf32>
    %add3A_118 = vector.broadcast %get3A_117 : vector<1x128xf32> to vector<1024x128xf32>
    %add3A_119 = arith.addf %dot_general3A_114, %add3A_118 : vector<1024x128xf32>
    %div3A_120 = arith.constant 1.00000501 : f32
    %div3A_121 = vector.broadcast %div3A_120 : f32 to vector<1024x128xf32>
    %div3A_122 = arith.divf %add3A_119, %div3A_121 : vector<1024x128xf32>
    %get3A_123 = arith.constant 0 : index
    %get3A_124 = arith.constant 0 : index
    %get3A_125 = vector.load %arg8[%get3A_123, %get3A_124] : memref<1x128xf32, #tpu.memory_space<vmem>>, vector<1x128xf32>
    %mul3A_126 = vector.broadcast %get3A_125 : vector<1x128xf32> to vector<1024x128xf32>
    %mul3A_127 = arith.mulf %div3A_122, %mul3A_126 : vector<1024x128xf32>
    %get3A_128 = arith.constant 0 : index
    %get3A_129 = arith.constant 0 : index
    %get3A_130 = vector.load %arg9[%get3A_128, %get3A_129] : memref<1x128xf32, #tpu.memory_space<vmem>>, vector<1x128xf32>
    %add3A_131 = vector.broadcast %get3A_130 : vector<1x128xf32> to vector<1024x128xf32>
    %add3A_132 = arith.addf %mul3A_127, %add3A_131 : vector<1024x128xf32>
    %max3A = arith.constant 0.000000e+00 : f32
    %max3A_133 = vector.broadcast %max3A : f32 to vector<1024x128xf32>
    %max3A_134 = arith.maximumf %add3A_132, %max3A_133 : vector<1024x128xf32>
    %get3A_135 = arith.constant 0 : index
    %get3A_136 = arith.constant 0 : index
    %get3A_137 = vector.load %arg10[%get3A_135, %get3A_136] : memref<128x128xf32, #tpu.memory_space<vmem>>, vector<128x128xf32>
    %dot_general3A_138 = arith.constant dense<0.000000e+00> : vector<1024x128xf32>
    %dot_general3A_139 = tpu.matmul %max3A_134, %get3A_137, %dot_general3A_138 {dimension_numbers = #tpu.dot_dimension_numbers<[1], [0], [0], [1], [0, 0, 1, 1], [], []>, transpose_lhs_hint = false} : vector<1024x128xf32>, vector<128x128xf32>, vector<1024x128xf32> -> vector<1024x128xf32>
    %get3A_140 = arith.constant 0 : index
    %get3A_141 = arith.constant 0 : index
    %get3A_142 = vector.load %arg11[%get3A_140, %get3A_141] : memref<1x128xf32, #tpu.memory_space<vmem>>, vector<1x128xf32>
    %add3A_143 = vector.broadcast %get3A_142 : vector<1x128xf32> to vector<1024x128xf32>
    %add3A_144 = arith.addf %dot_general3A_139, %add3A_143 : vector<1024x128xf32>
    %div3A_145 = arith.constant 1.00000501 : f32
    %div3A_146 = vector.broadcast %div3A_145 : f32 to vector<1024x128xf32>
    %div3A_147 = arith.divf %add3A_144, %div3A_146 : vector<1024x128xf32>
    %get3A_148 = arith.constant 0 : index
    %get3A_149 = arith.constant 0 : index
    %get3A_150 = vector.load %arg12[%get3A_148, %get3A_149] : memref<1x128xf32, #tpu.memory_space<vmem>>, vector<1x128xf32>
    %mul3A_151 = vector.broadcast %get3A_150 : vector<1x128xf32> to vector<1024x128xf32>
    %mul3A_152 = arith.mulf %div3A_147, %mul3A_151 : vector<1024x128xf32>
    %get3A_153 = arith.constant 0 : index
    %get3A_154 = arith.constant 0 : index
    %get3A_155 = vector.load %arg13[%get3A_153, %get3A_154] : memref<1x128xf32, #tpu.memory_space<vmem>>, vector<1x128xf32>
    %add3A_156 = vector.broadcast %get3A_155 : vector<1x128xf32> to vector<1024x128xf32>
    %add3A_157 = arith.addf %mul3A_152, %add3A_156 : vector<1024x128xf32>
    %max3A_158 = arith.constant 0.000000e+00 : f32
    %max3A_159 = vector.broadcast %max3A_158 : f32 to vector<1024x128xf32>
    %max3A_160 = arith.maximumf %add3A_157, %max3A_159 : vector<1024x128xf32>
    %get3A_161 = arith.constant 0 : index
    %get3A_162 = arith.constant 0 : index
    %get3A_163 = vector.load %arg14[%get3A_161, %get3A_162] : memref<128x128xf32, #tpu.memory_space<vmem>>, vector<128x128xf32>
    %dot_general3A_164 = arith.constant dense<0.000000e+00> : vector<1024x128xf32>
    %dot_general3A_165 = tpu.matmul %max3A_160, %get3A_163, %dot_general3A_164 {dimension_numbers = #tpu.dot_dimension_numbers<[1], [0], [0], [1], [0, 0, 1, 1], [], []>, transpose_lhs_hint = false} : vector<1024x128xf32>, vector<128x128xf32>, vector<1024x128xf32> -> vector<1024x128xf32>
    %get3A_166 = arith.constant 0 : index
    %get3A_167 = arith.constant 0 : index
    %get3A_168 = vector.load %arg15[%get3A_166, %get3A_167] : memref<1x128xf32, #tpu.memory_space<vmem>>, vector<1x128xf32>
    %add3A_169 = vector.broadcast %get3A_168 : vector<1x128xf32> to vector<1024x128xf32>
    %add3A_170 = arith.addf %dot_general3A_165, %add3A_169 : vector<1024x128xf32>
    %div3A_171 = arith.constant 1.00000501 : f32
    %div3A_172 = vector.broadcast %div3A_171 : f32 to vector<1024x128xf32>
    %div3A_173 = arith.divf %add3A_170, %div3A_172 : vector<1024x128xf32>
    %get3A_174 = arith.constant 0 : index
    %get3A_175 = arith.constant 0 : index
    %get3A_176 = vector.load %arg16[%get3A_174, %get3A_175] : memref<1x128xf32, #tpu.memory_space<vmem>>, vector<1x128xf32>
    %mul3A_177 = vector.broadcast %get3A_176 : vector<1x128xf32> to vector<1024x128xf32>
    %mul3A_178 = arith.mulf %div3A_173, %mul3A_177 : vector<1024x128xf32>
    %get3A_179 = arith.constant 0 : index
    %get3A_180 = arith.constant 0 : index
    %get3A_181 = vector.load %arg17[%get3A_179, %get3A_180] : memref<1x128xf32, #tpu.memory_space<vmem>>, vector<1x128xf32>
    %add3A_182 = vector.broadcast %get3A_181 : vector<1x128xf32> to vector<1024x128xf32>
    %add3A_183 = arith.addf %mul3A_178, %add3A_182 : vector<1024x128xf32>
    %max3A_184 = arith.constant 0.000000e+00 : f32
    %max3A_185 = vector.broadcast %max3A_184 : f32 to vector<1024x128xf32>
    %max3A_186 = arith.maximumf %add3A_183, %max3A_185 : vector<1024x128xf32>
    %get3A_187 = arith.constant 0 : index
    %get3A_188 = arith.constant 0 : index
    %get3A_189 = vector.load %arg18[%get3A_187, %get3A_188] : memref<128x128xf32, #tpu.memory_space<vmem>>, vector<128x128xf32>
    %dot_general3A_190 = arith.constant dense<0.000000e+00> : vector<1024x128xf32>
    %dot_general3A_191 = tpu.matmul %max3A_186, %get3A_189, %dot_general3A_190 {dimension_numbers = #tpu.dot_dimension_numbers<[1], [0], [0], [1], [0, 0, 1, 1], [], []>, transpose_lhs_hint = false} : vector<1024x128xf32>, vector<128x128xf32>, vector<1024x128xf32> -> vector<1024x128xf32>
    %get3A_192 = arith.constant 0 : index
    %get3A_193 = arith.constant 0 : index
    %get3A_194 = vector.load %arg19[%get3A_192, %get3A_193] : memref<1x128xf32, #tpu.memory_space<vmem>>, vector<1x128xf32>
    %add3A_195 = vector.broadcast %get3A_194 : vector<1x128xf32> to vector<1024x128xf32>
    %add3A_196 = arith.addf %dot_general3A_191, %add3A_195 : vector<1024x128xf32>
    %div3A_197 = arith.constant 1.00000501 : f32
    %div3A_198 = vector.broadcast %div3A_197 : f32 to vector<1024x128xf32>
    %div3A_199 = arith.divf %add3A_196, %div3A_198 : vector<1024x128xf32>
    %get3A_200 = arith.constant 0 : index
    %get3A_201 = arith.constant 0 : index
    %get3A_202 = vector.load %arg20[%get3A_200, %get3A_201] : memref<1x128xf32, #tpu.memory_space<vmem>>, vector<1x128xf32>
    %mul3A_203 = vector.broadcast %get3A_202 : vector<1x128xf32> to vector<1024x128xf32>
    %mul3A_204 = arith.mulf %div3A_199, %mul3A_203 : vector<1024x128xf32>
    %get3A_205 = arith.constant 0 : index
    %get3A_206 = arith.constant 0 : index
    %get3A_207 = vector.load %arg21[%get3A_205, %get3A_206] : memref<1x128xf32, #tpu.memory_space<vmem>>, vector<1x128xf32>
    %add3A_208 = vector.broadcast %get3A_207 : vector<1x128xf32> to vector<1024x128xf32>
    %add3A_209 = arith.addf %mul3A_204, %add3A_208 : vector<1024x128xf32>
    %max3A_210 = arith.constant 0.000000e+00 : f32
    %max3A_211 = vector.broadcast %max3A_210 : f32 to vector<1024x128xf32>
    %max3A_212 = arith.maximumf %add3A_209, %max3A_211 : vector<1024x128xf32>
    %get3A_213 = arith.constant 0 : index
    %get3A_214 = arith.constant 0 : index
    %get3A_215 = vector.load %arg22[%get3A_213, %get3A_214] : memref<128x128xf32, #tpu.memory_space<vmem>>, vector<128x128xf32>
    %dot_general3A_216 = arith.constant dense<0.000000e+00> : vector<1024x128xf32>
    %dot_general3A_217 = tpu.matmul %max3A_212, %get3A_215, %dot_general3A_216 {dimension_numbers = #tpu.dot_dimension_numbers<[1], [0], [0], [1], [0, 0, 1, 1], [], []>, transpose_lhs_hint = false} : vector<1024x128xf32>, vector<128x128xf32>, vector<1024x128xf32> -> vector<1024x128xf32>
    %get3A_218 = arith.constant 0 : index
    %get3A_219 = arith.constant 0 : index
    %get3A_220 = vector.load %arg23[%get3A_218, %get3A_219] : memref<1x128xf32, #tpu.memory_space<vmem>>, vector<1x128xf32>
    %add3A_221 = vector.broadcast %get3A_220 : vector<1x128xf32> to vector<1024x128xf32>
    %add3A_222 = arith.addf %dot_general3A_217, %add3A_221 : vector<1024x128xf32>
    %swap3A = arith.constant 0 : index
    %swap3A_223 = arith.constant 0 : index
    %swap3A_224 = vector.load %arg26[%swap3A, %swap3A_223] : memref<1024x128xf32, #tpu.memory_space<vmem>>, vector<1024x128xf32>
    tpu.vector_store %arg26[%swap3A, %swap3A_223], %add3A_222 {strides = array<i32>} : memref<1024x128xf32, #tpu.memory_space<vmem>>, vector<1024x128xf32>,
    return
  }
  func.func @transform_0(%arg0: i32, %arg1: i32) -> (i32, i32) {
    %mul3A = arith.constant 2 : i32
    %mul3A_0 = arith.muli %arg0, %mul3A : i32
    %add3A = arith.addi %mul3A_0, %arg1 : i32
    %c0_i32 = arith.constant 0 : i32
    %c0_i32_1 = arith.constant 0 : i32
    return %add3A, %c0_i32 : i32, i32
  }
  func.func @transform_1(%arg0: i32, %arg1: i32) -> (i32, i32, i32) {
    %c0_i32 = arith.constant 0 : i32
    %c0_i32_0 = arith.constant 0 : i32
    %c0_i32_1 = arith.constant 0 : i32
    return %arg0, %c0_i32, %c0_i32_0 : i32, i32, i32
  }
  func.func @transform_2(%arg0: i32, %arg1: i32) -> (i32, i32) {
    %mul3A = arith.constant 2 : i32
    %mul3A_0 = arith.muli %arg0, %mul3A : i32
    %add3A = arith.addi %mul3A_0, %arg1 : i32
    %c0_i32 = arith.constant 0 : i32
    %c0_i32_1 = arith.constant 0 : i32
    return %add3A, %c0_i32 : i32, i32
  }
  func.func @transform_3(%arg0: i32, %arg1: i32) -> (i32, i32) {
    %c0_i32 = arith.constant 0 : i32
    %c0_i32_0 = arith.constant 0 : i32
    return %arg0, %c0_i32 : i32, i32
  }
  func.func @transform_4(%arg0: i32, %arg1: i32) -> (i32, i32) {
    %c0_i32 = arith.constant 0 : i32
    %c0_i32_0 = arith.constant 0 : i32
    %c0_i32_1 = arith.constant 0 : i32
    return %c0_i32, %c0_i32_0 : i32, i32
  }
  func.func @transform_5(%arg0: i32, %arg1: i32) -> (i32, i32) {
    %c0_i32 = arith.constant 0 : i32
    %c0_i32_0 = arith.constant 0 : i32
    %c0_i32_1 = arith.constant 0 : i32
    return %c0_i32, %c0_i32_0 : i32, i32
  }
  func.func @transform_6(%arg0: i32, %arg1: i32) -> (i32, i32) {
    %c0_i32 = arith.constant 0 : i32
    %c0_i32_0 = arith.constant 0 : i32
    %c0_i32_1 = arith.constant 0 : i32
    return %c0_i32, %c0_i32_0 : i32, i32
  }
  func.func @transform_7(%arg0: i32, %arg1: i32) -> (i32, i32) {
    %c0_i32 = arith.constant 0 : i32
    %c0_i32_0 = arith.constant 0 : i32
    %c0_i32_1 = arith.constant 0 : i32
    return %c0_i32, %c0_i32_0 : i32, i32
  }
  func.func @transform_8(%arg0: i32, %arg1: i32) -> (i32, i32) {
    %c0_i32 = arith.constant 0 : i32
    %c0_i32_0 = arith.constant 0 : i32
    %c0_i32_1 = arith.constant 0 : i32
    return %c0_i32, %c0_i32_0 : i32, i32
  }
  func.func @transform_9(%arg0: i32, %arg1: i32) -> (i32, i32) {
    %c0_i32 = arith.constant 0 : i32
    %c0_i32_0 = arith.constant 0 : i32
    %c0_i32_1 = arith.constant 0 : i32
    return %c0_i32, %c0_i32_0 : i32, i32
  }
  func.func @transform_10(%arg0: i32, %arg1: i32) -> (i32, i32) {
    %c0_i32 = arith.constant 0 : i32
    %c0_i32_0 = arith.constant 0 : i32
    %c0_i32_1 = arith.constant 0 : i32
    return %c0_i32, %c0_i32_0 : i32, i32
  }
  func.func @transform_11(%arg0: i32, %arg1: i32) -> (i32, i32) {
    %c0_i32 = arith.constant 0 : i32
    %c0_i32_0 = arith.constant 0 : i32
    %c0_i32_1 = arith.constant 0 : i32
    return %c0_i32, %c0_i32_0 : i32, i32
  }
  func.func @transform_12(%arg0: i32, %arg1: i32) -> (i32, i32) {
    %c0_i32 = arith.constant 0 : i32
    %c0_i32_0 = arith.constant 0 : i32
    %c0_i32_1 = arith.constant 0 : i32
    return %c0_i32, %c0_i32_0 : i32, i32
  }
  func.func @transform_13(%arg0: i32, %arg1: i32) -> (i32, i32) {
    %c0_i32 = arith.constant 0 : i32
    %c0_i32_0 = arith.constant 0 : i32
    %c0_i32_1 = arith.constant 0 : i32
    return %c0_i32, %c0_i32_0 : i32, i32
  }
  func.func @transform_14(%arg0: i32, %arg1: i32) -> (i32, i32) {
    %c0_i32 = arith.constant 0 : i32
    %c0_i32_0 = arith.constant 0 : i32
    %c0_i32_1 = arith.constant 0 : i32
    return %c0_i32, %c0_i32_0 : i32, i32
  }
  func.func @transform_15(%arg0: i32, %arg1: i32) -> (i32, i32) {
    %c0_i32 = arith.constant 0 : i32
    %c0_i32_0 = arith.constant 0 : i32
    %c0_i32_1 = arith.constant 0 : i32
    return %c0_i32, %c0_i32_0 : i32, i32
  }
  func.func @transform_16(%arg0: i32, %arg1: i32) -> (i32, i32) {
    %c0_i32 = arith.constant 0 : i32
    %c0_i32_0 = arith.constant 0 : i32
    %c0_i32_1 = arith.constant 0 : i32
    return %c0_i32, %c0_i32_0 : i32, i32
  }
  func.func @transform_17(%arg0: i32, %arg1: i32) -> (i32, i32) {
    %c0_i32 = arith.constant 0 : i32
    %c0_i32_0 = arith.constant 0 : i32
    %c0_i32_1 = arith.constant 0 : i32
    return %c0_i32, %c0_i32_0 : i32, i32
  }
  func.func @transform_18(%arg0: i32, %arg1: i32) -> (i32, i32) {
    %c0_i32 = arith.constant 0 : i32
    %c0_i32_0 = arith.constant 0 : i32
    %c0_i32_1 = arith.constant 0 : i32
    return %c0_i32, %c0_i32_0 : i32, i32
  }
  func.func @transform_19(%arg0: i32, %arg1: i32) -> (i32, i32) {
    %c0_i32 = arith.constant 0 : i32
    %c0_i32_0 = arith.constant 0 : i32
    %c0_i32_1 = arith.constant 0 : i32
    return %c0_i32, %c0_i32_0 : i32, i32
  }
  func.func @transform_20(%arg0: i32, %arg1: i32) -> (i32, i32) {
    %c0_i32 = arith.constant 0 : i32
    %c0_i32_0 = arith.constant 0 : i32
    %c0_i32_1 = arith.constant 0 : i32
    return %c0_i32, %c0_i32_0 : i32, i32
  }
  func.func @transform_21(%arg0: i32, %arg1: i32) -> (i32, i32) {
    %c0_i32 = arith.constant 0 : i32
    %c0_i32_0 = arith.constant 0 : i32
    %c0_i32_1 = arith.constant 0 : i32
    return %c0_i32, %c0_i32_0 : i32, i32
  }
  func.func @transform_22(%arg0: i32, %arg1: i32) -> (i32, i32) {
    %c0_i32 = arith.constant 0 : i32
    %c0_i32_0 = arith.constant 0 : i32
    %c0_i32_1 = arith.constant 0 : i32
    return %c0_i32, %c0_i32_0 : i32, i32
  }
  func.func @transform_23(%arg0: i32, %arg1: i32) -> (i32, i32) {
    %c0_i32 = arith.constant 0 : i32
    %c0_i32_0 = arith.constant 0 : i32
    %c0_i32_1 = arith.constant 0 : i32
    return %c0_i32, %c0_i32_0 : i32, i32
  }
  func.func @transform_24(%arg0: i32, %arg1: i32) -> (i32, i32) {
    %mul3A = arith.constant 2 : i32
    %mul3A_0 = arith.muli %arg0, %mul3A : i32
    %add3A = arith.addi %mul3A_0, %arg1 : i32
    %c0_i32 = arith.constant 0 : i32
    %c0_i32_1 = arith.constant 0 : i32
    return %add3A, %c0_i32 : i32, i32
  }
}

</mosaic_0001>

<sc_bundles>
// kernel: kernel.14.cloned.1.call-start
scs
__scs_entry_jumppad:
0x0: {  	(pc) =	sbr.rel $0x88, $3  }
0x1: {  	(tag) =	ssettag $0x0;
	lr =	simm.s32 $0x1  }
0x2: {  	[smem:$0x3F5A] =	sst lr;
	_ =	strace $0xD0000000  }
0x3: {  	_ = 	snop  }
0x4: {  	_ = 	snop  }
0x5: {  	_ = 	snop  }
0x6: {  	_ = 	snop  }
0x7: {  	_ = 	snop  }
__scs_overlays_trampoline_lowered:
0x8: {  	[smem:$0x3F69] =	sst s0  }
0x9: {  	[smem:$0x3F6A] =	sst s1  }
0xa: {  	[smem:$0x3F6B] =	sst s2  }
0xb: {  	[smem:$0x3F6C] =	sst s3  }
0xc: {  	[smem:$0x3F6D] =	sst s4  }
0xd: {  	[smem:$0x3F6E] =	sst s5  }
0xe: {  	[smem:$0x3F6F] =	sst s6  }
0xf: {  	[smem:$0x3F70] =	sst s7  }
0x10: {  	[smem:$0x3F71] =	sst s8  }
0x11: {  	[smem:$0x3F72] =	sst s9;
	s0 =	simm.s32 @!p0 $0x0  }
0x12: {  	s1 =	sld [smem:$0x3F58];
	s0 =	simm.s32 @p0 $0x1  }
0x13: {  	[smem:$0x3F73] =	sst s0;
	s0 =	simm.s32 @!p1 $0x0  }
0x14: {  	s2 =	sld [smem:$0x3F57];
	s0 =	simm.s32 @p1 $0x1  }
0x15: {  	[smem:$0x3F74] =	sst s0;
	s0 =	simm.s32 @!p2 $0x0  }
0x16: {  	s3 =	sld [smem:$0x3FDB];
	s0 =	simm.s32 @p2 $0x1  }
0x17: {  	s4 =	simm.s32 $0x1BF5;
	[smem:$0x3F76] =	sst s0  }
0x18: {  	s0 =	sld [smem:$0x3F59];
	_ =	swait.ge [sflag:s4], $0x0  }
0x19: {  	s7 =	sld [smem:$0x3F5A]  }
0x1a: {  	s8 =	sadd.s32 $0xFFFFE003, lr  }
0x1b: {  	s9 =	sadd.s32 $0xFFFFFEF7, lr;
	s5 =	simm.s32 $0xFFFFFFFF;
	p2 =	slt.u32 s8, $0xFFFFF086  }
0x1c: {  	p1 =	slt.u32 s9, $0xF7A;
	s5 =	simm.s32 @!p2 $0x0  }
0x1d: {  	s5 =	simm.s32 @p1 $0x1;
	p0 =	seq.s32 s7, s2  }
0x1e: {  	s7 =	smul.u32 @!p0 $0xF7A, s2;
	p2 =	seq.s32 @!p0 s5, $0x0  }
0x1f: {  	s9 =	smul.u32 $0xF7A, s1;
	s8 =	simm.s32 @!p0 $0x1BF5;
	p2 =	por !p2, p0  }
0x20: {  	[sflag:s8] =	ssyncset.s32 @!p0 $0xFFFFF086;
	s6 =	sadd.s32 @!p0 s3, s7;
	s7 =	simm.s32 @!p0 $0x108  }
0x21: {  	s3 =	sadd.s32 s3, s9;
	s6 =	sadd.s32 @!p0 $0x88, s6;
	s7 =	simm.s32 @p2 $0x1082  }
0x22: {  	[simem:s7], [sflag:s8] =	dma.local @!p0 [hbm:s6], $0xF7A  }
0x23: {  	s9 =	sor.u32 $0xD0000000, s2;
	s6 =	simm.s32 $0x108;
	_ =	swait.ge @!p0 [sflag:s8], $0x0  }
0x24: {  	s3 =	sadd.s32 $0x88, s3;
	s6 =	simm.s32 @!p1 $0x1082;
	[sflag:s4] =	ssyncset.s32 $0xFFFFF086  }
0x25: {  	[simem:s6], [sflag:s4] =	dma.local [hbm:s3], $0xF7A  }
0x26: {  	[smem:$0x3F5A] =	sst s1;
	(tag) =	ssettag s2;
	_ =	strace s9  }
0x27: {  	s1 =	sld [smem:$0x3F6A]  }
0x28: {  	s2 =	sld [smem:$0x3F6B]  }
0x29: {  	s4 =	sld [smem:$0x3F6D]  }
0x2a: {  	p0 =	seq.s32 s5, $0x0;
	s5 =	sld [smem:$0x3F6E]  }
0x2b: {  	s6 =	sld [smem:$0x3F6F]  }
0x2c: {  	s7 =	sld [smem:$0x3F70]  }
0x2d: {  	s3 =	simm.s32 $0x108;
	s8 =	sld [smem:$0x3F71]  }
0x2e: {  	s3 =	simm.s32 @!p0 $0x1082;
	s9 =	sld [smem:$0x3F72]  }
0x2f: {  	lr =	sadd.s32 s0, s3;
	s0 =	sld [smem:$0x3F69]  }
0x30: {  	s3 =	sld [smem:$0x3F6C]  }
0x31: {  	[smem:$0x3F75] =	sst s10  }
0x32: {  	s10 =	sld [smem:$0x3F73];
	_ =	sdelay $0x3  }
0x33: {  	p0 =	seq.s32 s10, $0x1;
	s10 =	sld [smem:$0x3F75];
	_ =	sdelay $0x3  }
0x34: {  	[smem:$0x3F75] =	sst s10  }
0x35: {  	s10 =	sld [smem:$0x3F74];
	_ =	sdelay $0x3  }
0x36: {  	p1 =	seq.s32 s10, $0x1;
	s10 =	sld [smem:$0x3F75];
	_ =	sdelay $0x3  }
0x37: {  	[smem:$0x3F75] =	sst s10  }
0x38: {  	s10 =	sld [smem:$0x3F76]  }
0x39: {  	_ = 	snop;
	(pc) =	sbr.ind lr, $3  }
0x3a: {  	_ = 	snop  }
0x3b: {  	_ = 	snop  }
0x3c: {  	p2 =	seq.s32 s10, $0x1;
	s10 =	sld [smem:$0x3F75]  }
0x3d: {  	_ =	shalt  }
0x3e: {  	_ =	shalt  }
0x3f: {  	_ =	shalt  }
0x40: {  	_ =	shalt  }
0x41: {  	_ =	shalt  }
0x42: {  	_ =	shalt  }
0x43: {  	_ =	shalt  }
0x44: {  	_ =	shalt  }
0x45: {  	_ =	shalt  }
0x46: {  	_ =	shalt  }
0x47: {  	_ =	shalt  }
0x48: {  	_ =	shalt  }
0x49: {  	_ =	shalt  }
0x4a: {  	_ =	shalt  }
0x4b: {  	_ =	shalt  }
0x4c: {  	_ =	shalt  }
0x4d: {  	_ =	shalt  }
0x4e: {  	_ =	shalt  }
0x4f: {  	_ =	shalt  }
0x50: {  	_ =	shalt  }
0x51: {  	_ =	shalt  }
0x52: {  	_ =	shalt  }
0x53: {  	_ =	shalt  }
0x54: {  	_ =	shalt  }
0x55: {  	_ =	shalt  }
0x56: {  	_ =	shalt  }
0x57: {  	_ =	shalt  }
0x58: {  	_ =	shalt  }
0x59: {  	_ =	shalt  }
0x5a: {  	_ =	shalt  }
0x5b: {  	_ =	shalt  }
0x5c: {  	_ =	shalt  }
0x5d: {  	_ =	shalt  }
0x5e: {  	_ =	shalt  }
0x5f: {  	_ =	shalt  }
0x60: {  	_ =	shalt  }
0x61: {  	_ =	shalt  }
0x62: {  	_ =	shalt  }
0x63: {  	_ =	shalt  }
0x64: {  	_ =	shalt  }
0x65: {  	_ =	shalt  }
0x66: {  	_ =	shalt  }
0x67: {  	_ =	shalt  }
0x68: {  	_ =	shalt  }
0x69: {  	_ =	shalt  }
0x6a: {  	_ =	shalt  }
0x6b: {  	_ =	shalt  }
0x6c: {  	_ =	shalt  }
0x6d: {  	_ =	shalt  }
0x6e: {  	_ =	shalt  }
0x6f: {  	_ =	shalt  }
0x70: {  	_ =	shalt  }
0x71: {  	_ =	shalt  }
0x72: {  	_ =	shalt  }
0x73: {  	_ =	shalt  }
0x74: {  	_ =	shalt  }
0x75: {  	_ =	shalt  }
0x76: {  	_ =	shalt  }
0x77: {  	_ =	shalt  }
0x78: {  	_ =	shalt  }
0x79: {  	_ =	shalt  }
0x7a: {  	_ =	shalt  }
0x7b: {  	_ =	shalt  }
0x7c: {  	_ =	shalt  }
0x7d: {  	_ =	shalt  }
0x7e: {  	_ =	shalt  }
0x7f: {  	_ =	shalt  }
0x80: {  	_ =	shalt  }
0x81: {  	_ =	shalt  }
0x82: {  	_ =	shalt  }
0x83: {  	_ =	shalt  }
0x84: {  	_ =	shalt  }
0x85: {  	_ =	shalt  }
0x86: {  	_ =	shalt  }
0x87: {  	_ =	shalt  }
.Lfunc_end0:
.L_simem_size_0:
called_computation_lowered:
.L_overlay_start_0:
0x88: {  	s2 =	sld [smem:$0x3FD9]  }
0x89: {  	s3 =	sld [smem:$0x3FFE];
	_ =	sdelay $0x1  }
0x8a: {  	s1 =	srdreg.scid  }
0x8b: {  	s0 =	sand.u32 $0x1, s1  }
0x8c: {  	s16 =	sshll.u32 s0, $0xA;
	s2 =	sadd.s32 s3, s2  }
0x8d: {  	s2 =	sadd.s32 s2, s16  }
0x8e: {  	[smem:$0x3F81] =	sst s2  }
0x8f: {  	_ = 	snop  }
0x90: {  	(tm) =	ssettm $0x1  }
0x91: {  	s17 =	sld [smem:$0x3FFB];
	_ =	sdelay $0x3  }
0x92: {  	_ =	strace s17  }
0x93: {  	s2 =	sld [smem:$0x3FFC];
	_ =	sdelay $0x3  }
0x94: {  	_ =	strace s2  }
0x95: {  	s2 =	sld [smem:$0x3FFD];
	_ =	sdelay $0x3  }
0x96: {  	_ =	strace s2  }
0x97: {  	_ =	strace $0x8FFFFFFF  }
0x98: {  	s18 =	sld [smem:$0x3FDB];
	_ =	sdelay $0x1  }
0x99: {  	s19 =	simm.s32 $_scs_section_size  }
0x9a: {  	s4 =	simm.s32 $_size__tile_overlayer_lowered;
	s5 =	simm.s32 $_tile_overlayer_lowered  }
0x9b: {  	s22 =	simm.s32 $0x1BFF;
	s21 =	sshll.u32 s5, $0x1;
	s2 =	sadd.s32 s19, s18  }
0x9c: {  	s6 =	simm.s32 $0x0;
	s20 =	sshll.u32 s4, $0x1;
	s4 =	sadd.s32 s21, s2  }
0x9d: {  	[timem:s6], [sflag:s22] =	dma.local [hbm:s4], s20  }
0x9e: {  	_ =	swait.ge [sflag:s22], s20  }
0x9f: {  	s3 =	ssub.s32 $0x0, s20;
	[sflag:s22] =	ssyncset.done $0x0  }
0xa0: {  	[sflag:s22] =	ssyncadd.s32 s3;
	_ =	sdelay $0x1  }
0xa1: {  	s23 =	simm.s32 $0x1B8B  }
0xa2: {  	_ =	swait.ge [sflag:s23], $0x1  }
0xa3: {  	[sflag:s23] =	ssyncset.done $0x0  }
0xa4: {  	s25 =	simm.s32 $0x1B8E;
	s24 =	sld [smem:$0x3FFE];
	[sflag:s23] =	ssyncadd.s32 $0xFFFFFFFF  }
0xa5: {  	s26 =	simm.s32 $execute0_lowered;
	[smem:$0x3FD2] =	sst s25  }
0xa6: {  	s4 =	sshll.u32 s26, $0x1;
	_ =	strace $0x80000046;
	[dreg:$0x1] =	wrdreg $0xFFFFFFFF  }
0xa7: {  	s28 =	simm.s32 $_size_execute0_lowered;
	s2 =	sadd.s32 s2, s4;
	[dreg:$0x0] =	wrdreg $0x0  }
0xa8: {  	s4 =	sshll.u32 s28, $0x1;
	[dreg:$0x2] =	wrdreg s2  }
0xa9: {  	[dreg:$0x3] =	wrdreg s4  }
0xaa: {  	[dreg:$0x4] =	wrdreg $0xC0  }
0xab: {  	_ =	task [dreg:s6], $0x5FFFF  }
0xac: {  	[dreg:$0x1] =	wrdreg $0xFFFFFFFF  }
0xad: {  	[dreg:$0x0] =	wrdreg $0x60  }
0xae: {  	[dreg:$0x2] =	wrdreg s24  }
0xaf: {  	[dreg:$0x3] =	wrdreg $0x9  }
0xb0: {  	_ =	task.clear_ibuf [dreg:s6], $0x4FFFF;
	_ =	strace $0x90000046  }
0xb1: {  	s29 =	simm.s32 $0x9;
	_ =	strace $0x80000048  }
0xb2: {  	_ =	swait.ge [sflag:s29], $0x1  }
0xb3: {  	[sflag:s29] =	ssyncadd.s32 $0xFFFFFFFF  }
0xb4: {  	_ =	strace $0x90000048  }
0xb5: {  	_ =	sfence  }
0xb6: {  	s30 =	sld [smem:$0x0];
	_ =	sdelay $0x2  }
0xb7: {  	s31 =	sshll.u32 s1, $0xD;
	s1 =	sshrl.u32 s1, $0x2  }
0xb8: {  	s3 =	sand.u32 $0x4000, s31;
	s1 =	sadd.s32 s1, s30  }
0xb9: {  	s0 =	sor.u32 s3, s0;
	s1 =	sshll.u32 s1, $0x11  }
0xba: {  	s0 =	sor.u32 s1, s0  }
0xbb: {  	s0 =	sadd.s32 $0x8F2B, s0  }
0xbc: {  	[sflag:s0] =	ssyncadd.remote.s32 $0x1  }
0xbd: {  	_ =	sfence.sel $0xFFFF  }
0xbe: {  	[dreg:$0x0] =	wrdreg $0xFFFFFFFF;
	(pc) =	sbr.abs _section_cstart, $3  }
0xbf: {  	[dreg:$0x1] =	wrdreg $0xFFFFFFFF  }
0xc0: {  	_ =	task.clear_ibuf [dreg:s6], $0x2FFFF;
	_ =	strace $0x9FFFFFFF  }
0xc1: {  	(tm) =	ssettm $0x7FFFFFFF  }
tec
execute0_lowered:
.L_overlay_start_1:
0x0: {  	(tag) =	ssettag $0x1  }
0x1: {  	s4 =	rddreg [dreg:$0x0]  }
0x2: {  	s0 =	rddreg [dreg:$0x1];
	s1 =	simm.s32 $0x0  }
0x3: {  	s5 =	srdreg.scid;
	s2 =	stileid.u32;
	s15 =	simm.s32 $0x4100  }
0x4: {  	s16 =	simm.s32 $0x1;
	s17 =	simm.s32 $0x2;
	s18 =	simm.s32 $0x0  }
0x5: {  	[smem:$0x7FF] =	sst s1;
	s3 =	sadd.s32 $0x36E00, s4;
	s10 =	sand.u32 $0x1, s5  }
0x6: {  	s11 =	sadd.s32 $0x2EE00, s4;
	s29 =	sshll.u32 s2, $0xE;
	s12 =	sadd.s32 $0xB6E00, s4  }
0x7: {  	s14 =	sshll.u32 s2, $0x12;
	_ =	strace $0x80000047;
	s6 =	sshll.u32 s10, $0xD  }
0x8: {  	s30 =	ssub.s32 $0x2, s10;
	s10 =	sshll.u32 s10, $0x11;
	s13 =	sor.u32 s6, s29  }
0x9: {  	s31 =	sshrl.u32 s30, $0x1;
	s6 =	sshrl.u32 s13, $0x3;
	s7 =	sshll.u32 s13, $0x4  }
0xa: {  	s5 =	ssub.s32 s30, s31;
	s9 =	sor.u32 $0x100, s13;
	s13 =	sor.u32 $0x80, s13  }
0xb: {  	s4 =	sadd.s32 s11, s6;
	s8 =	sadd.s32 s12, s7;
	s5 =	smax.u32 s5, $0x1  }
0xc: {  	s9 =	sshrl.u32 s9, $0x3;
	s12 =	sadd.s32 s14, s12;
	s13 =	sshrl.u32 s13, $0x3  }
0xd: {  	s14 =	simm.s32 $0x100;
	s6 =	sadd.s32 $0x3F0, s4;
	s7 =	sadd.s32 $0x1F000, s8  }
0xe: {  	s8 =	sadd.s32 $0x1F800, s8;
	s9 =	sadd.s32 s9, s11;
	s10 =	sadd.s32 s10, s12  }
0xf: {  	s11 =	sadd.s32 s13, s11;
	s12 =	simm.s32 $0x3;
	s13 =	simm.s32 $0x80  }
.LBB2_1:
0x10: {  	[tilespmem:s1], [sflag:$0x3] =	stream.linear.gather [hbm4b:s4+s1], $0x80, $0x38;
	[tilespmem:$0x8100] =	vst v63  }
0x11: {  	_ =	swait.ge [sflag:s12], $0x80  }
0x12: {  	[sflag:s12] =	ssyncset.done $0x0  }
0x13: {  	[sflag:s12] =	ssyncadd.s32 $0xFFFFFF80  }
0x14: {  	[tilespmem:s14], [sflag:$0x1] =	stream.indirect.gather [hbm4b:s3+s13], $0x80, s1, s13, $0xb8;
	[tilespmem:$0x8100] =	vst v63  }
0x15: {  	s19 =	sadd.s32 $0x0, s11  }
0x16: {  	[tilespmem:s13], [sflag:$0x3] =	stream.linear.gather [hbm4b:s19+s1], $0x80, $0x38;
	[tilespmem:$0x8100] =	vst v63  }
0x17: {  	_ =	swait.ge [sflag:s12], $0x80  }
0x18: {  	[sflag:s12] =	ssyncset.done $0x0  }
0x19: {  	[sflag:s12] =	ssyncadd.s32 $0xFFFFFF80  }
0x1a: {  	[tilespmem:s15], [sflag:$0x2] =	stream.indirect.gather [hbm4b:s3+s13], $0x80, s13, s13, $0xb8;
	[tilespmem:$0x8100] =	vst v63  }
0x1b: {  	_ =	swait.ge [sflag:s16], $0x4000  }
0x1c: {  	[sflag:s16] =	ssyncset.done $0x0  }
0x1d: {  	[sflag:s16] =	ssyncadd.s32 $0xFFFFC000  }
0x1e: {  	[hbm4b:s10+s1] =	stream.linear.scatter [tilespmem:s14], [sflag:$0x3], $0x4000, $0x38;
	[tilespmem:$0x8100] =	vst v63  }
0x1f: {  	_ =	swait.ge [sflag:s12], $0x4000  }
0x20: {  	[sflag:s12] =	ssyncset.done $0x0  }
0x21: {  	s30 =	sadd.s32 $0x0, s9;
	[sflag:s12] =	ssyncadd.s32 $0xFFFFC000  }
0x22: {  	[tilespmem:s1], [sflag:$0x3] =	stream.linear.gather [hbm4b:s30+s1], $0x80, $0x38;
	[tilespmem:$0x8100] =	vst v63  }
0x23: {  	_ =	swait.ge [sflag:s12], $0x80  }
0x24: {  	[sflag:s12] =	ssyncset.done $0x0  }
0x25: {  	[sflag:s12] =	ssyncadd.s32 $0xFFFFFF80  }
0x26: {  	[tilespmem:s14], [sflag:$0x1] =	stream.indirect.gather [hbm4b:s3+s13], $0x80, s1, s13, $0xb8;
	[tilespmem:$0x8100] =	vst v63  }
0x27: {  	_ =	swait.ge [sflag:s17], $0x4000  }
0x28: {  	[sflag:s17] =	ssyncset.done $0x0  }
0x29: {  	s31 =	sadd.s32 $0x800, s10;
	[sflag:s17] =	ssyncadd.s32 $0xFFFFC000  }
0x2a: {  	[hbm4b:s31+s1] =	stream.linear.scatter [tilespmem:s15], [sflag:$0x3], $0x4000, $0x38;
	[tilespmem:$0x8100] =	vst v63  }
0x2b: {  	s20 =	simm.s32 $0x20;
	_ =	swait.ge [sflag:s12], $0x4000  }
0x2c: {  	s21 =	simm.s32 $0x40;
	s19 =	sadd.s32 $0x1000, s10;
	[sflag:s12] =	ssyncset.done $0x0  }
.LBB2_2:
0x2d: {  	s22 =	sadd.s32 s20, s11  }
0x2e: {  	[sflag:s12] =	ssyncadd.s32 $0xFFFFC000;
	s23 =	smov.u32 s21;
	s24 =	sadd.s32 $0x20, s21  }
0x2f: {  	[tilespmem:s13], [sflag:$0x3] =	stream.linear.gather [hbm4b:s22+s1], $0x80, $0x38;
	[tilespmem:$0x8100] =	vst v63  }
0x30: {  	p0 =	sne.s32 s21, $0x3C0;
	_ =	swait.ge [sflag:s12], $0x80  }
0x31: {  	[sflag:s12] =	ssyncset.done $0x0  }
0x32: {  	[sflag:s12] =	ssyncadd.s32 $0xFFFFFF80  }
0x33: {  	[tilespmem:s15], [sflag:$0x2] =	stream.indirect.gather [hbm4b:s3+s13], $0x80, s13, s13, $0xb8;
	[tilespmem:$0x8100] =	vst v63  }
0x34: {  	_ =	swait.ge [sflag:s16], $0x4000  }
0x35: {  	[sflag:s16] =	ssyncset.done $0x0  }
0x36: {  	[sflag:s16] =	ssyncadd.s32 $0xFFFFC000  }
0x37: {  	[hbm4b:s19+s1] =	stream.linear.scatter [tilespmem:s14], [sflag:$0x3], $0x4000, $0x38;
	[tilespmem:$0x8100] =	vst v63  }
0x38: {  	_ =	swait.ge [sflag:s12], $0x4000  }
0x39: {  	[sflag:s12] =	ssyncset.done $0x0  }
0x3a: {  	s21 =	sadd.s32 s20, s9;
	s20 =	smov.u32 s23;
	[sflag:s12] =	ssyncadd.s32 $0xFFFFC000  }
0x3b: {  	[tilespmem:s1], [sflag:$0x3] =	stream.linear.gather [hbm4b:s21+s1], $0x80, $0x38;
	[tilespmem:$0x8100] =	vst v63  }
0x3c: {  	_ =	swait.ge [sflag:s12], $0x80  }
0x3d: {  	[sflag:s12] =	ssyncset.done $0x0  }
0x3e: {  	[sflag:s12] =	ssyncadd.s32 $0xFFFFFF80  }
0x3f: {  	[tilespmem:s14], [sflag:$0x1] =	stream.indirect.gather [hbm4b:s3+s13], $0x80, s1, s13, $0xb8;
	[tilespmem:$0x8100] =	vst v63  }
0x40: {  	_ =	swait.ge [sflag:s17], $0x4000  }
.Ltmp0:
0x41: {  	[sflag:s17] =	ssyncset.done $0x0;
	(pc) =	sbr.rel @p0 .LBB2_2-.Ltmp0, $4  }
0x42: {  	s21 =	sadd.s32 $0x800, s19;
	[sflag:s17] =	ssyncadd.s32 $0xFFFFC000  }
0x43: {  	[hbm4b:s21+s1] =	stream.linear.scatter [tilespmem:s15], [sflag:$0x3], $0x4000, $0x38;
	[tilespmem:$0x8100] =	vst v63  }
0x44: {  	_ =	swait.ge [sflag:s12], $0x4000  }
0x45: {  	s19 =	sadd.s32 $0x1000, s19;
	s21 =	smov.u32 s24;
	[sflag:s12] =	ssyncset.done $0x0  }
0x46: {  	s21 =	sadd.s32 s20, s11;
	[sflag:s12] =	ssyncadd.s32 $0xFFFFC000  }
0x47: {  	[tilespmem:s13], [sflag:$0x3] =	stream.linear.gather [hbm4b:s21+s1], $0x80, $0x38;
	[tilespmem:$0x8100] =	vst v63  }
0x48: {  	_ =	swait.ge [sflag:s12], $0x80  }
0x49: {  	[sflag:s12] =	ssyncset.done $0x0  }
0x4a: {  	[sflag:s12] =	ssyncadd.s32 $0xFFFFFF80  }
0x4b: {  	[tilespmem:s15], [sflag:$0x2] =	stream.indirect.gather [hbm4b:s3+s13], $0x80, s13, s13, $0xb8;
	[tilespmem:$0x8100] =	vst v63  }
0x4c: {  	_ =	swait.ge [sflag:s16], $0x4000  }
0x4d: {  	[sflag:s16] =	ssyncset.done $0x0  }
0x4e: {  	[sflag:s16] =	ssyncadd.s32 $0xFFFFC000  }
0x4f: {  	[hbm4b:s19+s1] =	stream.linear.scatter [tilespmem:s14], [sflag:$0x3], $0x4000, $0x38;
	[tilespmem:$0x8100] =	vst v63  }
0x50: {  	_ =	swait.ge [sflag:s12], $0x4000  }
0x51: {  	[sflag:s12] =	ssyncset.done $0x0  }
0x52: {  	s30 =	sadd.s32 s20, s9;
	[sflag:s12] =	ssyncadd.s32 $0xFFFFC000  }
0x53: {  	[tilespmem:s1], [sflag:$0x3] =	stream.linear.gather [hbm4b:s30+s1], $0x80, $0x38;
	[tilespmem:$0x8100] =	vst v63  }
0x54: {  	_ =	swait.ge [sflag:s12], $0x80  }
0x55: {  	[sflag:s12] =	ssyncset.done $0x0  }
0x56: {  	[sflag:s12] =	ssyncadd.s32 $0xFFFFFF80  }
0x57: {  	[tilespmem:s14], [sflag:$0x1] =	stream.indirect.gather [hbm4b:s3+s13], $0x80, s1, s13, $0xb8;
	[tilespmem:$0x8100] =	vst v63  }
0x58: {  	_ =	swait.ge [sflag:s17], $0x4000  }
0x59: {  	[sflag:s17] =	ssyncset.done $0x0  }
0x5a: {  	s31 =	sadd.s32 $0x800, s19;
	[sflag:s17] =	ssyncadd.s32 $0xFFFFC000  }
0x5b: {  	[hbm4b:s31+s1] =	stream.linear.scatter [tilespmem:s15], [sflag:$0x3], $0x4000, $0x38;
	[tilespmem:$0x8100] =	vst v63  }
0x5c: {  	_ =	swait.ge [sflag:s12], $0x4000  }
0x5d: {  	[sflag:s12] =	ssyncset.done $0x0  }
0x5e: {  	[sflag:s12] =	ssyncadd.s32 $0xFFFFC000  }
0x5f: {  	[tilespmem:s13], [sflag:$0x3] =	stream.linear.gather [hbm4b:s6+s1], $0x80, $0x38;
	[tilespmem:$0x8100] =	vst v63  }
0x60: {  	_ =	swait.ge [sflag:s12], $0x80  }
0x61: {  	[sflag:s12] =	ssyncset.done $0x0  }
0x62: {  	[sflag:s12] =	ssyncadd.s32 $0xFFFFFF80  }
0x63: {  	[tilespmem:s15], [sflag:$0x2] =	stream.indirect.gather [hbm4b:s3+s13], $0x80, s13, s13, $0xb8;
	[tilespmem:$0x8100] =	vst v63  }
0x64: {  	_ =	swait.ge [sflag:s16], $0x4000  }
0x65: {  	[sflag:s16] =	ssyncset.done $0x0  }
0x66: {  	[sflag:s16] =	ssyncadd.s32 $0xFFFFC000  }
0x67: {  	[hbm4b:s7+s1] =	stream.linear.scatter [tilespmem:s14], [sflag:$0x3], $0x4000, $0x38;
	[tilespmem:$0x8100] =	vst v63  }
0x68: {  	_ =	swait.ge [sflag:s12], $0x4000  }
0x69: {  	[sflag:s12] =	ssyncset.done $0x0  }
0x6a: {  	[sflag:s12] =	ssyncadd.s32 $0xFFFFC000  }
0x6b: {  	s18 =	sadd.s32 $0x1, s18;
	_ =	swait.ge [sflag:s17], $0x4000  }
0x6c: {  	p0 =	sne.s32 s18, s5;
	[sflag:s17] =	ssyncset.done $0x0  }
.Ltmp1:
0x6d: {  	[sflag:s17] =	ssyncadd.s32 $0xFFFFC000;
	(pc) =	sbr.rel @p0 .LBB2_1-.Ltmp1, $4  }
0x6e: {  	[hbm4b:s8+s1] =	stream.linear.scatter [tilespmem:s15], [sflag:$0x3], $0x4000, $0x38;
	[tilespmem:$0x8100] =	vst v63  }
0x6f: {  	_ =	swait.ge [sflag:s12], $0x4000  }
0x70: {  	[sflag:s12] =	ssyncset.done $0x0  }
0x71: {  	[sflag:s12] =	ssyncadd.s32 $0xFFFFC000  }
0x72: {  	_ =	sfence.sel $0x180000  }
0x73: {  	[bflag:$0x0] =	sbarrier.arrive $0xFFFF  }
0x74: {  	p0 =	sne.s32 s2, $0x0;
	_ =	strace $0x90000047  }
0x75: {  	s0 =	sadd.s32 @!p0 $0x100000, s0;
	[bflag:$0x2] =	sbarrier.arrive $0xFFFF  }
0x76: {  	[sflag:s0] =	ssyncadd.tile.s32 @!p0 $0x1;
	_ =	shalt  }
.Lfunc_end2:
_tile_overlayer_lowered:
.L_overlay_start_2:
0x77: {  	(tag) =	ssettag $0x2  }
0x78: {  	s0 =	rddreg [dreg:$0x0];
	s2 =	stileid.u32  }
0x79: {  	s1 =	rddreg [dreg:$0x1];
	p0 =	sne.s32 s2, $0x0  }
0x7a: {  	s3 =	rddreg [dreg:$0x2];
	[bflag:$0x3] =	sbarrier.arrive $0xFFFF;
	s2 =	simm.s32 @!p0 $0x1C03  }
0x7b: {  	[timem:s3], [sflag:s2] =	dma.local @!p0 [hbm:s0], s1  }
0x7c: {  	s0 =	simm.s32 @!p0 $0x3  }
0x7d: {  	_ =	swait.ge @!p0 [sflag:s0], s1  }
0x7e: {  	s1 =	ssub.s32 @!p0 $0x0, s1;
	[sflag:s0] =	ssyncset.done @!p0 $0x0  }
0x7f: {  	[sflag:s0] =	ssyncadd.s32 @!p0 s1  }
0x80: {  	[bflag:$0x3] =	sbarrier.arrive $0xFFFF  }
0x81: {  	_ =	shalt  }

// kernel: kernel.17.cloned.1.call-start
scs
__scs_entry_jumppad:
0x0: {  	(pc) =	sbr.rel $0x88, $3  }
0x1: {  	(tag) =	ssettag $0x0;
	lr =	simm.s32 $0x1  }
0x2: {  	[smem:$0x3F5A] =	sst lr;
	_ =	strace $0xD0000000  }
0x3: {  	_ = 	snop  }
0x4: {  	_ = 	snop  }
0x5: {  	_ = 	snop  }
0x6: {  	_ = 	snop  }
0x7: {  	_ = 	snop  }
__scs_overlays_trampoline_lowered:
0x8: {  	[smem:$0x3F69] =	sst s0  }
0x9: {  	[smem:$0x3F6A] =	sst s1  }
0xa: {  	[smem:$0x3F6B] =	sst s2  }
0xb: {  	[smem:$0x3F6C] =	sst s3  }
0xc: {  	[smem:$0x3F6D] =	sst s4  }
0xd: {  	[smem:$0x3F6E] =	sst s5  }
0xe: {  	[smem:$0x3F6F] =	sst s6  }
0xf: {  	[smem:$0x3F70] =	sst s7  }
0x10: {  	[smem:$0x3F71] =	sst s8  }
0x11: {  	[smem:$0x3F72] =	sst s9;
	s0 =	simm.s32 @!p0 $0x0  }
0x12: {  	s1 =	sld [smem:$0x3F58];
	s0 =	simm.s32 @p0 $0x1  }
0x13: {  	[smem:$0x3F73] =	sst s0;
	s0 =	simm.s32 @!p1 $0x0  }
0x14: {  	s2 =	sld [smem:$0x3F57];
	s0 =	simm.s32 @p1 $0x1  }
0x15: {  	[smem:$0x3F74] =	sst s0;
	s0 =	simm.s32 @!p2 $0x0  }
0x16: {  	s3 =	sld [smem:$0x3FDB];
	s0 =	simm.s32 @p2 $0x1  }
0x17: {  	s4 =	simm.s32 $0x1BF5;
	[smem:$0x3F76] =	sst s0  }
0x18: {  	s0 =	sld [smem:$0x3F59];
	_ =	swait.ge [sflag:s4], $0x0  }
0x19: {  	s7 =	sld [smem:$0x3F5A]  }
0x1a: {  	s8 =	sadd.s32 $0xFFFFE003, lr  }
0x1b: {  	s9 =	sadd.s32 $0xFFFFFEF7, lr;
	s5 =	simm.s32 $0xFFFFFFFF;
	p2 =	slt.u32 s8, $0xFFFFF086  }
0x1c: {  	p1 =	slt.u32 s9, $0xF7A;
	s5 =	simm.s32 @!p2 $0x0  }
0x1d: {  	s5 =	simm.s32 @p1 $0x1;
	p0 =	seq.s32 s7, s2  }
0x1e: {  	s7 =	smul.u32 @!p0 $0xF7A, s2;
	p2 =	seq.s32 @!p0 s5, $0x0  }
0x1f: {  	s9 =	smul.u32 $0xF7A, s1;
	s8 =	simm.s32 @!p0 $0x1BF5;
	p2 =	por !p2, p0  }
0x20: {  	[sflag:s8] =	ssyncset.s32 @!p0 $0xFFFFF086;
	s6 =	sadd.s32 @!p0 s3, s7;
	s7 =	simm.s32 @!p0 $0x108  }
0x21: {  	s3 =	sadd.s32 s3, s9;
	s6 =	sadd.s32 @!p0 $0x88, s6;
	s7 =	simm.s32 @p2 $0x1082  }
0x22: {  	[simem:s7], [sflag:s8] =	dma.local @!p0 [hbm:s6], $0xF7A  }
0x23: {  	s9 =	sor.u32 $0xD0000000, s2;
	s6 =	simm.s32 $0x108;
	_ =	swait.ge @!p0 [sflag:s8], $0x0  }
0x24: {  	s3 =	sadd.s32 $0x88, s3;
	s6 =	simm.s32 @!p1 $0x1082;
	[sflag:s4] =	ssyncset.s32 $0xFFFFF086  }
0x25: {  	[simem:s6], [sflag:s4] =	dma.local [hbm:s3], $0xF7A  }
0x26: {  	[smem:$0x3F5A] =	sst s1;
	(tag) =	ssettag s2;
	_ =	strace s9  }
0x27: {  	s1 =	sld [smem:$0x3F6A]  }
0x28: {  	s2 =	sld [smem:$0x3F6B]  }
0x29: {  	s4 =	sld [smem:$0x3F6D]  }
0x2a: {  	p0 =	seq.s32 s5, $0x0;
	s5 =	sld [smem:$0x3F6E]  }
0x2b: {  	s6 =	sld [smem:$0x3F6F]  }
0x2c: {  	s7 =	sld [smem:$0x3F70]  }
0x2d: {  	s3 =	simm.s32 $0x108;
	s8 =	sld [smem:$0x3F71]  }
0x2e: {  	s3 =	simm.s32 @!p0 $0x1082;
	s9 =	sld [smem:$0x3F72]  }
0x2f: {  	lr =	sadd.s32 s0, s3;
	s0 =	sld [smem:$0x3F69]  }
0x30: {  	s3 =	sld [smem:$0x3F6C]  }
0x31: {  	[smem:$0x3F75] =	sst s10  }
0x32: {  	s10 =	sld [smem:$0x3F73];
	_ =	sdelay $0x3  }
0x33: {  	p0 =	seq.s32 s10, $0x1;
	s10 =	sld [smem:$0x3F75];
	_ =	sdelay $0x3  }
0x34: {  	[smem:$0x3F75] =	sst s10  }
0x35: {  	s10 =	sld [smem:$0x3F74];
	_ =	sdelay $0x3  }
0x36: {  	p1 =	seq.s32 s10, $0x1;
	s10 =	sld [smem:$0x3F75];
	_ =	sdelay $0x3  }
0x37: {  	[smem:$0x3F75] =	sst s10  }
0x38: {  	s10 =	sld [smem:$0x3F76]  }
0x39: {  	_ = 	snop;
	(pc) =	sbr.ind lr, $3  }
0x3a: {  	_ = 	snop  }
0x3b: {  	_ = 	snop  }
0x3c: {  	p2 =	seq.s32 s10, $0x1;
	s10 =	sld [smem:$0x3F75]  }
0x3d: {  	_ =	shalt  }
0x3e: {  	_ =	shalt  }
0x3f: {  	_ =	shalt  }
0x40: {  	_ =	shalt  }
0x41: {  	_ =	shalt  }
0x42: {  	_ =	shalt  }
0x43: {  	_ =	shalt  }
0x44: {  	_ =	shalt  }
0x45: {  	_ =	shalt  }
0x46: {  	_ =	shalt  }
0x47: {  	_ =	shalt  }
0x48: {  	_ =	shalt  }
0x49: {  	_ =	shalt  }
0x4a: {  	_ =	shalt  }
0x4b: {  	_ =	shalt  }
0x4c: {  	_ =	shalt  }
0x4d: {  	_ =	shalt  }
0x4e: {  	_ =	shalt  }
0x4f: {  	_ =	shalt  }
0x50: {  	_ =	shalt  }
0x51: {  	_ =	shalt  }
0x52: {  	_ =	shalt  }
0x53: {  	_ =	shalt  }
0x54: {  	_ =	shalt  }
0x55: {  	_ =	shalt  }
0x56: {  	_ =	shalt  }
0x57: {  	_ =	shalt  }
0x58: {  	_ =	shalt  }
0x59: {  	_ =	shalt  }
0x5a: {  	_ =	shalt  }
0x5b: {  	_ =	shalt  }
0x5c: {  	_ =	shalt  }
0x5d: {  	_ =	shalt  }
0x5e: {  	_ =	shalt  }
0x5f: {  	_ =	shalt  }
0x60: {  	_ =	shalt  }
0x61: {  	_ =	shalt  }
0x62: {  	_ =	shalt  }
0x63: {  	_ =	shalt  }
0x64: {  	_ =	shalt  }
0x65: {  	_ =	shalt  }
0x66: {  	_ =	shalt  }
0x67: {  	_ =	shalt  }
0x68: {  	_ =	shalt  }
0x69: {  	_ =	shalt  }
0x6a: {  	_ =	shalt  }
0x6b: {  	_ =	shalt  }
0x6c: {  	_ =	shalt  }
0x6d: {  	_ =	shalt  }
0x6e: {  	_ =	shalt  }
0x6f: {  	_ =	shalt  }
0x70: {  	_ =	shalt  }
0x71: {  	_ =	shalt  }
0x72: {  	_ =	shalt  }
0x73: {  	_ =	shalt  }
0x74: {  	_ =	shalt  }
0x75: {  	_ =	shalt  }
0x76: {  	_ =	shalt  }
0x77: {  	_ =	shalt  }
0x78: {  	_ =	shalt  }
0x79: {  	_ =	shalt  }
0x7a: {  	_ =	shalt  }
0x7b: {  	_ =	shalt  }
0x7c: {  	_ =	shalt  }
0x7d: {  	_ =	shalt  }
0x7e: {  	_ =	shalt  }
0x7f: {  	_ =	shalt  }
0x80: {  	_ =	shalt  }
0x81: {  	_ =	shalt  }
0x82: {  	_ =	shalt  }
0x83: {  	_ =	shalt  }
0x84: {  	_ =	shalt  }
0x85: {  	_ =	shalt  }
0x86: {  	_ =	shalt  }
0x87: {  	_ =	shalt  }
.Lfunc_end0:
.L_simem_size_0:
called_computation.1_lowered:
.L_overlay_start_0:
0x88: {  	s2 =	sld [smem:$0x3FD9]  }
0x89: {  	s3 =	sld [smem:$0x3FFE];
	_ =	sdelay $0x1  }
0x8a: {  	s1 =	srdreg.scid  }
0x8b: {  	s0 =	sand.u32 $0x1, s1  }
0x8c: {  	s16 =	sshll.u32 s0, $0xA;
	s2 =	sadd.s32 s3, s2  }
0x8d: {  	s2 =	sadd.s32 s2, s16  }
0x8e: {  	[smem:$0x3F81] =	sst s2  }
0x8f: {  	_ = 	snop  }
0x90: {  	(tm) =	ssettm $0x1  }
0x91: {  	s17 =	sld [smem:$0x3FFB];
	_ =	sdelay $0x3  }
0x92: {  	_ =	strace s17  }
0x93: {  	s2 =	sld [smem:$0x3FFC];
	_ =	sdelay $0x3  }
0x94: {  	_ =	strace s2  }
0x95: {  	s2 =	sld [smem:$0x3FFD];
	_ =	sdelay $0x3  }
0x96: {  	_ =	strace s2  }
0x97: {  	_ =	strace $0x8FFFFFFF  }
0x98: {  	s18 =	sld [smem:$0x3FDB];
	_ =	sdelay $0x1  }
0x99: {  	s19 =	simm.s32 $_scs_section_size  }
0x9a: {  	s4 =	simm.s32 $_size__tile_overlayer_lowered;
	s5 =	simm.s32 $_tile_overlayer_lowered  }
0x9b: {  	s22 =	simm.s32 $0x1BFF;
	s21 =	sshll.u32 s5, $0x1;
	s2 =	sadd.s32 s19, s18  }
0x9c: {  	s6 =	simm.s32 $0x0;
	s20 =	sshll.u32 s4, $0x1;
	s4 =	sadd.s32 s21, s2  }
0x9d: {  	[timem:s6], [sflag:s22] =	dma.local [hbm:s4], s20  }
0x9e: {  	_ =	swait.ge [sflag:s22], s20  }
0x9f: {  	s3 =	ssub.s32 $0x0, s20;
	[sflag:s22] =	ssyncset.done $0x0  }
0xa0: {  	[sflag:s22] =	ssyncadd.s32 s3;
	_ =	sdelay $0x1  }
0xa1: {  	s23 =	simm.s32 $0x1B8B  }
0xa2: {  	_ =	swait.ge [sflag:s23], $0x1  }
0xa3: {  	[sflag:s23] =	ssyncset.done $0x0  }
0xa4: {  	s25 =	simm.s32 $0x1B8E;
	s24 =	sld [smem:$0x3FFE];
	[sflag:s23] =	ssyncadd.s32 $0xFFFFFFFF  }
0xa5: {  	s26 =	simm.s32 $execute0_lowered;
	[smem:$0x3FD2] =	sst s25  }
0xa6: {  	s4 =	sshll.u32 s26, $0x1;
	_ =	strace $0x80000049;
	[dreg:$0x1] =	wrdreg $0xFFFFFFFF  }
0xa7: {  	s28 =	simm.s32 $_size_execute0_lowered;
	s2 =	sadd.s32 s2, s4;
	[dreg:$0x0] =	wrdreg $0x0  }
0xa8: {  	s4 =	sshll.u32 s28, $0x1;
	[dreg:$0x2] =	wrdreg s2  }
0xa9: {  	[dreg:$0x3] =	wrdreg s4  }
0xaa: {  	[dreg:$0x4] =	wrdreg $0xC0  }
0xab: {  	_ =	task [dreg:s6], $0x5FFFF  }
0xac: {  	[dreg:$0x1] =	wrdreg $0xFFFFFFFF  }
0xad: {  	[dreg:$0x0] =	wrdreg $0x60  }
0xae: {  	[dreg:$0x2] =	wrdreg s24  }
0xaf: {  	[dreg:$0x3] =	wrdreg $0x9  }
0xb0: {  	_ =	task.clear_ibuf [dreg:s6], $0x4FFFF;
	_ =	strace $0x90000049  }
0xb1: {  	s29 =	simm.s32 $0x9;
	_ =	strace $0x8000004B  }
0xb2: {  	_ =	swait.ge [sflag:s29], $0x1  }
0xb3: {  	[sflag:s29] =	ssyncadd.s32 $0xFFFFFFFF  }
0xb4: {  	_ =	strace $0x9000004B  }
0xb5: {  	_ =	sfence  }
0xb6: {  	s30 =	sld [smem:$0x0];
	_ =	sdelay $0x2  }
0xb7: {  	s31 =	sshll.u32 s1, $0xD;
	s1 =	sshrl.u32 s1, $0x2  }
0xb8: {  	s3 =	sand.u32 $0x4000, s31;
	s1 =	sadd.s32 s1, s30  }
0xb9: {  	s0 =	sor.u32 s3, s0;
	s1 =	sshll.u32 s1, $0x11  }
0xba: {  	s0 =	sor.u32 s1, s0  }
0xbb: {  	s0 =	sadd.s32 $0x8F2B, s0  }
0xbc: {  	[sflag:s0] =	ssyncadd.remote.s32 $0x1  }
0xbd: {  	_ =	sfence.sel $0xFFFF  }
0xbe: {  	[dreg:$0x0] =	wrdreg $0xFFFFFFFF;
	(pc) =	sbr.abs _section_cstart, $3  }
0xbf: {  	[dreg:$0x1] =	wrdreg $0xFFFFFFFF  }
0xc0: {  	_ =	task.clear_ibuf [dreg:s6], $0x2FFFF;
	_ =	strace $0x9FFFFFFF  }
0xc1: {  	(tm) =	ssettm $0x7FFFFFFF  }
tec
execute0_lowered:
.L_overlay_start_1:
0x0: {  	(tag) =	ssettag $0x1  }
0x1: {  	s0 =	rddreg [dreg:$0x0]  }
0x2: {  	s1 =	simm.s32 $0x0;
	s2 =	srdreg.scid;
	s8 =	stileid.u32  }
0x3: {  	s10 =	simm.s32 $0x100;
	s23 =	simm.s32 $0x6900;
	s28 =	simm.s32 $0x8100  }
0x4: {  	s29 =	simm.s32 $0x8900;
	s30 =	simm.s32 $0x9100;
	s31 =	simm.s32 $0x9900  }
0x5: {  	s11 =	simm.s32 $0xC900;
	s12 =	simm.s32 $0xD100;
	s13 =	simm.s32 $0xD900  }
0x6: {  	s14 =	simm.s32 $0xE100;
	s15 =	simm.s32 $0xE900;
	s16 =	simm.s32 $0xF100  }
0x7: {  	s17 =	simm.s32 $0xF900;
	s18 =	simm.s32 $0x1;
	s19 =	simm.s32 $0x2  }
0x8: {  	s21 =	simm.s32 $0x0;
	[smem:$0x7FF] =	sst s1;
	s3 =	sadd.s32 $0x4EE00, s0  }
0x9: {  	s4 =	sadd.s32 $0x4BEE00, s0;
	s2 =	sand.u32 $0x1, s2;
	s6 =	sshll.u32 s8, $0xD  }
0xa: {  	s8 =	sshll.u32 s8, $0x12;
	_ =	strace $0x8000004A;
	s5 =	ssub.s32 $0x2, s2  }
0xb: {  	s7 =	sshll.u32 s2, $0xC;
	s0 =	sadd.s32 s8, s0;
	s2 =	sshll.u32 s2, $0x11  }
0xc: {  	s9 =	sshrl.u32 s5, $0x1;
	s6 =	sor.u32 s7, s6;
	s0 =	sadd.s32 s2, s0  }
0xd: {  	s2 =	simm.s32 $0xA900;
	s5 =	ssub.s32 s5, s9;
	s7 =	sshrl.u32 s6, $0x3  }
0xe: {  	s24 =	sor.u32 $0x100, s6;
	s25 =	sor.u32 $0x80, s6;
	s0 =	sadd.s32 $0x8EE00, s0  }
0xf: {  	s9 =	simm.s32 $0x3;
	s7 =	sadd.s32 s4, s7;
	s5 =	smax.u32 s5, $0x1  }
.Ltmp0:
0x10: {  	s26 =	sshrl.u32 s25, $0x3;
	[dreg:$0x4] =	wrdreg s0;
	(pc) =	sbr.rel .LBB2_1-.Ltmp0, $4  }
0x11: {  	s25 =	simm.s32 $0x7900;
	s0 =	simm.s32 $0xA100;
	[dreg:$0x2] =	wrdreg s7  }
0x12: {  	v2 =	vlaneseq.u32;
	[dreg:$0x3] =	wrdreg s5;
	s5 =	sshrl.u32 s24, $0x3;
	s8 =	sadd.s32 s26, s4  }
0x13: {  	vm0 =	vmmov $0xffff;
	v1 =	vshrl.u32 v2, $0x3;
	s24 =	simm.s32 $0x7100;
	s26 =	simm.s32 $0x80;
	s7 =	simm.s32 $0xC100  }
0x14: {  	v0 =	vand.u32 $0x7, v2;
	v2 =	vor.u32 $0x8, v2;
	v1 =	vmul.u32 $0x8, v1;
	s6 =	sadd.s32 s5, s4;
	s4 =	simm.s32 $0xB100;
	s5 =	simm.s32 $0xB900  }
.LBB2_5:
0x15: {  	s21 =	rddreg [dreg:$0x5]  }
0x16: {  	s20 =	rddreg [dreg:$0x3];
	s21 =	sadd.s32 $0x1, s21  }
0x17: {  	p0 =	sne.s32 s21, s20  }
.Ltmp1:
0x18: {  	_ = 	snop;
	(pc) =	sbr.rel @!p0 .LBB2_6-.Ltmp1, $1  }
0x19: {  	_ =	sdelay $0x3  }
.LBB2_1:
0x1a: {  	[dreg:$0x5] =	wrdreg s21  }
0x1b: {  	s20 =	rddreg [dreg:$0x2]  }
0x1c: {  	[tilespmem:s1], [sflag:$0x3] =	stream.linear.gather [hbm4b:s20+s1], $0x80, $0x38;
	[tilespmem:$0x10100] =	vst v63  }
0x1d: {  	_ =	swait.ge [sflag:s9], $0x80  }
0x1e: {  	[sflag:s9] =	ssyncset.done $0x0  }
0x1f: {  	[sflag:s9] =	ssyncadd.s32 $0xFFFFFF80  }
0x20: {  	v3 =	vld [tilespmem:$0x0];
	_ =	sdelay $0x4  }
0x21: {  	v4 =	vshll.u32 v3, $0x1  }
0x22: {  	v3 =	vand.u32 $0x7, v3;
	v4 =	vand.u32 $0xFFFFFFF0, v4  }
0x23: {  	v3 =	vor.u32 v3, v4  }
0x24: {  	v4 =	vperm.xlane v3, v0;
	_ =	sdelay $0x1  }
0x25: {  	v3 =	vperm.xlane v3, v2;
	v4 =	vadd.s32 v1, v4;
	_ =	sdelay $0x1  }
0x26: {  	v3 =	vadd.s32 v1, v3;
	_ =	sdelay $0x2  }
0x27: {  	[tilespmem:s10], [sflag:$0x1] =	stream.indirect_vreg.gather [hbm4b:s3+s1], $0x80, v4, vm0, $0xb8;
	[tilespmem:$0x10100] =	vst v63  }
0x28: {  	s21 =	simm.s32 $0x900  }
0x29: {  	[tilespmem:s21], [sflag:$0x1] =	stream.indirect_vreg.gather [hbm4b:s3+s1], $0x80, v3, vm0, $0xb8;
	[tilespmem:$0x10100] =	vst v63  }
0x2a: {  	v3 =	vld [tilespmem:$0x10];
	_ =	sdelay $0x4  }
0x2b: {  	v57 =	vshll.u32 v3, $0x1  }
0x2c: {  	v3 =	vand.u32 $0x7, v3;
	v4 =	vand.u32 $0xFFFFFFF0, v57  }
0x2d: {  	v3 =	vor.u32 v3, v4  }
0x2e: {  	v4 =	vperm.xlane v3, v0;
	_ =	sdelay $0x1  }
0x2f: {  	v3 =	vperm.xlane v3, v2;
	v4 =	vadd.s32 v1, v4;
	_ =	sdelay $0x1  }
0x30: {  	v3 =	vadd.s32 v1, v3;
	_ =	sdelay $0x1  }
0x31: {  	s22 =	simm.s32 $0x1100  }
0x32: {  	[tilespmem:s22], [sflag:$0x1] =	stream.indirect_vreg.gather [hbm4b:s3+s1], $0x80, v4, vm0, $0xb8;
	[tilespmem:$0x10100] =	vst v63  }
0x33: {  	s21 =	simm.s32 $0x1900  }
0x34: {  	[tilespmem:s21], [sflag:$0x1] =	stream.indirect_vreg.gather [hbm4b:s3+s1], $0x80, v3, vm0, $0xb8;
	[tilespmem:$0x10100] =	vst v63  }
0x35: {  	v3 =	vld [tilespmem:$0x20];
	_ =	sdelay $0x4  }
0x36: {  	v58 =	vshll.u32 v3, $0x1  }
0x37: {  	v3 =	vand.u32 $0x7, v3;
	v4 =	vand.u32 $0xFFFFFFF0, v58  }
0x38: {  	v3 =	vor.u32 v3, v4  }
0x39: {  	v4 =	vperm.xlane v3, v0;
	_ =	sdelay $0x1  }
0x3a: {  	v3 =	vperm.xlane v3, v2;
	v4 =	vadd.s32 v1, v4;
	_ =	sdelay $0x1  }
0x3b: {  	v3 =	vadd.s32 v1, v3;
	_ =	sdelay $0x1  }
0x3c: {  	s22 =	simm.s32 $0x2100  }
0x3d: {  	[tilespmem:s22], [sflag:$0x1] =	stream.indirect_vreg.gather [hbm4b:s3+s1], $0x80, v4, vm0, $0xb8;
	[tilespmem:$0x10100] =	vst v63  }
0x3e: {  	s21 =	simm.s32 $0x2900  }
0x3f: {  	[tilespmem:s21], [sflag:$0x1] =	stream.indirect_vreg.gather [hbm4b:s3+s1], $0x80, v3, vm0, $0xb8;
	[tilespmem:$0x10100] =	vst v63  }
0x40: {  	v3 =	vld [tilespmem:$0x30];
	_ =	sdelay $0x4  }
0x41: {  	v59 =	vshll.u32 v3, $0x1  }
0x42: {  	v3 =	vand.u32 $0x7, v3;
	v4 =	vand.u32 $0xFFFFFFF0, v59  }
0x43: {  	v3 =	vor.u32 v3, v4  }
0x44: {  	v4 =	vperm.xlane v3, v0;
	_ =	sdelay $0x1  }
0x45: {  	v3 =	vperm.xlane v3, v2;
	v4 =	vadd.s32 v1, v4;
	_ =	sdelay $0x1  }
0x46: {  	v3 =	vadd.s32 v1, v3;
	_ =	sdelay $0x1  }
0x47: {  	s22 =	simm.s32 $0x3100  }
0x48: {  	[tilespmem:s22], [sflag:$0x1] =	stream.indirect_vreg.gather [hbm4b:s3+s1], $0x80, v4, vm0, $0xb8;
	[tilespmem:$0x10100] =	vst v63  }
0x49: {  	s21 =	simm.s32 $0x3900  }
0x4a: {  	[tilespmem:s21], [sflag:$0x1] =	stream.indirect_vreg.gather [hbm4b:s3+s1], $0x80, v3, vm0, $0xb8;
	[tilespmem:$0x10100] =	vst v63  }
0x4b: {  	v3 =	vld [tilespmem:$0x40];
	_ =	sdelay $0x4  }
0x4c: {  	v60 =	vshll.u32 v3, $0x1  }
0x4d: {  	v3 =	vand.u32 $0x7, v3;
	v4 =	vand.u32 $0xFFFFFFF0, v60  }
0x4e: {  	v3 =	vor.u32 v3, v4  }
0x4f: {  	v4 =	vperm.xlane v3, v0;
	_ =	sdelay $0x1  }
0x50: {  	v3 =	vperm.xlane v3, v2;
	v4 =	vadd.s32 v1, v4;
	_ =	sdelay $0x1  }
0x51: {  	v3 =	vadd.s32 v1, v3;
	_ =	sdelay $0x1  }
0x52: {  	s22 =	simm.s32 $0x4100  }
0x53: {  	[tilespmem:s22], [sflag:$0x1] =	stream.indirect_vreg.gather [hbm4b:s3+s1], $0x80, v4, vm0, $0xb8;
	[tilespmem:$0x10100] =	vst v63  }
0x54: {  	s21 =	simm.s32 $0x4900  }
0x55: {  	[tilespmem:s21], [sflag:$0x1] =	stream.indirect_vreg.gather [hbm4b:s3+s1], $0x80, v3, vm0, $0xb8;
	[tilespmem:$0x10100] =	vst v63  }
0x56: {  	v3 =	vld [tilespmem:$0x50];
	_ =	sdelay $0x4  }
0x57: {  	v61 =	vshll.u32 v3, $0x1  }
0x58: {  	v3 =	vand.u32 $0x7, v3;
	v4 =	vand.u32 $0xFFFFFFF0, v61  }
0x59: {  	v3 =	vor.u32 v3, v4  }
0x5a: {  	v4 =	vperm.xlane v3, v0;
	_ =	sdelay $0x1  }
0x5b: {  	v3 =	vperm.xlane v3, v2;
	v4 =	vadd.s32 v1, v4;
	_ =	sdelay $0x1  }
0x5c: {  	v3 =	vadd.s32 v1, v3;
	_ =	sdelay $0x1  }
0x5d: {  	s22 =	simm.s32 $0x5100  }
0x5e: {  	[tilespmem:s22], [sflag:$0x1] =	stream.indirect_vreg.gather [hbm4b:s3+s1], $0x80, v4, vm0, $0xb8;
	[tilespmem:$0x10100] =	vst v63  }
0x5f: {  	s21 =	simm.s32 $0x5900  }
0x60: {  	[tilespmem:s21], [sflag:$0x1] =	stream.indirect_vreg.gather [hbm4b:s3+s1], $0x80, v3, vm0, $0xb8;
	[tilespmem:$0x10100] =	vst v63  }
0x61: {  	v3 =	vld [tilespmem:$0x60];
	_ =	sdelay $0x4  }
0x62: {  	v62 =	vshll.u32 v3, $0x1  }
0x63: {  	v3 =	vand.u32 $0x7, v3;
	v4 =	vand.u32 $0xFFFFFFF0, v62  }
0x64: {  	v3 =	vor.u32 v3, v4  }
0x65: {  	v4 =	vperm.xlane v3, v0;
	_ =	sdelay $0x1  }
0x66: {  	v3 =	vperm.xlane v3, v2;
	v4 =	vadd.s32 v1, v4;
	_ =	sdelay $0x1  }
0x67: {  	v3 =	vadd.s32 v1, v3;
	_ =	sdelay $0x1  }
0x68: {  	s22 =	simm.s32 $0x6100  }
0x69: {  	[tilespmem:s22], [sflag:$0x1] =	stream.indirect_vreg.gather [hbm4b:s3+s1], $0x80, v4, vm0, $0xb8;
	[tilespmem:$0x10100] =	vst v63  }
0x6a: {  	_ = 	snop  }
0x6b: {  	[tilespmem:s23], [sflag:$0x1] =	stream.indirect_vreg.gather [hbm4b:s3+s1], $0x80, v3, vm0, $0xb8;
	[tilespmem:$0x10100] =	vst v63  }
0x6c: {  	v3 =	vld [tilespmem:$0x70];
	_ =	sdelay $0x4  }
0x6d: {  	v63 =	vshll.u32 v3, $0x1  }
0x6e: {  	v3 =	vand.u32 $0x7, v3;
	v4 =	vand.u32 $0xFFFFFFF0, v63  }
0x6f: {  	v3 =	vor.u32 v3, v4  }
0x70: {  	v4 =	vperm.xlane v3, v0;
	_ =	sdelay $0x1  }
0x71: {  	v3 =	vperm.xlane v3, v2;
	v4 =	vadd.s32 v1, v4;
	_ =	sdelay $0x1  }
0x72: {  	v3 =	vadd.s32 v1, v3  }
.Ltmp2:
0x73: {  	_ = 	snop;
	(pc) =	sbr.rel .LBB2_2-.Ltmp2, $4  }
0x74: {  	_ = 	snop  }
0x75: {  	[tilespmem:s24], [sflag:$0x1] =	stream.indirect_vreg.gather [hbm4b:s3+s1], $0x80, v4, vm0, $0xb8;
	[tilespmem:$0x10100] =	vst v63  }
0x76: {  	s20 =	rddreg [dreg:$0x4];
	s21 =	simm.s32 $0x0  }
0x77: {  	[tilespmem:s25], [sflag:$0x1] =	stream.indirect_vreg.gather [hbm4b:s3+s1], $0x80, v3, vm0, $0xb8;
	[tilespmem:$0x10100] =	vst v63  }
.LBB2_4:
0x78: {  	_ =	swait.ge [sflag:s19], $0x8000;
	s21 =	sadd.s32 $0x20, s21  }
0x79: {  	[sflag:s19] =	ssyncset.done $0x0;
	p0 =	sne.s32 s21, $0x200  }
.Ltmp3:
0x7a: {  	s22 =	sadd.s32 $0x1000, s20;
	[sflag:s19] =	ssyncadd.s32 $0xFFFF8000;
	(pc) =	sbr.rel @!p0 .LBB2_5-.Ltmp3, $4  }
0x7b: {  	[hbm4b:s22+s1] =	stream.linear.scatter [tilespmem:s28], [sflag:$0x3], $0x8000, $0x38;
	[tilespmem:$0x10100] =	vst v63  }
0x7c: {  	_ =	swait.ge [sflag:s9], $0x8000  }
0x7d: {  	[sflag:s9] =	ssyncset.done $0x0  }
0x7e: {  	s20 =	sadd.s32 $0x2000, s20;
	[sflag:s9] =	ssyncadd.s32 $0xFFFF8000  }
.LBB2_2:
0x7f: {  	s22 =	sadd.s32 s21, s8  }
0x80: {  	[tilespmem:s26], [sflag:$0x3] =	stream.linear.gather [hbm4b:s22+s1], $0x80, $0x38;
	[tilespmem:$0x10100] =	vst v63  }
0x81: {  	_ =	swait.ge [sflag:s9], $0x80  }
0x82: {  	[sflag:s9] =	ssyncset.done $0x0  }
0x83: {  	[sflag:s9] =	ssyncadd.s32 $0xFFFFFF80  }
0x84: {  	v3 =	vld [tilespmem:$0x80];
	_ =	sdelay $0x4  }
0x85: {  	v4 =	vshll.u32 v3, $0x1  }
0x86: {  	v3 =	vand.u32 $0x7, v3;
	v4 =	vand.u32 $0xFFFFFFF0, v4  }
0x87: {  	v3 =	vor.u32 v3, v4  }
0x88: {  	v4 =	vperm.xlane v3, v0;
	_ =	sdelay $0x1  }
0x89: {  	v3 =	vperm.xlane v3, v2;
	v4 =	vadd.s32 v1, v4;
	_ =	sdelay $0x1  }
0x8a: {  	v3 =	vadd.s32 v1, v3;
	_ =	sdelay $0x2  }
0x8b: {  	[tilespmem:s28], [sflag:$0x2] =	stream.indirect_vreg.gather [hbm4b:s3+s1], $0x80, v4, vm0, $0xb8;
	[tilespmem:$0x10100] =	vst v63  }
0x8c: {  	_ = 	snop  }
0x8d: {  	[tilespmem:s29], [sflag:$0x2] =	stream.indirect_vreg.gather [hbm4b:s3+s1], $0x80, v3, vm0, $0xb8;
	[tilespmem:$0x10100] =	vst v63  }
0x8e: {  	v3 =	vld [tilespmem:$0x90];
	_ =	sdelay $0x4  }
0x8f: {  	v57 =	vshll.u32 v3, $0x1  }
0x90: {  	v3 =	vand.u32 $0x7, v3;
	v4 =	vand.u32 $0xFFFFFFF0, v57  }
0x91: {  	v3 =	vor.u32 v3, v4  }
0x92: {  	v4 =	vperm.xlane v3, v0;
	_ =	sdelay $0x1  }
0x93: {  	v3 =	vperm.xlane v3, v2;
	v4 =	vadd.s32 v1, v4;
	_ =	sdelay $0x1  }
0x94: {  	v3 =	vadd.s32 v1, v3;
	_ =	sdelay $0x2  }
0x95: {  	[tilespmem:s30], [sflag:$0x2] =	stream.indirect_vreg.gather [hbm4b:s3+s1], $0x80, v4, vm0, $0xb8;
	[tilespmem:$0x10100] =	vst v63  }
0x96: {  	_ = 	snop  }
0x97: {  	[tilespmem:s31], [sflag:$0x2] =	stream.indirect_vreg.gather [hbm4b:s3+s1], $0x80, v3, vm0, $0xb8;
	[tilespmem:$0x10100] =	vst v63  }
0x98: {  	v3 =	vld [tilespmem:$0xA0];
	_ =	sdelay $0x4  }
0x99: {  	v58 =	vshll.u32 v3, $0x1  }
0x9a: {  	v3 =	vand.u32 $0x7, v3;
	v4 =	vand.u32 $0xFFFFFFF0, v58  }
0x9b: {  	v3 =	vor.u32 v3, v4  }
0x9c: {  	v4 =	vperm.xlane v3, v0;
	_ =	sdelay $0x1  }
0x9d: {  	v3 =	vperm.xlane v3, v2;
	v4 =	vadd.s32 v1, v4;
	_ =	sdelay $0x1  }
0x9e: {  	v3 =	vadd.s32 v1, v3;
	_ =	sdelay $0x2  }
0x9f: {  	[tilespmem:s0], [sflag:$0x2] =	stream.indirect_vreg.gather [hbm4b:s3+s1], $0x80, v4, vm0, $0xb8;
	[tilespmem:$0x10100] =	vst v63  }
0xa0: {  	_ = 	snop  }
0xa1: {  	[tilespmem:s2], [sflag:$0x2] =	stream.indirect_vreg.gather [hbm4b:s3+s1], $0x80, v3, vm0, $0xb8;
	[tilespmem:$0x10100] =	vst v63  }
0xa2: {  	v3 =	vld [tilespmem:$0xB0];
	_ =	sdelay $0x4  }
0xa3: {  	v59 =	vshll.u32 v3, $0x1  }
0xa4: {  	v3 =	vand.u32 $0x7, v3;
	v4 =	vand.u32 $0xFFFFFFF0, v59  }
0xa5: {  	v3 =	vor.u32 v3, v4  }
0xa6: {  	v4 =	vperm.xlane v3, v0;
	_ =	sdelay $0x1  }
0xa7: {  	v3 =	vperm.xlane v3, v2;
	v4 =	vadd.s32 v1, v4;
	_ =	sdelay $0x1  }
0xa8: {  	v3 =	vadd.s32 v1, v3;
	_ =	sdelay $0x2  }
0xa9: {  	[tilespmem:s4], [sflag:$0x2] =	stream.indirect_vreg.gather [hbm4b:s3+s1], $0x80, v4, vm0, $0xb8;
	[tilespmem:$0x10100] =	vst v63  }
0xaa: {  	_ = 	snop  }
0xab: {  	[tilespmem:s5], [sflag:$0x2] =	stream.indirect_vreg.gather [hbm4b:s3+s1], $0x80, v3, vm0, $0xb8;
	[tilespmem:$0x10100] =	vst v63  }
0xac: {  	v3 =	vld [tilespmem:$0xC0];
	_ =	sdelay $0x4  }
0xad: {  	v60 =	vshll.u32 v3, $0x1  }
0xae: {  	v3 =	vand.u32 $0x7, v3;
	v4 =	vand.u32 $0xFFFFFFF0, v60  }
0xaf: {  	v3 =	vor.u32 v3, v4  }
0xb0: {  	v4 =	vperm.xlane v3, v0;
	_ =	sdelay $0x1  }
0xb1: {  	v3 =	vperm.xlane v3, v2;
	v4 =	vadd.s32 v1, v4;
	_ =	sdelay $0x1  }
0xb2: {  	v3 =	vadd.s32 v1, v3;
	_ =	sdelay $0x2  }
0xb3: {  	[tilespmem:s7], [sflag:$0x2] =	stream.indirect_vreg.gather [hbm4b:s3+s1], $0x80, v4, vm0, $0xb8;
	[tilespmem:$0x10100] =	vst v63  }
0xb4: {  	_ = 	snop  }
0xb5: {  	[tilespmem:s11], [sflag:$0x2] =	stream.indirect_vreg.gather [hbm4b:s3+s1], $0x80, v3, vm0, $0xb8;
	[tilespmem:$0x10100] =	vst v63  }
0xb6: {  	v3 =	vld [tilespmem:$0xD0];
	_ =	sdelay $0x4  }
0xb7: {  	v61 =	vshll.u32 v3, $0x1  }
0xb8: {  	v3 =	vand.u32 $0x7, v3;
	v4 =	vand.u32 $0xFFFFFFF0, v61  }
0xb9: {  	v3 =	vor.u32 v3, v4  }
0xba: {  	v4 =	vperm.xlane v3, v0;
	_ =	sdelay $0x1  }
0xbb: {  	v3 =	vperm.xlane v3, v2;
	v4 =	vadd.s32 v1, v4;
	_ =	sdelay $0x1  }
0xbc: {  	v3 =	vadd.s32 v1, v3;
	_ =	sdelay $0x2  }
0xbd: {  	[tilespmem:s12], [sflag:$0x2] =	stream.indirect_vreg.gather [hbm4b:s3+s1], $0x80, v4, vm0, $0xb8;
	[tilespmem:$0x10100] =	vst v63  }
0xbe: {  	_ = 	snop  }
0xbf: {  	[tilespmem:s13], [sflag:$0x2] =	stream.indirect_vreg.gather [hbm4b:s3+s1], $0x80, v3, vm0, $0xb8;
	[tilespmem:$0x10100] =	vst v63  }
0xc0: {  	v3 =	vld [tilespmem:$0xE0];
	_ =	sdelay $0x4  }
0xc1: {  	v62 =	vshll.u32 v3, $0x1  }
0xc2: {  	v3 =	vand.u32 $0x7, v3;
	v4 =	vand.u32 $0xFFFFFFF0, v62  }
0xc3: {  	v3 =	vor.u32 v3, v4  }
0xc4: {  	v4 =	vperm.xlane v3, v0;
	_ =	sdelay $0x1  }
0xc5: {  	v3 =	vperm.xlane v3, v2;
	v4 =	vadd.s32 v1, v4;
	_ =	sdelay $0x1  }
0xc6: {  	v3 =	vadd.s32 v1, v3;
	_ =	sdelay $0x2  }
0xc7: {  	[tilespmem:s14], [sflag:$0x2] =	stream.indirect_vreg.gather [hbm4b:s3+s1], $0x80, v4, vm0, $0xb8;
	[tilespmem:$0x10100] =	vst v63  }
0xc8: {  	_ = 	snop  }
0xc9: {  	[tilespmem:s15], [sflag:$0x2] =	stream.indirect_vreg.gather [hbm4b:s3+s1], $0x80, v3, vm0, $0xb8;
	[tilespmem:$0x10100] =	vst v63  }
0xca: {  	v3 =	vld [tilespmem:$0xF0];
	_ =	sdelay $0x4  }
0xcb: {  	v63 =	vshll.u32 v3, $0x1  }
0xcc: {  	v3 =	vand.u32 $0x7, v3;
	v4 =	vand.u32 $0xFFFFFFF0, v63  }
0xcd: {  	v3 =	vor.u32 v3, v4  }
0xce: {  	v4 =	vperm.xlane v3, v0;
	_ =	sdelay $0x1  }
0xcf: {  	v3 =	vperm.xlane v3, v2;
	v4 =	vadd.s32 v1, v4;
	_ =	sdelay $0x1  }
0xd0: {  	v3 =	vadd.s32 v1, v3;
	_ =	sdelay $0x2  }
0xd1: {  	[tilespmem:s16], [sflag:$0x2] =	stream.indirect_vreg.gather [hbm4b:s3+s1], $0x80, v4, vm0, $0xb8;
	[tilespmem:$0x10100] =	vst v63  }
0xd2: {  	_ = 	snop  }
0xd3: {  	[tilespmem:s17], [sflag:$0x2] =	stream.indirect_vreg.gather [hbm4b:s3+s1], $0x80, v3, vm0, $0xb8;
	[tilespmem:$0x10100] =	vst v63  }
0xd4: {  	_ =	swait.ge [sflag:s18], $0x8000  }
0xd5: {  	p0 =	seq.s32 s21, $0x1E0;
	[sflag:s18] =	ssyncset.done $0x0  }
.Ltmp4:
0xd6: {  	[sflag:s18] =	ssyncadd.s32 $0xFFFF8000;
	(pc) =	sbr.rel @p0 .LBB2_4-.Ltmp4, $4  }
0xd7: {  	[hbm4b:s20+s1] =	stream.linear.scatter [tilespmem:s10], [sflag:$0x3], $0x8000, $0x38;
	[tilespmem:$0x10100] =	vst v63  }
0xd8: {  	_ =	swait.ge [sflag:s9], $0x8000  }
0xd9: {  	[sflag:s9] =	ssyncset.done $0x0  }
0xda: {  	[sflag:s9] =	ssyncadd.s32 $0xFFFF8000  }
0xdb: {  	s22 =	sadd.s32 s21, s6  }
0xdc: {  	[tilespmem:s1], [sflag:$0x3] =	stream.linear.gather [hbm4b:s22+s1], $0x80, $0x38;
	[tilespmem:$0x10100] =	vst v63  }
0xdd: {  	_ =	swait.ge [sflag:s9], $0x80  }
0xde: {  	[sflag:s9] =	ssyncset.done $0x0  }
0xdf: {  	[sflag:s9] =	ssyncadd.s32 $0xFFFFFF80  }
0xe0: {  	v3 =	vld [tilespmem:$0x0];
	_ =	sdelay $0x4  }
0xe1: {  	v4 =	vshll.u32 v3, $0x1  }
0xe2: {  	v3 =	vand.u32 $0x7, v3;
	v4 =	vand.u32 $0xFFFFFFF0, v4  }
0xe3: {  	v3 =	vor.u32 v3, v4  }
0xe4: {  	v4 =	vperm.xlane v3, v0;
	_ =	sdelay $0x1  }
0xe5: {  	v3 =	vperm.xlane v3, v2;
	v4 =	vadd.s32 v1, v4;
	_ =	sdelay $0x1  }
0xe6: {  	v3 =	vadd.s32 v1, v3;
	_ =	sdelay $0x2  }
0xe7: {  	[tilespmem:s10], [sflag:$0x1] =	stream.indirect_vreg.gather [hbm4b:s3+s1], $0x80, v4, vm0, $0xb8;
	[tilespmem:$0x10100] =	vst v63  }
0xe8: {  	s22 =	simm.s32 $0x900  }
0xe9: {  	[tilespmem:s22], [sflag:$0x1] =	stream.indirect_vreg.gather [hbm4b:s3+s1], $0x80, v3, vm0, $0xb8;
	[tilespmem:$0x10100] =	vst v63  }
0xea: {  	v3 =	vld [tilespmem:$0x10];
	_ =	sdelay $0x4  }
0xeb: {  	v57 =	vshll.u32 v3, $0x1  }
0xec: {  	v3 =	vand.u32 $0x7, v3;
	v4 =	vand.u32 $0xFFFFFFF0, v57  }
0xed: {  	v3 =	vor.u32 v3, v4  }
0xee: {  	v4 =	vperm.xlane v3, v0;
	_ =	sdelay $0x1  }
0xef: {  	v3 =	vperm.xlane v3, v2;
	v4 =	vadd.s32 v1, v4;
	_ =	sdelay $0x1  }
0xf0: {  	v3 =	vadd.s32 v1, v3;
	_ =	sdelay $0x1  }
0xf1: {  	s22 =	simm.s32 $0x1100  }
0xf2: {  	[tilespmem:s22], [sflag:$0x1] =	stream.indirect_vreg.gather [hbm4b:s3+s1], $0x80, v4, vm0, $0xb8;
	[tilespmem:$0x10100] =	vst v63  }
0xf3: {  	s22 =	simm.s32 $0x1900  }
0xf4: {  	[tilespmem:s22], [sflag:$0x1] =	stream.indirect_vreg.gather [hbm4b:s3+s1], $0x80, v3, vm0, $0xb8;
	[tilespmem:$0x10100] =	vst v63  }
0xf5: {  	v3 =	vld [tilespmem:$0x20];
	_ =	sdelay $0x4  }
0xf6: {  	v58 =	vshll.u32 v3, $0x1  }
0xf7: {  	v3 =	vand.u32 $0x7, v3;
	v4 =	vand.u32 $0xFFFFFFF0, v58  }
0xf8: {  	v3 =	vor.u32 v3, v4  }
0xf9: {  	v4 =	vperm.xlane v3, v0;
	_ =	sdelay $0x1  }
0xfa: {  	v3 =	vperm.xlane v3, v2;
	v4 =	vadd.s32 v1, v4;
	_ =	sdelay $0x1  }
0xfb: {  	v3 =	vadd.s32 v1, v3;
	_ =	sdelay $0x1  }
0xfc: {  	s22 =	simm.s32 $0x2100  }
0xfd: {  	[tilespmem:s22], [sflag:$0x1] =	stream.indirect_vreg.gather [hbm4b:s3+s1], $0x80, v4, vm0, $0xb8;
	[tilespmem:$0x10100] =	vst v63  }
0xfe: {  	s22 =	simm.s32 $0x2900  }
0xff: {  	[tilespmem:s22], [sflag:$0x1] =	stream.indirect_vreg.gather [hbm4b:s3+s1], $0x80, v3, vm0, $0xb8;
	[tilespmem:$0x10100] =	vst v63  }
0x100: {  	v3 =	vld [tilespmem:$0x30];
	_ =	sdelay $0x4  }
0x101: {  	v59 =	vshll.u32 v3, $0x1  }
0x102: {  	v3 =	vand.u32 $0x7, v3;
	v4 =	vand.u32 $0xFFFFFFF0, v59  }
0x103: {  	v3 =	vor.u32 v3, v4  }
0x104: {  	v4 =	vperm.xlane v3, v0;
	_ =	sdelay $0x1  }
0x105: {  	v3 =	vperm.xlane v3, v2;
	v4 =	vadd.s32 v1, v4;
	_ =	sdelay $0x1  }
0x106: {  	v3 =	vadd.s32 v1, v3;
	_ =	sdelay $0x1  }
0x107: {  	s22 =	simm.s32 $0x3100  }
0x108: {  	[tilespmem:s22], [sflag:$0x1] =	stream.indirect_vreg.gather [hbm4b:s3+s1], $0x80, v4, vm0, $0xb8;
	[tilespmem:$0x10100] =	vst v63  }
0x109: {  	s22 =	simm.s32 $0x3900  }
0x10a: {  	[tilespmem:s22], [sflag:$0x1] =	stream.indirect_vreg.gather [hbm4b:s3+s1], $0x80, v3, vm0, $0xb8;
	[tilespmem:$0x10100] =	vst v63  }
0x10b: {  	v3 =	vld [tilespmem:$0x40];
	_ =	sdelay $0x4  }
0x10c: {  	v60 =	vshll.u32 v3, $0x1  }
0x10d: {  	v3 =	vand.u32 $0x7, v3;
	v4 =	vand.u32 $0xFFFFFFF0, v60  }
0x10e: {  	v3 =	vor.u32 v3, v4  }
0x10f: {  	v4 =	vperm.xlane v3, v0;
	_ =	sdelay $0x1  }
0x110: {  	v3 =	vperm.xlane v3, v2;
	v4 =	vadd.s32 v1, v4;
	_ =	sdelay $0x1  }
0x111: {  	v3 =	vadd.s32 v1, v3;
	_ =	sdelay $0x1  }
0x112: {  	s22 =	simm.s32 $0x4100  }
0x113: {  	[tilespmem:s22], [sflag:$0x1] =	stream.indirect_vreg.gather [hbm4b:s3+s1], $0x80, v4, vm0, $0xb8;
	[tilespmem:$0x10100] =	vst v63  }
0x114: {  	s22 =	simm.s32 $0x4900  }
0x115: {  	[tilespmem:s22], [sflag:$0x1] =	stream.indirect_vreg.gather [hbm4b:s3+s1], $0x80, v3, vm0, $0xb8;
	[tilespmem:$0x10100] =	vst v63  }
0x116: {  	v3 =	vld [tilespmem:$0x50];
	_ =	sdelay $0x4  }
0x117: {  	v61 =	vshll.u32 v3, $0x1  }
0x118: {  	v3 =	vand.u32 $0x7, v3;
	v4 =	vand.u32 $0xFFFFFFF0, v61  }
0x119: {  	v3 =	vor.u32 v3, v4  }
0x11a: {  	v4 =	vperm.xlane v3, v0;
	_ =	sdelay $0x1  }
0x11b: {  	v3 =	vperm.xlane v3, v2;
	v4 =	vadd.s32 v1, v4;
	_ =	sdelay $0x1  }
0x11c: {  	v3 =	vadd.s32 v1, v3;
	_ =	sdelay $0x1  }
0x11d: {  	s22 =	simm.s32 $0x5100  }
0x11e: {  	[tilespmem:s22], [sflag:$0x1] =	stream.indirect_vreg.gather [hbm4b:s3+s1], $0x80, v4, vm0, $0xb8;
	[tilespmem:$0x10100] =	vst v63  }
0x11f: {  	s22 =	simm.s32 $0x5900  }
0x120: {  	[tilespmem:s22], [sflag:$0x1] =	stream.indirect_vreg.gather [hbm4b:s3+s1], $0x80, v3, vm0, $0xb8;
	[tilespmem:$0x10100] =	vst v63  }
0x121: {  	v3 =	vld [tilespmem:$0x60];
	_ =	sdelay $0x4  }
0x122: {  	v62 =	vshll.u32 v3, $0x1  }
0x123: {  	v3 =	vand.u32 $0x7, v3;
	v4 =	vand.u32 $0xFFFFFFF0, v62  }
0x124: {  	v3 =	vor.u32 v3, v4  }
0x125: {  	v4 =	vperm.xlane v3, v0;
	_ =	sdelay $0x1  }
0x126: {  	v3 =	vperm.xlane v3, v2;
	v4 =	vadd.s32 v1, v4;
	_ =	sdelay $0x1  }
0x127: {  	v3 =	vadd.s32 v1, v3;
	_ =	sdelay $0x1  }
0x128: {  	s22 =	simm.s32 $0x6100  }
0x129: {  	[tilespmem:s22], [sflag:$0x1] =	stream.indirect_vreg.gather [hbm4b:s3+s1], $0x80, v4, vm0, $0xb8;
	[tilespmem:$0x10100] =	vst v63  }
0x12a: {  	_ = 	snop  }
0x12b: {  	[tilespmem:s23], [sflag:$0x1] =	stream.indirect_vreg.gather [hbm4b:s3+s1], $0x80, v3, vm0, $0xb8;
	[tilespmem:$0x10100] =	vst v63  }
0x12c: {  	v3 =	vld [tilespmem:$0x70];
	_ =	sdelay $0x4  }
0x12d: {  	v63 =	vshll.u32 v3, $0x1  }
0x12e: {  	v3 =	vand.u32 $0x7, v3;
	v4 =	vand.u32 $0xFFFFFFF0, v63  }
0x12f: {  	v3 =	vor.u32 v3, v4  }
0x130: {  	v4 =	vperm.xlane v3, v0;
	_ =	sdelay $0x1  }
0x131: {  	v3 =	vperm.xlane v3, v2;
	v4 =	vadd.s32 v1, v4;
	_ =	sdelay $0x1  }
0x132: {  	v3 =	vadd.s32 v1, v3  }
.Ltmp5:
0x133: {  	_ = 	snop;
	(pc) =	sbr.rel .LBB2_4-.Ltmp5, $4  }
0x134: {  	_ = 	snop  }
0x135: {  	[tilespmem:s24], [sflag:$0x1] =	stream.indirect_vreg.gather [hbm4b:s3+s1], $0x80, v4, vm0, $0xb8;
	[tilespmem:$0x10100] =	vst v63  }
0x136: {  	_ = 	snop  }
0x137: {  	[tilespmem:s25], [sflag:$0x1] =	stream.indirect_vreg.gather [hbm4b:s3+s1], $0x80, v3, vm0, $0xb8;
	[tilespmem:$0x10100] =	vst v63  }
.LBB2_6:
0x138: {  	_ =	sfence.sel $0x180000  }
0x139: {  	[bflag:$0x0] =	sbarrier.arrive $0xFFFF  }
0x13a: {  	_ =	strace $0x9000004A  }
0x13b: {  	s0 =	stileid.u32;
	[bflag:$0x2] =	sbarrier.arrive $0xFFFF  }
0x13c: {  	p0 =	sne.s32 s0, $0x0;
	s0 =	rddreg [dreg:$0x1]  }
0x13d: {  	s0 =	sadd.s32 @!p0 $0x100000, s0  }
0x13e: {  	[sflag:s0] =	ssyncadd.tile.s32 @!p0 $0x1;
	_ =	shalt  }
.Lfunc_end2:
_tile_overlayer_lowered:
.L_overlay_start_2:
0x13f: {  	(tag) =	ssettag $0x2  }
0x140: {  	s0 =	rddreg [dreg:$0x0];
	s2 =	stileid.u32  }
0x141: {  	s1 =	rddreg [dreg:$0x1];
	p0 =	sne.s32 s2, $0x0  }
0x142: {  	s3 =	rddreg [dreg:$0x2];
	[bflag:$0x3] =	sbarrier.arrive $0xFFFF;
	s2 =	simm.s32 @!p0 $0x1C03  }
0x143: {  	[timem:s3], [sflag:s2] =	dma.local @!p0 [hbm:s0], s1  }
0x144: {  	s0 =	simm.s32 @!p0 $0x3  }
0x145: {  	_ =	swait.ge @!p0 [sflag:s0], s1  }
0x146: {  	s1 =	ssub.s32 @!p0 $0x0, s1;
	[sflag:s0] =	ssyncset.done @!p0 $0x0  }
0x147: {  	[sflag:s0] =	ssyncadd.s32 @!p0 s1  }
0x148: {  	[bflag:$0x3] =	sbarrier.arrive $0xFFFF  }
0x149: {  	_ =	shalt  }

</sc_bundles>
